<compile_context>
chip_gen: v7x
topology: tpu7x:2x2x1
jax: 0.10.2.dev20260603
libtpu: 0.0.44.dev20260713+nightly
codegen_flags: <defaults>
</compile_context>

<pallas_src>
import functools

import jax
import jax.numpy as jnp
from jax import lax
from jax.experimental import pallas as pl
from jax.experimental.pallas import tpu as pltpu
from jax.experimental.pallas import tpu_sc as plsc

_N = 512
_D = 64
_E = 16384
_OUT = 64

_NW = 32
_ROWS_PER_W = _N // _NW
_BR = 16
_NB = _N // _BR



def _adj_body(row_hbm, col_hbm, adj_hbm, row_v, col_v, slab_v):
    c = lax.axis_index("c")
    s = lax.axis_index("s")
    wid = s * 2 + c
    base = wid * _ROWS_PER_W

    pltpu.sync_copy(row_hbm, row_v)
    pltpu.sync_copy(col_hbm, col_v)

    def zero_row(i, carry):
        r = i // (_N // 16)
        c16 = (i % (_N // 16)) * 16
        slab_v[r, pl.ds(c16, 16)] = jnp.zeros((16,), jnp.float32)
        return carry

    lax.fori_loop(0, _ROWS_PER_W * (_N // 16), zero_row, 0)

    def edge(i, carry):
        d = row_v[pl.ds(i * 16, 16)]
        sv = col_v[pl.ds(i * 16, 16)]
        inr = (d >= base) & (d < base + _ROWS_PER_W)
        r = jnp.where(inr, d - base, 0)
        cidx = jnp.where(inr, sv, 0)
        flat = r * _N + cidx
        cnt, last = plsc.scan_count(flat, mask=inr)
        plsc.addupdate_scatter(
            slab_v, [r, cidx], cnt.astype(jnp.float32), mask=last & inr)
        return carry

    lax.fori_loop(0, _E // 16, edge, 0)

    pltpu.sync_copy(slab_v, adj_hbm.at[pl.ds(base, _ROWS_PER_W)])


def _build_adj(row_idx, col_idx):
    mesh = plsc.VectorSubcoreMesh(core_axis_name="c", subcore_axis_name="s")
    fn = functools.partial(
        pl.kernel,
        out_type=jax.ShapeDtypeStruct((_N, _N), jnp.float32),
        mesh=mesh,
        scratch_types=[
            pltpu.VMEM((_E,), jnp.int32),
            pltpu.VMEM((_E,), jnp.int32),
            pltpu.VMEM((_ROWS_PER_W, _N), jnp.float32),
        ],
        compiler_params=pltpu.CompilerParams(needs_layout_passes=False),
    )(_adj_body)
    return fn(row_idx, col_idx)



def _dot(a, b):
    return jax.lax.dot_general(a, b, (((1,), (0,)), ((), ())),
                               preferred_element_type=jnp.float32)


def _stats_body(xt_ref, w0t_ref, b0c_ref, xsum_ref, xlsum_ref, xdiag_ref,
                xps_ref):
    ib = pl.program_id(0)
    xt = xt_ref[...]

    @pl.when(ib == 0)
    def _():
        xsum_ref[...] = jnp.zeros_like(xsum_ref)
        xlsum_ref[...] = jnp.zeros_like(xlsum_ref)
        xdiag_ref[...] = jnp.zeros_like(xdiag_ref)
        xps_ref[...] = jnp.zeros_like(xps_ref)

    xsum_ref[...] += xt.sum(axis=0)
    w0t = w0t_ref[...]
    b0c = b0c_ref[...]
    lane = jax.lax.broadcasted_iota(jnp.int32, (1, _N), 1)
    acc = jnp.zeros((_D, _N), jnp.float32)
    dacc = jnp.zeros((_D, _N), jnp.float32)
    pacc = jnp.zeros((_D, _N), jnp.float32)
    for b in range(_BR):
        i = ib * _BR + b
        xtb = xt[b]
        acc += jnp.maximum(_dot(w0t, xtb) + b0c, 0.0)
        onehot = lane == i
        dacc += jnp.where(onehot, xtb, 0.0)
        pacc += jnp.where(onehot, jnp.mean(xtb, axis=1, keepdims=True), 0.0)
    xlsum_ref[...] += acc
    xdiag_ref[...] += dacc
    xps_ref[...] += pacc


def _run_stats(xt, w0t, b0c):
    return pl.pallas_call(
        _stats_body,
        grid=(_NB,),
        in_specs=[
            pl.BlockSpec((_BR, _D, _N), lambda i: (i, 0, 0)),
            pl.BlockSpec((_D, _D), lambda i: (0, 0)),
            pl.BlockSpec((_D, 1), lambda i: (0, 0)),
        ],
        out_specs=[
            pl.BlockSpec((_D, _N), lambda i: (0, 0)),
            pl.BlockSpec((_D, _N), lambda i: (0, 0)),
            pl.BlockSpec((_D, _N), lambda i: (0, 0)),
            pl.BlockSpec((_D, _N), lambda i: (0, 0)),
        ],
        out_shape=[
            jax.ShapeDtypeStruct((_D, _N), jnp.float32),
            jax.ShapeDtypeStruct((_D, _N), jnp.float32),
            jax.ShapeDtypeStruct((_D, _N), jnp.float32),
            jax.ShapeDtypeStruct((_D, _N), jnp.float32),
        ],
    )(xt, w0t, b0c)



def _main_body(xt_ref, adjt_ref, w0t_ref, b0c_ref, wd0t_ref,
               bd0c_ref, wd1t_ref, bd1c_ref, w1t_ref, b1c_ref, xsum_ref,
               xlsum_ref, xdiag_ref, xps_ref, o_ref, rmat_ref, cmat_ref,
               dvec_ref, w0a1_ref, a4b4_ref, adjbt_ref):
    ib = pl.program_id(0)

    @pl.when(ib == 0)
    def _():
        w1t = w1t_ref[...]
        aall = w1t @ wd0t_ref[...]
        ball = w1t @ wd1t_ref[...]
        bvec = w1t @ bd0c_ref[...] + b1c_ref[...]
        bdiag = w1t @ bd1c_ref[...] + b1c_ref[...]
        w0a1_ref[...] = jnp.concatenate(
            [w0t_ref[...], aall[:, 0:64]], axis=0).astype(jnp.bfloat16)
        a4b4_ref[...] = jnp.concatenate(
            [aall[:, 192:256], ball[:, 192:256]], axis=0).astype(jnp.bfloat16)
        adjbt = adjt_ref[...].astype(jnp.bfloat16)
        adjbt_ref[...] = adjbt

        inv_n = 1.0 / _N
        xpn = xsum_ref[...] * inv_n
        xlpn = xlsum_ref[...] * inv_n
        xdiag = xdiag_ref[...]
        xps = xps_ref[...]
        x4pn = _dot(xlpn.astype(jnp.bfloat16), adjbt)
        b123 = ball[:, 0:64] + ball[:, 64:128] + ball[:, 128:192]
        rmat_ref[...] = (aall[:, 128:192] @ xdiag + aall[:, 256:320] @ xpn
                         + aall[:, 384:448] @ x4pn)
        cmat_ref[...] = (aall[:, 64:128] @ xdiag + aall[:, 320:384] @ xps
                         + bvec)
        dvec_ref[...] = (b123 @ xdiag + ball[:, 256:320] @ xpn
                         + ball[:, 320:384] @ xps + ball[:, 384:448] @ x4pn
                         + bdiag)

    adjbt = adjbt_ref[...]
    cmat = cmat_ref[...]
    rmat = rmat_ref[...]
    dvec = dvec_ref[...]
    w0a1 = w0a1_ref[...]
    a4b4 = a4b4_ref[...]
    b0c = b0c_ref[...]
    lane = jax.lax.broadcasted_iota(jnp.int32, (1, _N), 1)

    for b in range(_BR):
        i = ib * _BR + b
        xtb = xt_ref[b].astype(jnp.bfloat16)
        t1 = _dot(w0a1, xtb)
        xlt = jnp.maximum(t1[0:_D] + b0c, 0.0)
        oat = t1[_D:]
        t2 = _dot(a4b4, xlt.astype(jnp.bfloat16))
        x4d = _dot(t2.astype(jnp.bfloat16), adjbt)
        x4t = x4d[0:_OUT]
        onehot = lane == i
        rcol = jnp.sum(jnp.where(onehot, rmat, 0.0), axis=1, keepdims=True)
        dcol = jnp.sum(jnp.where(onehot, dvec, 0.0), axis=1, keepdims=True)
        odcol = dcol + jnp.sum(jnp.where(onehot, x4d[_OUT:], 0.0), axis=1,
                               keepdims=True)
        ot = oat + x4t + rcol + cmat
        o_ref[b] = jnp.where(onehot, jnp.maximum(odcol, 0.0),
                             jnp.maximum(ot, 0.0))


def _run_main(xt, adjt, w0t, b0c, wd0t, bd0c, wd1t, bd1c, w1t, b1c, xsum,
              xlsum, xdiag, xps):
    const = lambda i: (0, 0)
    return pl.pallas_call(
        _main_body,
        grid=(_NB,),
        in_specs=[
            pl.BlockSpec((_BR, _D, _N), lambda i: (i, 0, 0)),
            pl.BlockSpec((_N, _N), const),
            pl.BlockSpec((_D, _D), const),
            pl.BlockSpec((_D, 1), const),
            pl.BlockSpec((_D, 7 * _D), const),
            pl.BlockSpec((_D, 1), const),
            pl.BlockSpec((_D, 7 * _D), const),
            pl.BlockSpec((_D, 1), const),
            pl.BlockSpec((_OUT, _D), const),
            pl.BlockSpec((_OUT, 1), const),
            pl.BlockSpec((_D, _N), const),
            pl.BlockSpec((_D, _N), const),
            pl.BlockSpec((_D, _N), const),
            pl.BlockSpec((_D, _N), const),
        ],
        out_specs=pl.BlockSpec((_BR, _OUT, _N), lambda i: (i, 0, 0)),
        out_shape=jax.ShapeDtypeStruct((_N, _OUT, _N), jnp.float32),
        scratch_shapes=[
            pltpu.VMEM((_OUT, _N), jnp.float32),
            pltpu.VMEM((_OUT, _N), jnp.float32),
            pltpu.VMEM((_OUT, _N), jnp.float32),
            pltpu.VMEM((2 * _D, _D), jnp.bfloat16),
            pltpu.VMEM((2 * _OUT, _D), jnp.bfloat16),
            pltpu.VMEM((_N, _N), jnp.bfloat16),
        ],
    )(xt, adjt, w0t, b0c, wd0t, bd0c, wd1t, bd1c, w1t, b1c, xsum,
      xlsum, xdiag, xps)



@jax.jit
def kernel(X, A, W0, b0, Wd0, bd0, Wd1, bd1, W1, b1):
    xt = jnp.transpose(X, (0, 2, 1))
    adjt = _build_adj(A[0], A[1])
    w0t = W0.T
    b0c = b0.reshape(_D, 1)
    xsum, xlsum, xdiag, xps = _run_stats(xt, w0t, b0c)
    ot = _run_main(xt, adjt, w0t, b0c, Wd0.T, bd0.reshape(_D, 1), Wd1.T,
                   bd1.reshape(_D, 1), W1.T, b1.reshape(_OUT, 1), xsum,
                   xlsum, xdiag, xps)
    return jnp.transpose(ot, (0, 2, 1))

# --- scband reference (transcript-rebuilt; emitter-appended) ---
"""Pipeline reference for scband-sunconv-23184233463964 (READ-ONLY COPY).

The authoritative reference and input builder live on the scoring server;
editing this copy changes nothing except your own understanding.
"""

import jax, jax.numpy as jnp
import numpy as np

N = 512
D = 64
E = 16384
OUT = 64


def setup_inputs(seed: int = 0) -> dict:
    key = jax.random.key(seed)
    ks = jax.random.split(key, 8)
    X = jax.random.normal(ks[0], (N, N, D), dtype=jnp.float32)
    A = jax.random.randint(ks[1], (2, E), 0, N, dtype=jnp.int32)
    s = 1.0 / np.sqrt(D)
    s7 = 1.0 / np.sqrt(7 * D)
    W0 = jax.random.normal(ks[2], (D, D), dtype=jnp.float32) * s
    b0 = jnp.zeros((D,), dtype=jnp.float32)
    Wd0 = jax.random.normal(ks[3], (7 * D, D), dtype=jnp.float32) * s7
    bd0 = jnp.zeros((D,), dtype=jnp.float32)
    Wd1 = jax.random.normal(ks[4], (7 * D, D), dtype=jnp.float32) * s7
    bd1 = jnp.zeros((D,), dtype=jnp.float32)
    W1 = jax.random.normal(ks[5], (D, OUT), dtype=jnp.float32) * s
    b1 = jnp.zeros((OUT,), dtype=jnp.float32)
    return {"X": X, "A": A, "W0": W0, "b0": b0, "Wd0": Wd0, "bd0": bd0,
            "Wd1": Wd1, "bd1": bd1, "W1": W1, "b1": b1}


def reference(X, A, W0, b0, Wd0, bd0, Wd1, bd1, W1, b1):
    n = X.shape[0]
    src, dst = A[0], A[1]
    # dense adjacency built from edge list via scatter-add (mode 'DD')
    Adj = jnp.zeros((n, n), dtype=X.dtype).at[dst, src].add(1.0)
    # lin0: MLP(indim, indim) applied tuplewise (Linear + ReLU)
    Xl = jax.nn.relu(X @ W0 + b0)
    # OpMessagePassingOnSubg2D: within each subgraph i, aggr='sum' over neighbors of node j
    X4 = jnp.einsum('jk,ikd->ijd', Adj, Xl)
    idx = jnp.arange(n)
    # OpDiag2D: Xdiag[i] = X[i, i]
    Xdiag = X[idx, idx, :]
    X1 = X
    # OpUnpoolingSubgNodes2D(Xdiag): broadcast node-level vec over node dim j
    X2 = jnp.broadcast_to(Xdiag[None, :, :], X.shape)
    # OpUnpoolingRootNodes2D(Xdiag): broadcast over root dim i
    X3 = jnp.broadcast_to(Xdiag[:, None, :], X.shape)
    # OpPoolingCrossSubg2D (mean over root dim) then unpool by root index
    Xpn = jnp.mean(X, axis=0)
    X5 = jnp.broadcast_to(Xpn[:, None, :], X.shape)
    # OpPoolingSubg2D (mean over node dim) then unpool by node index
    Xps = jnp.mean(X, axis=1)
    X6 = jnp.broadcast_to(Xps[None, :, :], X.shape)
    # pool2node(X4) then unpool by root index
    X4pn = jnp.mean(X4, axis=0)
    X7 = jnp.broadcast_to(X4pn[:, None, :], X.shape)
    Xcat = jnp.concatenate([X1, X2, X3, X4, X5, X6, X7], axis=-1)
    # diagonalapply: lin1_0_0 off-diagonal, lin1_0_1 on-diagonal
    Yoff = Xcat @ Wd0 + bd0
    Ydiag = Xcat @ Wd1 + bd1
    mask = jnp.eye(n, dtype=bool)[:, :, None]
    Y = jnp.where(mask, Ydiag, Yoff)
    # lin1_1: MLP(indim, outdim) tuplewise (Linear + ReLU)
    out = jax.nn.relu(Y @ W1 + b1)
    return out

if __name__ == "__main__":
    import jax
    _d = setup_inputs()
    print(jax.jit(kernel)(*tuple(_d.values())))

</pallas_src>

<mosaic_0001>
#map = affine_map<(d0, d1) -> (0)>
#map1 = affine_map<(d0, d1) -> (0, 0)>
module attributes {stable_mosaic.version = 14 : i64} {
  func.func @_adj_body(%arg0: i32, %arg1: i32, %arg2: memref<16384xi32, #tpu.memory_space<hbm>>, %arg3: memref<16384xi32, #tpu.memory_space<hbm>>, %arg4: memref<512x512xf32, #tpu.memory_space<hbm>>, %arg5: memref<16384xi32, #tpu.memory_space<vmem>>, %arg6: memref<16384xi32, #tpu.memory_space<vmem>>, %arg7: memref<16x512xf32, #tpu.memory_space<vmem>>) attributes {dimension_semantics = [#tpu.dimension_semantics<core_parallel>, #tpu.dimension_semantics<subcore_parallel>], iteration_bounds = array<i64: 2, 16>, scalar_prefetch = 0 : i64, scratch_operands = 3 : i64, tpu.core_type = #tpu.core_type<sc_vector_subcore>, window_params = [{transform_indices = #map}, {transform_indices = #map}, {transform_indices = #map1}]} {
    %mul3A = arith.constant 2 : i32
    %mul3A_0 = arith.muli %arg1, %mul3A : i32
    %add3A = arith.addi %mul3A_0, %arg0 : i32
    %mul3A_1 = arith.constant 16 : i32
    %mul3A_2 = arith.muli %add3A, %mul3A_1 : i32
    "tpu.region"() ({
      %run_scoped3A = tpu.sem_alloc : memref<!tpu.dma_semaphore, #tpu.memory_space<semaphore_mem>>
      tpu.enqueue_dma source(%arg2 : memref<16384xi32, #tpu.memory_space<hbm>>) target(%arg5 : memref<16384xi32, #tpu.memory_space<vmem>>) target_semaphore(%run_scoped3A : memref<!tpu.dma_semaphore, #tpu.memory_space<semaphore_mem>>)
      tpu.wait_dma2 semaphore(%run_scoped3A : memref<!tpu.dma_semaphore, #tpu.memory_space<semaphore_mem>>) src(%arg2 : memref<16384xi32, #tpu.memory_space<hbm>>) dst(%arg5 : memref<16384xi32, #tpu.memory_space<vmem>>)
      tpu.yield
    }) : () -> ()
    "tpu.region"() ({
      %run_scoped3A = tpu.sem_alloc : memref<!tpu.dma_semaphore, #tpu.memory_space<semaphore_mem>>
      tpu.enqueue_dma source(%arg3 : memref<16384xi32, #tpu.memory_space<hbm>>) target(%arg6 : memref<16384xi32, #tpu.memory_space<vmem>>) target_semaphore(%run_scoped3A : memref<!tpu.dma_semaphore, #tpu.memory_space<semaphore_mem>>)
      tpu.wait_dma2 semaphore(%run_scoped3A : memref<!tpu.dma_semaphore, #tpu.memory_space<semaphore_mem>>) src(%arg3 : memref<16384xi32, #tpu.memory_space<hbm>>) dst(%arg6 : memref<16384xi32, #tpu.memory_space<vmem>>)
      tpu.yield
    }) : () -> ()
    %scan3A = arith.constant 0 : i32
    %scan3A_3 = arith.constant 0 : i32
    %scan3A_4 = arith.constant 512 : i32
    %scan3A_5 = arith.addi %scan3A_3, %scan3A_4 : i32
    %scan3A_6 = arith.constant 1 : i32
    scf.for %scan3A_14 = %scan3A_3 to %scan3A_5 step %scan3A_6  : i32 {
      %jit3A = arith.constant 32 : i32
      %div3A = arith.divsi %scan3A_14, %jit3A : i32
      %sign3A = arith.constant 0 : i32
      %sign3A_15 = arith.cmpi sgt, %scan3A_14, %sign3A : i32
      %sign3A_16 = arith.extui %sign3A_15 : i1 to i32
      %sign3A_17 = arith.constant 0 : i32
      %sign3A_18 = arith.cmpi slt, %scan3A_14, %sign3A_17 : i32
      %sign3A_19 = arith.extui %sign3A_18 : i1 to i32
      %sign3A_20 = arith.subi %sign3A_16, %sign3A_19 : i32
      %sign3A_21 = arith.constant 0 : i32
      %sign3A_22 = arith.cmpi sgt, %jit3A, %sign3A_21 : i32
      %sign3A_23 = arith.extui %sign3A_22 : i1 to i32
      %sign3A_24 = arith.constant 0 : i32
      %sign3A_25 = arith.cmpi slt, %jit3A, %sign3A_24 : i32
      %sign3A_26 = arith.extui %sign3A_25 : i1 to i32
      %sign3A_27 = arith.subi %sign3A_23, %sign3A_26 : i32
      %ne3A = arith.cmpi ne, %sign3A_20, %sign3A_27 : i32
      %rem3A = arith.remsi %scan3A_14, %jit3A : i32
      %ne3A_28 = arith.constant 0 : i32
      %ne3A_29 = arith.cmpi ne, %rem3A, %ne3A_28 : i32
      %and3A = arith.andi %ne3A, %ne3A_29 : i1
      %sub3A = arith.constant 1 : i32
      %sub3A_30 = arith.subi %div3A, %sub3A : i32
      %select_n3A = arith.select %and3A, %sub3A_30, %div3A : i32
      %jit3A_31 = arith.constant 32 : i32
      %eq3A = arith.constant 0 : i32
      %eq3A_32 = arith.cmpi eq, %jit3A_31, %eq3A : i32
      %jit3A_33 = arith.constant 1 : i32
      %select_n3A_34 = arith.select %eq3A_32, %jit3A_33, %jit3A_31 : i32
      %rem3A_35 = arith.remsi %scan3A_14, %select_n3A_34 : i32
      %ne3A_36 = arith.constant 0 : i32
      %ne3A_37 = arith.cmpi ne, %rem3A_35, %ne3A_36 : i32
      %lt3A = arith.constant 0 : i32
      %lt3A_38 = arith.cmpi slt, %rem3A_35, %lt3A : i32
      %lt3A_39 = arith.constant 0 : i32
      %lt3A_40 = arith.cmpi slt, %select_n3A_34, %lt3A_39 : i32
      %ne3A_41 = arith.xori %lt3A_38, %lt3A_40 : i1
      %and3A_42 = arith.andi %ne3A_41, %ne3A_37 : i1
      %add3A_43 = arith.addi %rem3A_35, %select_n3A_34 : i32
      %select_n3A_44 = arith.select %and3A_42, %add3A_43, %rem3A_35 : i32
      %mul3A_45 = arith.constant 16 : i32
      %mul3A_46 = arith.muli %select_n3A_44, %mul3A_45 : i32
      %broadcast_in_dim3A = arith.constant 0.000000e+00 : f32
      %broadcast_in_dim3A_47 = vector.broadcast %broadcast_in_dim3A : f32 to vector<16xf32>
      %swap3A = arith.index_cast %select_n3A : i32 to index
      %swap3A_48 = arith.index_cast %mul3A_46 : i32 to index
      %swap3A_49 = tpu.vector_load %arg7[%swap3A, %swap3A_48] {strides = array<i32>} : memref<16x512xf32, #tpu.memory_space<vmem>>, vector<16xf32>,
      tpu.vector_store %arg7[%swap3A, %swap3A_48], %broadcast_in_dim3A_47 {strides = array<i32>} : memref<16x512xf32, #tpu.memory_space<vmem>>, vector<16xf32>,
    }
    %scan3A_7 = arith.constant 512 : i32
    %scan3A_8 = arith.constant 0 : i32
    %scan3A_9 = arith.constant 0 : i32
    %scan3A_10 = arith.constant 1024 : i32
    %scan3A_11 = arith.addi %scan3A_9, %scan3A_10 : i32
    %scan3A_12 = arith.constant 1 : i32
    scf.for %scan3A_14 = %scan3A_9 to %scan3A_11 step %scan3A_12  : i32 {
      %mul3A_15 = arith.constant 16 : i32
      %mul3A_16 = arith.muli %scan3A_14, %mul3A_15 : i32
      %get3A = arith.index_cast %mul3A_16 : i32 to index
      %get3A_17 = tpu.vector_load %arg5[%get3A] {strides = array<i32>} : memref<16384xi32, #tpu.memory_space<vmem>>, vector<16xi32>,
      %mul3A_18 = arith.constant 16 : i32
      %mul3A_19 = arith.muli %scan3A_14, %mul3A_18 : i32
      %get3A_20 = arith.index_cast %mul3A_19 : i32 to index
      %get3A_21 = tpu.vector_load %arg6[%get3A_20] {strides = array<i32>} : memref<16384xi32, #tpu.memory_space<vmem>>, vector<16xi32>,
      %ge3A = vector.broadcast %mul3A_2 : i32 to vector<16xi32>
      %ge3A_22 = arith.cmpi sge, %get3A_17, %ge3A : vector<16xi32>
      %add3A_23 = arith.constant 16 : i32
      %add3A_24 = arith.addi %mul3A_2, %add3A_23 : i32
      %lt3A = vector.broadcast %add3A_24 : i32 to vector<16xi32>
      %lt3A_25 = arith.cmpi slt, %get3A_17, %lt3A : vector<16xi32>
      %and3A = arith.andi %ge3A_22, %lt3A_25 : vector<16xi1>
      %sub3A = vector.broadcast %mul3A_2 : i32 to vector<16xi32>
      %sub3A_26 = arith.subi %get3A_17, %sub3A : vector<16xi32>
      %jit3A = arith.constant 0 : i32
      %broadcast_in_dim3A = vector.broadcast %jit3A : i32 to vector<16xi32>
      %select_n3A = arith.select %and3A, %sub3A_26, %broadcast_in_dim3A : vector<16xi1>, vector<16xi32>
      %jit3A_27 = arith.constant 0 : i32
      %broadcast_in_dim3A_28 = vector.broadcast %jit3A_27 : i32 to vector<16xi32>
      %select_n3A_29 = arith.select %and3A, %get3A_21, %broadcast_in_dim3A_28 : vector<16xi1>, vector<16xi32>
      %mul3A_30 = arith.constant 512 : i32
      %mul3A_31 = vector.broadcast %mul3A_30 : i32 to vector<16xi32>
      %mul3A_32 = arith.muli %select_n3A, %mul3A_31 : vector<16xi32>
      %add3A_33 = arith.addi %mul3A_32, %select_n3A_29 : vector<16xi32>
      %unique3A, %unique3A_34 = tpu.scan_count mask(%and3A : vector<16xi1>) value(%add3A_33 : vector<16xi32>) : vector<16xi1>, vector<16xi32>
      %convert_element_type3A = arith.sitofp %unique3A_34 : vector<16xi32> to vector<16xf32>
      %and3A_35 = arith.andi %unique3A, %and3A : vector<16xi1>
      tpu.vector_store_idx %arg7[%select_n3A, %select_n3A_29], %convert_element_type3A masked %and3A_35 {add = true} : memref<16x512xf32, #tpu.memory_space<vmem>>[vector<16xi32>, vector<16xi32>], vector<16xf32>, vector<16xi1>
    }
    %scan3A_13 = arith.constant 1024 : i32
    "tpu.region"() ({
      %run_scoped3A = tpu.sem_alloc : memref<!tpu.dma_semaphore, #tpu.memory_space<semaphore_mem>>
      %dma_start3A = arith.constant 0 : i32
      %dma_start3A_14 = tpu.memref_slice %arg4[%mul3A_2, %dma_start3A] : memref<512x512xf32, #tpu.memory_space<hbm>> -> memref<16x512xf32, #tpu.memory_space<hbm>>
      %dma_start3A_15 = arith.constant 0 : i32
      %dma_start3A_16 = tpu.memref_slice %arg4[%mul3A_2, %dma_start3A_15] : memref<512x512xf32, #tpu.memory_space<hbm>> -> memref<16x512xf32, #tpu.memory_space<hbm>>
      tpu.enqueue_dma source(%arg7 : memref<16x512xf32, #tpu.memory_space<vmem>>) target(%dma_start3A_16 : memref<16x512xf32, #tpu.memory_space<hbm>>) target_semaphore(%run_scoped3A : memref<!tpu.dma_semaphore, #tpu.memory_space<semaphore_mem>>)
      %dma_wait3A = arith.constant 0 : i32
      %dma_wait3A_17 = tpu.memref_slice %arg4[%mul3A_2, %dma_wait3A] : memref<512x512xf32, #tpu.memory_space<hbm>> -> memref<16x512xf32, #tpu.memory_space<hbm>>
      %dma_wait3A_18 = arith.constant 0 : i32
      %dma_wait3A_19 = tpu.memref_slice %arg4[%mul3A_2, %dma_wait3A_18] : memref<512x512xf32, #tpu.memory_space<hbm>> -> memref<16x512xf32, #tpu.memory_space<hbm>>
      tpu.wait_dma2 semaphore(%run_scoped3A : memref<!tpu.dma_semaphore, #tpu.memory_space<semaphore_mem>>) src(%arg7 : memref<16x512xf32, #tpu.memory_space<vmem>>) dst(%dma_wait3A_19 : memref<16x512xf32, #tpu.memory_space<hbm>>)
      tpu.yield
    }) : () -> ()
    return
  }
}

module attributes {stable_mosaic.version = 14 : i64} {
  func.func @_stats_body(%arg0: i32, %arg1: memref<16x64x512xf32, #tpu.memory_space<vmem>>, %arg2: memref<64x64xf32, #tpu.memory_space<vmem>>, %arg3: memref<64x1xf32, #tpu.memory_space<vmem>>, %arg4: memref<64x512xf32, #tpu.memory_space<vmem>>, %arg5: memref<64x512xf32, #tpu.memory_space<vmem>>, %arg6: memref<64x512xf32, #tpu.memory_space<vmem>>, %arg7: memref<64x512xf32, #tpu.memory_space<vmem>>) attributes {dimension_semantics = [#tpu.dimension_semantics<arbitrary>], iteration_bounds = array<i64: 32>, scalar_prefetch = 0 : i64, scratch_operands = 0 : i64, tpu.core_type = #tpu.core_type<tc>, window_params = [{transform_indices = @transform_0, window_bounds = array<i64: 16, 64, 512>}, {pipeline_mode = #tpu.pipeline_mode<synchronous>, transform_indices = @transform_1, window_bounds = array<i64: 64, 64>}, {pipeline_mode = #tpu.pipeline_mode<synchronous>, transform_indices = @transform_2, window_bounds = array<i64: 64, 1>}, {pipeline_mode = #tpu.pipeline_mode<synchronous>, transform_indices = @transform_3, window_bounds = array<i64: 64, 512>}, {pipeline_mode = #tpu.pipeline_mode<synchronous>, transform_indices = @transform_4, window_bounds = array<i64: 64, 512>}, {pipeline_mode = #tpu.pipeline_mode<synchronous>, transform_indices = @transform_5, window_bounds = array<i64: 64, 512>}, {pipeline_mode = #tpu.pipeline_mode<synchronous>, transform_indices = @transform_6, window_bounds = array<i64: 64, 512>}]} {
    %get3A = arith.constant 0 : index
    %get3A_0 = arith.constant 0 : index
    %get3A_1 = arith.constant 0 : index
    %get3A_2 = vector.load %arg1[%get3A, %get3A_0, %get3A_1] : memref<16x64x512xf32, #tpu.memory_space<vmem>>, vector<16x64x512xf32>
    %eq3A = arith.constant 0 : i32
    %eq3A_3 = arith.cmpi eq, %arg0, %eq3A : i32
    %convert_element_type3A = arith.extui %eq3A_3 : i1 to i32
    %cond3A = arith.constant 0 : i32
    %cond3A_4 = arith.cmpi ne, %convert_element_type3A, %cond3A : i32
    scf.if %cond3A_4 {
      %broadcast_in_dim3A_611 = arith.constant 0.000000e+00 : f32
      %broadcast_in_dim3A_612 = vector.broadcast %broadcast_in_dim3A_611 : f32 to vector<64x512xf32>
      %swap3A_613 = arith.constant 0 : index
      %swap3A_614 = arith.constant 0 : index
      %swap3A_615 = vector.load %arg4[%swap3A_613, %swap3A_614] : memref<64x512xf32, #tpu.memory_space<vmem>>, vector<64x512xf32>
      tpu.vector_store %arg4[%swap3A_613, %swap3A_614], %broadcast_in_dim3A_612 {strides = array<i32>} : memref<64x512xf32, #tpu.memory_space<vmem>>, vector<64x512xf32>,
      %broadcast_in_dim3A_616 = arith.constant 0.000000e+00 : f32
      %broadcast_in_dim3A_617 = vector.broadcast %broadcast_in_dim3A_616 : f32 to vector<64x512xf32>
      %swap3A_618 = arith.constant 0 : index
      %swap3A_619 = arith.constant 0 : index
      %swap3A_620 = vector.load %arg5[%swap3A_618, %swap3A_619] : memref<64x512xf32, #tpu.memory_space<vmem>>, vector<64x512xf32>
      tpu.vector_store %arg5[%swap3A_618, %swap3A_619], %broadcast_in_dim3A_617 {strides = array<i32>} : memref<64x512xf32, #tpu.memory_space<vmem>>, vector<64x512xf32>,
      %broadcast_in_dim3A_621 = arith.constant 0.000000e+00 : f32
      %broadcast_in_dim3A_622 = vector.broadcast %broadcast_in_dim3A_621 : f32 to vector<64x512xf32>
      %swap3A_623 = arith.constant 0 : index
      %swap3A_624 = arith.constant 0 : index
      %swap3A_625 = vector.load %arg6[%swap3A_623, %swap3A_624] : memref<64x512xf32, #tpu.memory_space<vmem>>, vector<64x512xf32>
      tpu.vector_store %arg6[%swap3A_623, %swap3A_624], %broadcast_in_dim3A_622 {strides = array<i32>} : memref<64x512xf32, #tpu.memory_space<vmem>>, vector<64x512xf32>,
      %broadcast_in_dim3A_626 = arith.constant 0.000000e+00 : f32
      %broadcast_in_dim3A_627 = vector.broadcast %broadcast_in_dim3A_626 : f32 to vector<64x512xf32>
      %swap3A_628 = arith.constant 0 : index
      %swap3A_629 = arith.constant 0 : index
      %swap3A_630 = vector.load %arg7[%swap3A_628, %swap3A_629] : memref<64x512xf32, #tpu.memory_space<vmem>>, vector<64x512xf32>
      tpu.vector_store %arg7[%swap3A_628, %swap3A_629], %broadcast_in_dim3A_627 {strides = array<i32>} : memref<64x512xf32, #tpu.memory_space<vmem>>, vector<64x512xf32>,
    } else {
    }
    %get3A_5 = arith.constant 0 : index
    %get3A_6 = arith.constant 0 : index
    %get3A_7 = vector.load %arg4[%get3A_5, %get3A_6] : memref<64x512xf32, #tpu.memory_space<vmem>>, vector<64x512xf32>
    %reduce_sum3A = arith.constant dense<0.000000e+00> : vector<64x512xf32>
    %reduce_sum3A_8 = vector.multi_reduction <add>, %get3A_2, %reduce_sum3A [0] : vector<16x64x512xf32> to vector<64x512xf32>
    %add3A = arith.addf %get3A_7, %reduce_sum3A_8 : vector<64x512xf32>
    %swap3A = arith.constant 0 : index
    %swap3A_9 = arith.constant 0 : index
    %swap3A_10 = vector.load %arg4[%swap3A, %swap3A_9] : memref<64x512xf32, #tpu.memory_space<vmem>>, vector<64x512xf32>
    tpu.vector_store %arg4[%swap3A, %swap3A_9], %add3A {strides = array<i32>} : memref<64x512xf32, #tpu.memory_space<vmem>>, vector<64x512xf32>,
    %get3A_11 = arith.constant 0 : index
    %get3A_12 = arith.constant 0 : index
    %get3A_13 = vector.load %arg2[%get3A_11, %get3A_12] : memref<64x64xf32, #tpu.memory_space<vmem>>, vector<64x64xf32>
    %get3A_14 = arith.constant 0 : index
    %get3A_15 = arith.constant 0 : index
    %get3A_16 = vector.load %arg3[%get3A_14, %get3A_15] : memref<64x1xf32, #tpu.memory_space<vmem>>, vector<64x1xf32>
    %iota3A = tpu.iota {dimensions = array<i32: 1>} : vector<1x512xi32>
    %broadcast_in_dim3A = arith.constant 0.000000e+00 : f32
    %broadcast_in_dim3A_17 = vector.broadcast %broadcast_in_dim3A : f32 to vector<64x512xf32>
    %broadcast_in_dim3A_18 = arith.constant 0.000000e+00 : f32
    %broadcast_in_dim3A_19 = vector.broadcast %broadcast_in_dim3A_18 : f32 to vector<64x512xf32>
    %broadcast_in_dim3A_20 = arith.constant 0.000000e+00 : f32
    %broadcast_in_dim3A_21 = vector.broadcast %broadcast_in_dim3A_20 : f32 to vector<64x512xf32>
    %mul3A = arith.constant 16 : i32
    %mul3A_22 = arith.muli %arg0, %mul3A : i32
    %add3A_23 = arith.constant 0 : i32
    %add3A_24 = arith.addi %mul3A_22, %add3A_23 : i32
    %slice3A = vector.extract_strided_slice %get3A_2 {offsets = [0, 0, 0], sizes = [1, 64, 512], strides = [1, 1, 1]} : vector<16x64x512xf32> to vector<1x64x512xf32>
    %squeeze3A = vector.shape_cast %slice3A : vector<1x64x512xf32> to vector<64x512xf32>
    %dot_general3A = arith.constant dense<0.000000e+00> : vector<64x512xf32>
    %dot_general3A_25 = tpu.matmul %get3A_13, %squeeze3A, %dot_general3A {dimension_numbers = #tpu.dot_dimension_numbers<[1], [0], [0], [1], [0, 0, 1, 1], [], []>, transpose_lhs_hint = false} : vector<64x64xf32>, vector<64x512xf32>, vector<64x512xf32> -> vector<64x512xf32>
    %add3A_26 = vector.broadcast %get3A_16 : vector<64x1xf32> to vector<64x512xf32>
    %add3A_27 = arith.addf %dot_general3A_25, %add3A_26 : vector<64x512xf32>
    %max3A = arith.constant 0.000000e+00 : f32
    %max3A_28 = vector.broadcast %max3A : f32 to vector<64x512xf32>
    %max3A_29 = arith.maximumf %add3A_27, %max3A_28 : vector<64x512xf32>
    %add3A_30 = arith.addf %broadcast_in_dim3A_17, %max3A_29 : vector<64x512xf32>
    %eq3A_31 = vector.broadcast %add3A_24 : i32 to vector<1x512xi32>
    %eq3A_32 = arith.cmpi eq, %iota3A, %eq3A_31 : vector<1x512xi32>
    %jit3A = arith.constant 0.000000e+00 : f32
    %broadcast_in_dim3A_33 = vector.shape_cast %eq3A_32 : vector<1x512xi1> to vector<1x512xi1>
    %broadcast_in_dim3A_34 = vector.broadcast %broadcast_in_dim3A_33 : vector<1x512xi1> to vector<64x512xi1>
    %broadcast_in_dim3A_35 = vector.broadcast %jit3A : f32 to vector<64x512xf32>
    %select_n3A = arith.select %broadcast_in_dim3A_34, %squeeze3A, %broadcast_in_dim3A_35 : vector<64x512xi1>, vector<64x512xf32>
    %add3A_36 = arith.addf %broadcast_in_dim3A_19, %select_n3A : vector<64x512xf32>
    %reduce_sum3A_37 = arith.constant dense<0.000000e+00> : vector<64xf32>
    %reduce_sum3A_38 = vector.multi_reduction <add>, %squeeze3A, %reduce_sum3A_37 [1] : vector<64x512xf32> to vector<64xf32>
    %broadcast_in_dim3A_39 = vector.shape_cast %reduce_sum3A_38 : vector<64xf32> to vector<64x1xf32>
    %div3A = arith.constant 5.120000e+02 : f32
    %div3A_40 = vector.broadcast %div3A : f32 to vector<64x1xf32>
    %div3A_41 = arith.divf %broadcast_in_dim3A_39, %div3A_40 : vector<64x1xf32>
    %jit3A_42 = arith.constant 0.000000e+00 : f32
    %broadcast_in_dim3A_43 = vector.shape_cast %eq3A_32 : vector<1x512xi1> to vector<1x512xi1>
    %broadcast_in_dim3A_44 = vector.broadcast %broadcast_in_dim3A_43 : vector<1x512xi1> to vector<64x512xi1>
    %broadcast_in_dim3A_45 = vector.shape_cast %div3A_41 : vector<64x1xf32> to vector<64x1xf32>
    %broadcast_in_dim3A_46 = vector.broadcast %broadcast_in_dim3A_45 : vector<64x1xf32> to vector<64x512xf32>
    %broadcast_in_dim3A_47 = vector.broadcast %jit3A_42 : f32 to vector<64x512xf32>
    %select_n3A_48 = arith.select %broadcast_in_dim3A_44, %broadcast_in_dim3A_46, %broadcast_in_dim3A_47 : vector<64x512xi1>, vector<64x512xf32>
    %add3A_49 = arith.addf %broadcast_in_dim3A_21, %select_n3A_48 : vector<64x512xf32>
    %mul3A_50 = arith.constant 16 : i32
    %mul3A_51 = arith.muli %arg0, %mul3A_50 : i32
    %add3A_52 = arith.constant 1 : i32
    %add3A_53 = arith.addi %mul3A_51, %add3A_52 : i32
    %slice3A_54 = vector.extract_strided_slice %get3A_2 {offsets = [1, 0, 0], sizes = [1, 64, 512], strides = [1, 1, 1]} : vector<16x64x512xf32> to vector<1x64x512xf32>
    %squeeze3A_55 = vector.shape_cast %slice3A_54 : vector<1x64x512xf32> to vector<64x512xf32>
    %dot_general3A_56 = arith.constant dense<0.000000e+00> : vector<64x512xf32>
    %dot_general3A_57 = tpu.matmul %get3A_13, %squeeze3A_55, %dot_general3A_56 {dimension_numbers = #tpu.dot_dimension_numbers<[1], [0], [0], [1], [0, 0, 1, 1], [], []>, transpose_lhs_hint = false} : vector<64x64xf32>, vector<64x512xf32>, vector<64x512xf32> -> vector<64x512xf32>
    %add3A_58 = vector.broadcast %get3A_16 : vector<64x1xf32> to vector<64x512xf32>
    %add3A_59 = arith.addf %dot_general3A_57, %add3A_58 : vector<64x512xf32>
    %max3A_60 = arith.constant 0.000000e+00 : f32
    %max3A_61 = vector.broadcast %max3A_60 : f32 to vector<64x512xf32>
    %max3A_62 = arith.maximumf %add3A_59, %max3A_61 : vector<64x512xf32>
    %add3A_63 = arith.addf %add3A_30, %max3A_62 : vector<64x512xf32>
    %eq3A_64 = vector.broadcast %add3A_53 : i32 to vector<1x512xi32>
    %eq3A_65 = arith.cmpi eq, %iota3A, %eq3A_64 : vector<1x512xi32>
    %jit3A_66 = arith.constant 0.000000e+00 : f32
    %broadcast_in_dim3A_67 = vector.shape_cast %eq3A_65 : vector<1x512xi1> to vector<1x512xi1>
    %broadcast_in_dim3A_68 = vector.broadcast %broadcast_in_dim3A_67 : vector<1x512xi1> to vector<64x512xi1>
    %broadcast_in_dim3A_69 = vector.broadcast %jit3A_66 : f32 to vector<64x512xf32>
    %select_n3A_70 = arith.select %broadcast_in_dim3A_68, %squeeze3A_55, %broadcast_in_dim3A_69 : vector<64x512xi1>, vector<64x512xf32>
    %add3A_71 = arith.addf %add3A_36, %select_n3A_70 : vector<64x512xf32>
    %reduce_sum3A_72 = arith.constant dense<0.000000e+00> : vector<64xf32>
    %reduce_sum3A_73 = vector.multi_reduction <add>, %squeeze3A_55, %reduce_sum3A_72 [1] : vector<64x512xf32> to vector<64xf32>
    %broadcast_in_dim3A_74 = vector.shape_cast %reduce_sum3A_73 : vector<64xf32> to vector<64x1xf32>
    %div3A_75 = arith.constant 5.120000e+02 : f32
    %div3A_76 = vector.broadcast %div3A_75 : f32 to vector<64x1xf32>
    %div3A_77 = arith.divf %broadcast_in_dim3A_74, %div3A_76 : vector<64x1xf32>
    %jit3A_78 = arith.constant 0.000000e+00 : f32
    %broadcast_in_dim3A_79 = vector.shape_cast %eq3A_65 : vector<1x512xi1> to vector<1x512xi1>
    %broadcast_in_dim3A_80 = vector.broadcast %broadcast_in_dim3A_79 : vector<1x512xi1> to vector<64x512xi1>
    %broadcast_in_dim3A_81 = vector.shape_cast %div3A_77 : vector<64x1xf32> to vector<64x1xf32>
    %broadcast_in_dim3A_82 = vector.broadcast %broadcast_in_dim3A_81 : vector<64x1xf32> to vector<64x512xf32>
    %broadcast_in_dim3A_83 = vector.broadcast %jit3A_78 : f32 to vector<64x512xf32>
    %select_n3A_84 = arith.select %broadcast_in_dim3A_80, %broadcast_in_dim3A_82, %broadcast_in_dim3A_83 : vector<64x512xi1>, vector<64x512xf32>
    %add3A_85 = arith.addf %add3A_49, %select_n3A_84 : vector<64x512xf32>
    %mul3A_86 = arith.constant 16 : i32
    %mul3A_87 = arith.muli %arg0, %mul3A_86 : i32
    %add3A_88 = arith.constant 2 : i32
    %add3A_89 = arith.addi %mul3A_87, %add3A_88 : i32
    %slice3A_90 = vector.extract_strided_slice %get3A_2 {offsets = [2, 0, 0], sizes = [1, 64, 512], strides = [1, 1, 1]} : vector<16x64x512xf32> to vector<1x64x512xf32>
    %squeeze3A_91 = vector.shape_cast %slice3A_90 : vector<1x64x512xf32> to vector<64x512xf32>
    %dot_general3A_92 = arith.constant dense<0.000000e+00> : vector<64x512xf32>
    %dot_general3A_93 = tpu.matmul %get3A_13, %squeeze3A_91, %dot_general3A_92 {dimension_numbers = #tpu.dot_dimension_numbers<[1], [0], [0], [1], [0, 0, 1, 1], [], []>, transpose_lhs_hint = false} : vector<64x64xf32>, vector<64x512xf32>, vector<64x512xf32> -> vector<64x512xf32>
    %add3A_94 = vector.broadcast %get3A_16 : vector<64x1xf32> to vector<64x512xf32>
    %add3A_95 = arith.addf %dot_general3A_93, %add3A_94 : vector<64x512xf32>
    %max3A_96 = arith.constant 0.000000e+00 : f32
    %max3A_97 = vector.broadcast %max3A_96 : f32 to vector<64x512xf32>
    %max3A_98 = arith.maximumf %add3A_95, %max3A_97 : vector<64x512xf32>
    %add3A_99 = arith.addf %add3A_63, %max3A_98 : vector<64x512xf32>
    %eq3A_100 = vector.broadcast %add3A_89 : i32 to vector<1x512xi32>
    %eq3A_101 = arith.cmpi eq, %iota3A, %eq3A_100 : vector<1x512xi32>
    %jit3A_102 = arith.constant 0.000000e+00 : f32
    %broadcast_in_dim3A_103 = vector.shape_cast %eq3A_101 : vector<1x512xi1> to vector<1x512xi1>
    %broadcast_in_dim3A_104 = vector.broadcast %broadcast_in_dim3A_103 : vector<1x512xi1> to vector<64x512xi1>
    %broadcast_in_dim3A_105 = vector.broadcast %jit3A_102 : f32 to vector<64x512xf32>
    %select_n3A_106 = arith.select %broadcast_in_dim3A_104, %squeeze3A_91, %broadcast_in_dim3A_105 : vector<64x512xi1>, vector<64x512xf32>
    %add3A_107 = arith.addf %add3A_71, %select_n3A_106 : vector<64x512xf32>
    %reduce_sum3A_108 = arith.constant dense<0.000000e+00> : vector<64xf32>
    %reduce_sum3A_109 = vector.multi_reduction <add>, %squeeze3A_91, %reduce_sum3A_108 [1] : vector<64x512xf32> to vector<64xf32>
    %broadcast_in_dim3A_110 = vector.shape_cast %reduce_sum3A_109 : vector<64xf32> to vector<64x1xf32>
    %div3A_111 = arith.constant 5.120000e+02 : f32
    %div3A_112 = vector.broadcast %div3A_111 : f32 to vector<64x1xf32>
    %div3A_113 = arith.divf %broadcast_in_dim3A_110, %div3A_112 : vector<64x1xf32>
    %jit3A_114 = arith.constant 0.000000e+00 : f32
    %broadcast_in_dim3A_115 = vector.shape_cast %eq3A_101 : vector<1x512xi1> to vector<1x512xi1>
    %broadcast_in_dim3A_116 = vector.broadcast %broadcast_in_dim3A_115 : vector<1x512xi1> to vector<64x512xi1>
    %broadcast_in_dim3A_117 = vector.shape_cast %div3A_113 : vector<64x1xf32> to vector<64x1xf32>
    %broadcast_in_dim3A_118 = vector.broadcast %broadcast_in_dim3A_117 : vector<64x1xf32> to vector<64x512xf32>
    %broadcast_in_dim3A_119 = vector.broadcast %jit3A_114 : f32 to vector<64x512xf32>
    %select_n3A_120 = arith.select %broadcast_in_dim3A_116, %broadcast_in_dim3A_118, %broadcast_in_dim3A_119 : vector<64x512xi1>, vector<64x512xf32>
    %add3A_121 = arith.addf %add3A_85, %select_n3A_120 : vector<64x512xf32>
    %mul3A_122 = arith.constant 16 : i32
    %mul3A_123 = arith.muli %arg0, %mul3A_122 : i32
    %add3A_124 = arith.constant 3 : i32
    %add3A_125 = arith.addi %mul3A_123, %add3A_124 : i32
    %slice3A_126 = vector.extract_strided_slice %get3A_2 {offsets = [3, 0, 0], sizes = [1, 64, 512], strides = [1, 1, 1]} : vector<16x64x512xf32> to vector<1x64x512xf32>
    %squeeze3A_127 = vector.shape_cast %slice3A_126 : vector<1x64x512xf32> to vector<64x512xf32>
    %dot_general3A_128 = arith.constant dense<0.000000e+00> : vector<64x512xf32>
    %dot_general3A_129 = tpu.matmul %get3A_13, %squeeze3A_127, %dot_general3A_128 {dimension_numbers = #tpu.dot_dimension_numbers<[1], [0], [0], [1], [0, 0, 1, 1], [], []>, transpose_lhs_hint = false} : vector<64x64xf32>, vector<64x512xf32>, vector<64x512xf32> -> vector<64x512xf32>
    %add3A_130 = vector.broadcast %get3A_16 : vector<64x1xf32> to vector<64x512xf32>
    %add3A_131 = arith.addf %dot_general3A_129, %add3A_130 : vector<64x512xf32>
    %max3A_132 = arith.constant 0.000000e+00 : f32
    %max3A_133 = vector.broadcast %max3A_132 : f32 to vector<64x512xf32>
    %max3A_134 = arith.maximumf %add3A_131, %max3A_133 : vector<64x512xf32>
    %add3A_135 = arith.addf %add3A_99, %max3A_134 : vector<64x512xf32>
    %eq3A_136 = vector.broadcast %add3A_125 : i32 to vector<1x512xi32>
    %eq3A_137 = arith.cmpi eq, %iota3A, %eq3A_136 : vector<1x512xi32>
    %jit3A_138 = arith.constant 0.000000e+00 : f32
    %broadcast_in_dim3A_139 = vector.shape_cast %eq3A_137 : vector<1x512xi1> to vector<1x512xi1>
    %broadcast_in_dim3A_140 = vector.broadcast %broadcast_in_dim3A_139 : vector<1x512xi1> to vector<64x512xi1>
    %broadcast_in_dim3A_141 = vector.broadcast %jit3A_138 : f32 to vector<64x512xf32>
    %select_n3A_142 = arith.select %broadcast_in_dim3A_140, %squeeze3A_127, %broadcast_in_dim3A_141 : vector<64x512xi1>, vector<64x512xf32>
    %add3A_143 = arith.addf %add3A_107, %select_n3A_142 : vector<64x512xf32>
    %reduce_sum3A_144 = arith.constant dense<0.000000e+00> : vector<64xf32>
    %reduce_sum3A_145 = vector.multi_reduction <add>, %squeeze3A_127, %reduce_sum3A_144 [1] : vector<64x512xf32> to vector<64xf32>
    %broadcast_in_dim3A_146 = vector.shape_cast %reduce_sum3A_145 : vector<64xf32> to vector<64x1xf32>
    %div3A_147 = arith.constant 5.120000e+02 : f32
    %div3A_148 = vector.broadcast %div3A_147 : f32 to vector<64x1xf32>
    %div3A_149 = arith.divf %broadcast_in_dim3A_146, %div3A_148 : vector<64x1xf32>
    %jit3A_150 = arith.constant 0.000000e+00 : f32
    %broadcast_in_dim3A_151 = vector.shape_cast %eq3A_137 : vector<1x512xi1> to vector<1x512xi1>
    %broadcast_in_dim3A_152 = vector.broadcast %broadcast_in_dim3A_151 : vector<1x512xi1> to vector<64x512xi1>
    %broadcast_in_dim3A_153 = vector.shape_cast %div3A_149 : vector<64x1xf32> to vector<64x1xf32>
    %broadcast_in_dim3A_154 = vector.broadcast %broadcast_in_dim3A_153 : vector<64x1xf32> to vector<64x512xf32>
    %broadcast_in_dim3A_155 = vector.broadcast %jit3A_150 : f32 to vector<64x512xf32>
    %select_n3A_156 = arith.select %broadcast_in_dim3A_152, %broadcast_in_dim3A_154, %broadcast_in_dim3A_155 : vector<64x512xi1>, vector<64x512xf32>
    %add3A_157 = arith.addf %add3A_121, %select_n3A_156 : vector<64x512xf32>
    %mul3A_158 = arith.constant 16 : i32
    %mul3A_159 = arith.muli %arg0, %mul3A_158 : i32
    %add3A_160 = arith.constant 4 : i32
    %add3A_161 = arith.addi %mul3A_159, %add3A_160 : i32
    %slice3A_162 = vector.extract_strided_slice %get3A_2 {offsets = [4, 0, 0], sizes = [1, 64, 512], strides = [1, 1, 1]} : vector<16x64x512xf32> to vector<1x64x512xf32>
    %squeeze3A_163 = vector.shape_cast %slice3A_162 : vector<1x64x512xf32> to vector<64x512xf32>
    %dot_general3A_164 = arith.constant dense<0.000000e+00> : vector<64x512xf32>
    %dot_general3A_165 = tpu.matmul %get3A_13, %squeeze3A_163, %dot_general3A_164 {dimension_numbers = #tpu.dot_dimension_numbers<[1], [0], [0], [1], [0, 0, 1, 1], [], []>, transpose_lhs_hint = false} : vector<64x64xf32>, vector<64x512xf32>, vector<64x512xf32> -> vector<64x512xf32>
    %add3A_166 = vector.broadcast %get3A_16 : vector<64x1xf32> to vector<64x512xf32>
    %add3A_167 = arith.addf %dot_general3A_165, %add3A_166 : vector<64x512xf32>
    %max3A_168 = arith.constant 0.000000e+00 : f32
    %max3A_169 = vector.broadcast %max3A_168 : f32 to vector<64x512xf32>
    %max3A_170 = arith.maximumf %add3A_167, %max3A_169 : vector<64x512xf32>
    %add3A_171 = arith.addf %add3A_135, %max3A_170 : vector<64x512xf32>
    %eq3A_172 = vector.broadcast %add3A_161 : i32 to vector<1x512xi32>
    %eq3A_173 = arith.cmpi eq, %iota3A, %eq3A_172 : vector<1x512xi32>
    %jit3A_174 = arith.constant 0.000000e+00 : f32
    %broadcast_in_dim3A_175 = vector.shape_cast %eq3A_173 : vector<1x512xi1> to vector<1x512xi1>
    %broadcast_in_dim3A_176 = vector.broadcast %broadcast_in_dim3A_175 : vector<1x512xi1> to vector<64x512xi1>
    %broadcast_in_dim3A_177 = vector.broadcast %jit3A_174 : f32 to vector<64x512xf32>
    %select_n3A_178 = arith.select %broadcast_in_dim3A_176, %squeeze3A_163, %broadcast_in_dim3A_177 : vector<64x512xi1>, vector<64x512xf32>
    %add3A_179 = arith.addf %add3A_143, %select_n3A_178 : vector<64x512xf32>
    %reduce_sum3A_180 = arith.constant dense<0.000000e+00> : vector<64xf32>
    %reduce_sum3A_181 = vector.multi_reduction <add>, %squeeze3A_163, %reduce_sum3A_180 [1] : vector<64x512xf32> to vector<64xf32>
    %broadcast_in_dim3A_182 = vector.shape_cast %reduce_sum3A_181 : vector<64xf32> to vector<64x1xf32>
    %div3A_183 = arith.constant 5.120000e+02 : f32
    %div3A_184 = vector.broadcast %div3A_183 : f32 to vector<64x1xf32>
    %div3A_185 = arith.divf %broadcast_in_dim3A_182, %div3A_184 : vector<64x1xf32>
    %jit3A_186 = arith.constant 0.000000e+00 : f32
    %broadcast_in_dim3A_187 = vector.shape_cast %eq3A_173 : vector<1x512xi1> to vector<1x512xi1>
    %broadcast_in_dim3A_188 = vector.broadcast %broadcast_in_dim3A_187 : vector<1x512xi1> to vector<64x512xi1>
    %broadcast_in_dim3A_189 = vector.shape_cast %div3A_185 : vector<64x1xf32> to vector<64x1xf32>
    %broadcast_in_dim3A_190 = vector.broadcast %broadcast_in_dim3A_189 : vector<64x1xf32> to vector<64x512xf32>
    %broadcast_in_dim3A_191 = vector.broadcast %jit3A_186 : f32 to vector<64x512xf32>
    %select_n3A_192 = arith.select %broadcast_in_dim3A_188, %broadcast_in_dim3A_190, %broadcast_in_dim3A_191 : vector<64x512xi1>, vector<64x512xf32>
    %add3A_193 = arith.addf %add3A_157, %select_n3A_192 : vector<64x512xf32>
    %mul3A_194 = arith.constant 16 : i32
    %mul3A_195 = arith.muli %arg0, %mul3A_194 : i32
    %add3A_196 = arith.constant 5 : i32
    %add3A_197 = arith.addi %mul3A_195, %add3A_196 : i32
    %slice3A_198 = vector.extract_strided_slice %get3A_2 {offsets = [5, 0, 0], sizes = [1, 64, 512], strides = [1, 1, 1]} : vector<16x64x512xf32> to vector<1x64x512xf32>
    %squeeze3A_199 = vector.shape_cast %slice3A_198 : vector<1x64x512xf32> to vector<64x512xf32>
    %dot_general3A_200 = arith.constant dense<0.000000e+00> : vector<64x512xf32>
    %dot_general3A_201 = tpu.matmul %get3A_13, %squeeze3A_199, %dot_general3A_200 {dimension_numbers = #tpu.dot_dimension_numbers<[1], [0], [0], [1], [0, 0, 1, 1], [], []>, transpose_lhs_hint = false} : vector<64x64xf32>, vector<64x512xf32>, vector<64x512xf32> -> vector<64x512xf32>
    %add3A_202 = vector.broadcast %get3A_16 : vector<64x1xf32> to vector<64x512xf32>
    %add3A_203 = arith.addf %dot_general3A_201, %add3A_202 : vector<64x512xf32>
    %max3A_204 = arith.constant 0.000000e+00 : f32
    %max3A_205 = vector.broadcast %max3A_204 : f32 to vector<64x512xf32>
    %max3A_206 = arith.maximumf %add3A_203, %max3A_205 : vector<64x512xf32>
    %add3A_207 = arith.addf %add3A_171, %max3A_206 : vector<64x512xf32>
    %eq3A_208 = vector.broadcast %add3A_197 : i32 to vector<1x512xi32>
    %eq3A_209 = arith.cmpi eq, %iota3A, %eq3A_208 : vector<1x512xi32>
    %jit3A_210 = arith.constant 0.000000e+00 : f32
    %broadcast_in_dim3A_211 = vector.shape_cast %eq3A_209 : vector<1x512xi1> to vector<1x512xi1>
    %broadcast_in_dim3A_212 = vector.broadcast %broadcast_in_dim3A_211 : vector<1x512xi1> to vector<64x512xi1>
    %broadcast_in_dim3A_213 = vector.broadcast %jit3A_210 : f32 to vector<64x512xf32>
    %select_n3A_214 = arith.select %broadcast_in_dim3A_212, %squeeze3A_199, %broadcast_in_dim3A_213 : vector<64x512xi1>, vector<64x512xf32>
    %add3A_215 = arith.addf %add3A_179, %select_n3A_214 : vector<64x512xf32>
    %reduce_sum3A_216 = arith.constant dense<0.000000e+00> : vector<64xf32>
    %reduce_sum3A_217 = vector.multi_reduction <add>, %squeeze3A_199, %reduce_sum3A_216 [1] : vector<64x512xf32> to vector<64xf32>
    %broadcast_in_dim3A_218 = vector.shape_cast %reduce_sum3A_217 : vector<64xf32> to vector<64x1xf32>
    %div3A_219 = arith.constant 5.120000e+02 : f32
    %div3A_220 = vector.broadcast %div3A_219 : f32 to vector<64x1xf32>
    %div3A_221 = arith.divf %broadcast_in_dim3A_218, %div3A_220 : vector<64x1xf32>
    %jit3A_222 = arith.constant 0.000000e+00 : f32
    %broadcast_in_dim3A_223 = vector.shape_cast %eq3A_209 : vector<1x512xi1> to vector<1x512xi1>
    %broadcast_in_dim3A_224 = vector.broadcast %broadcast_in_dim3A_223 : vector<1x512xi1> to vector<64x512xi1>
    %broadcast_in_dim3A_225 = vector.shape_cast %div3A_221 : vector<64x1xf32> to vector<64x1xf32>
    %broadcast_in_dim3A_226 = vector.broadcast %broadcast_in_dim3A_225 : vector<64x1xf32> to vector<64x512xf32>
    %broadcast_in_dim3A_227 = vector.broadcast %jit3A_222 : f32 to vector<64x512xf32>
    %select_n3A_228 = arith.select %broadcast_in_dim3A_224, %broadcast_in_dim3A_226, %broadcast_in_dim3A_227 : vector<64x512xi1>, vector<64x512xf32>
    %add3A_229 = arith.addf %add3A_193, %select_n3A_228 : vector<64x512xf32>
    %mul3A_230 = arith.constant 16 : i32
    %mul3A_231 = arith.muli %arg0, %mul3A_230 : i32
    %add3A_232 = arith.constant 6 : i32
    %add3A_233 = arith.addi %mul3A_231, %add3A_232 : i32
    %slice3A_234 = vector.extract_strided_slice %get3A_2 {offsets = [6, 0, 0], sizes = [1, 64, 512], strides = [1, 1, 1]} : vector<16x64x512xf32> to vector<1x64x512xf32>
    %squeeze3A_235 = vector.shape_cast %slice3A_234 : vector<1x64x512xf32> to vector<64x512xf32>
    %dot_general3A_236 = arith.constant dense<0.000000e+00> : vector<64x512xf32>
    %dot_general3A_237 = tpu.matmul %get3A_13, %squeeze3A_235, %dot_general3A_236 {dimension_numbers = #tpu.dot_dimension_numbers<[1], [0], [0], [1], [0, 0, 1, 1], [], []>, transpose_lhs_hint = false} : vector<64x64xf32>, vector<64x512xf32>, vector<64x512xf32> -> vector<64x512xf32>
    %add3A_238 = vector.broadcast %get3A_16 : vector<64x1xf32> to vector<64x512xf32>
    %add3A_239 = arith.addf %dot_general3A_237, %add3A_238 : vector<64x512xf32>
    %max3A_240 = arith.constant 0.000000e+00 : f32
    %max3A_241 = vector.broadcast %max3A_240 : f32 to vector<64x512xf32>
    %max3A_242 = arith.maximumf %add3A_239, %max3A_241 : vector<64x512xf32>
    %add3A_243 = arith.addf %add3A_207, %max3A_242 : vector<64x512xf32>
    %eq3A_244 = vector.broadcast %add3A_233 : i32 to vector<1x512xi32>
    %eq3A_245 = arith.cmpi eq, %iota3A, %eq3A_244 : vector<1x512xi32>
    %jit3A_246 = arith.constant 0.000000e+00 : f32
    %broadcast_in_dim3A_247 = vector.shape_cast %eq3A_245 : vector<1x512xi1> to vector<1x512xi1>
    %broadcast_in_dim3A_248 = vector.broadcast %broadcast_in_dim3A_247 : vector<1x512xi1> to vector<64x512xi1>
    %broadcast_in_dim3A_249 = vector.broadcast %jit3A_246 : f32 to vector<64x512xf32>
    %select_n3A_250 = arith.select %broadcast_in_dim3A_248, %squeeze3A_235, %broadcast_in_dim3A_249 : vector<64x512xi1>, vector<64x512xf32>
    %add3A_251 = arith.addf %add3A_215, %select_n3A_250 : vector<64x512xf32>
    %reduce_sum3A_252 = arith.constant dense<0.000000e+00> : vector<64xf32>
    %reduce_sum3A_253 = vector.multi_reduction <add>, %squeeze3A_235, %reduce_sum3A_252 [1] : vector<64x512xf32> to vector<64xf32>
    %broadcast_in_dim3A_254 = vector.shape_cast %reduce_sum3A_253 : vector<64xf32> to vector<64x1xf32>
    %div3A_255 = arith.constant 5.120000e+02 : f32
    %div3A_256 = vector.broadcast %div3A_255 : f32 to vector<64x1xf32>
    %div3A_257 = arith.divf %broadcast_in_dim3A_254, %div3A_256 : vector<64x1xf32>
    %jit3A_258 = arith.constant 0.000000e+00 : f32
    %broadcast_in_dim3A_259 = vector.shape_cast %eq3A_245 : vector<1x512xi1> to vector<1x512xi1>
    %broadcast_in_dim3A_260 = vector.broadcast %broadcast_in_dim3A_259 : vector<1x512xi1> to vector<64x512xi1>
    %broadcast_in_dim3A_261 = vector.shape_cast %div3A_257 : vector<64x1xf32> to vector<64x1xf32>
    %broadcast_in_dim3A_262 = vector.broadcast %broadcast_in_dim3A_261 : vector<64x1xf32> to vector<64x512xf32>
    %broadcast_in_dim3A_263 = vector.broadcast %jit3A_258 : f32 to vector<64x512xf32>
    %select_n3A_264 = arith.select %broadcast_in_dim3A_260, %broadcast_in_dim3A_262, %broadcast_in_dim3A_263 : vector<64x512xi1>, vector<64x512xf32>
    %add3A_265 = arith.addf %add3A_229, %select_n3A_264 : vector<64x512xf32>
    %mul3A_266 = arith.constant 16 : i32
    %mul3A_267 = arith.muli %arg0, %mul3A_266 : i32
    %add3A_268 = arith.constant 7 : i32
    %add3A_269 = arith.addi %mul3A_267, %add3A_268 : i32
    %slice3A_270 = vector.extract_strided_slice %get3A_2 {offsets = [7, 0, 0], sizes = [1, 64, 512], strides = [1, 1, 1]} : vector<16x64x512xf32> to vector<1x64x512xf32>
    %squeeze3A_271 = vector.shape_cast %slice3A_270 : vector<1x64x512xf32> to vector<64x512xf32>
    %dot_general3A_272 = arith.constant dense<0.000000e+00> : vector<64x512xf32>
    %dot_general3A_273 = tpu.matmul %get3A_13, %squeeze3A_271, %dot_general3A_272 {dimension_numbers = #tpu.dot_dimension_numbers<[1], [0], [0], [1], [0, 0, 1, 1], [], []>, transpose_lhs_hint = false} : vector<64x64xf32>, vector<64x512xf32>, vector<64x512xf32> -> vector<64x512xf32>
    %add3A_274 = vector.broadcast %get3A_16 : vector<64x1xf32> to vector<64x512xf32>
    %add3A_275 = arith.addf %dot_general3A_273, %add3A_274 : vector<64x512xf32>
    %max3A_276 = arith.constant 0.000000e+00 : f32
    %max3A_277 = vector.broadcast %max3A_276 : f32 to vector<64x512xf32>
    %max3A_278 = arith.maximumf %add3A_275, %max3A_277 : vector<64x512xf32>
    %add3A_279 = arith.addf %add3A_243, %max3A_278 : vector<64x512xf32>
    %eq3A_280 = vector.broadcast %add3A_269 : i32 to vector<1x512xi32>
    %eq3A_281 = arith.cmpi eq, %iota3A, %eq3A_280 : vector<1x512xi32>
    %jit3A_282 = arith.constant 0.000000e+00 : f32
    %broadcast_in_dim3A_283 = vector.shape_cast %eq3A_281 : vector<1x512xi1> to vector<1x512xi1>
    %broadcast_in_dim3A_284 = vector.broadcast %broadcast_in_dim3A_283 : vector<1x512xi1> to vector<64x512xi1>
    %broadcast_in_dim3A_285 = vector.broadcast %jit3A_282 : f32 to vector<64x512xf32>
    %select_n3A_286 = arith.select %broadcast_in_dim3A_284, %squeeze3A_271, %broadcast_in_dim3A_285 : vector<64x512xi1>, vector<64x512xf32>
    %add3A_287 = arith.addf %add3A_251, %select_n3A_286 : vector<64x512xf32>
    %reduce_sum3A_288 = arith.constant dense<0.000000e+00> : vector<64xf32>
    %reduce_sum3A_289 = vector.multi_reduction <add>, %squeeze3A_271, %reduce_sum3A_288 [1] : vector<64x512xf32> to vector<64xf32>
    %broadcast_in_dim3A_290 = vector.shape_cast %reduce_sum3A_289 : vector<64xf32> to vector<64x1xf32>
    %div3A_291 = arith.constant 5.120000e+02 : f32
    %div3A_292 = vector.broadcast %div3A_291 : f32 to vector<64x1xf32>
    %div3A_293 = arith.divf %broadcast_in_dim3A_290, %div3A_292 : vector<64x1xf32>
    %jit3A_294 = arith.constant 0.000000e+00 : f32
    %broadcast_in_dim3A_295 = vector.shape_cast %eq3A_281 : vector<1x512xi1> to vector<1x512xi1>
    %broadcast_in_dim3A_296 = vector.broadcast %broadcast_in_dim3A_295 : vector<1x512xi1> to vector<64x512xi1>
    %broadcast_in_dim3A_297 = vector.shape_cast %div3A_293 : vector<64x1xf32> to vector<64x1xf32>
    %broadcast_in_dim3A_298 = vector.broadcast %broadcast_in_dim3A_297 : vector<64x1xf32> to vector<64x512xf32>
    %broadcast_in_dim3A_299 = vector.broadcast %jit3A_294 : f32 to vector<64x512xf32>
    %select_n3A_300 = arith.select %broadcast_in_dim3A_296, %broadcast_in_dim3A_298, %broadcast_in_dim3A_299 : vector<64x512xi1>, vector<64x512xf32>
    %add3A_301 = arith.addf %add3A_265, %select_n3A_300 : vector<64x512xf32>
    %mul3A_302 = arith.constant 16 : i32
    %mul3A_303 = arith.muli %arg0, %mul3A_302 : i32
    %add3A_304 = arith.constant 8 : i32
    %add3A_305 = arith.addi %mul3A_303, %add3A_304 : i32
    %slice3A_306 = vector.extract_strided_slice %get3A_2 {offsets = [8, 0, 0], sizes = [1, 64, 512], strides = [1, 1, 1]} : vector<16x64x512xf32> to vector<1x64x512xf32>
    %squeeze3A_307 = vector.shape_cast %slice3A_306 : vector<1x64x512xf32> to vector<64x512xf32>
    %dot_general3A_308 = arith.constant dense<0.000000e+00> : vector<64x512xf32>
    %dot_general3A_309 = tpu.matmul %get3A_13, %squeeze3A_307, %dot_general3A_308 {dimension_numbers = #tpu.dot_dimension_numbers<[1], [0], [0], [1], [0, 0, 1, 1], [], []>, transpose_lhs_hint = false} : vector<64x64xf32>, vector<64x512xf32>, vector<64x512xf32> -> vector<64x512xf32>
    %add3A_310 = vector.broadcast %get3A_16 : vector<64x1xf32> to vector<64x512xf32>
    %add3A_311 = arith.addf %dot_general3A_309, %add3A_310 : vector<64x512xf32>
    %max3A_312 = arith.constant 0.000000e+00 : f32
    %max3A_313 = vector.broadcast %max3A_312 : f32 to vector<64x512xf32>
    %max3A_314 = arith.maximumf %add3A_311, %max3A_313 : vector<64x512xf32>
    %add3A_315 = arith.addf %add3A_279, %max3A_314 : vector<64x512xf32>
    %eq3A_316 = vector.broadcast %add3A_305 : i32 to vector<1x512xi32>
    %eq3A_317 = arith.cmpi eq, %iota3A, %eq3A_316 : vector<1x512xi32>
    %jit3A_318 = arith.constant 0.000000e+00 : f32
    %broadcast_in_dim3A_319 = vector.shape_cast %eq3A_317 : vector<1x512xi1> to vector<1x512xi1>
    %broadcast_in_dim3A_320 = vector.broadcast %broadcast_in_dim3A_319 : vector<1x512xi1> to vector<64x512xi1>
    %broadcast_in_dim3A_321 = vector.broadcast %jit3A_318 : f32 to vector<64x512xf32>
    %select_n3A_322 = arith.select %broadcast_in_dim3A_320, %squeeze3A_307, %broadcast_in_dim3A_321 : vector<64x512xi1>, vector<64x512xf32>
    %add3A_323 = arith.addf %add3A_287, %select_n3A_322 : vector<64x512xf32>
    %reduce_sum3A_324 = arith.constant dense<0.000000e+00> : vector<64xf32>
    %reduce_sum3A_325 = vector.multi_reduction <add>, %squeeze3A_307, %reduce_sum3A_324 [1] : vector<64x512xf32> to vector<64xf32>
    %broadcast_in_dim3A_326 = vector.shape_cast %reduce_sum3A_325 : vector<64xf32> to vector<64x1xf32>
    %div3A_327 = arith.constant 5.120000e+02 : f32
    %div3A_328 = vector.broadcast %div3A_327 : f32 to vector<64x1xf32>
    %div3A_329 = arith.divf %broadcast_in_dim3A_326, %div3A_328 : vector<64x1xf32>
    %jit3A_330 = arith.constant 0.000000e+00 : f32
    %broadcast_in_dim3A_331 = vector.shape_cast %eq3A_317 : vector<1x512xi1> to vector<1x512xi1>
    %broadcast_in_dim3A_332 = vector.broadcast %broadcast_in_dim3A_331 : vector<1x512xi1> to vector<64x512xi1>
    %broadcast_in_dim3A_333 = vector.shape_cast %div3A_329 : vector<64x1xf32> to vector<64x1xf32>
    %broadcast_in_dim3A_334 = vector.broadcast %broadcast_in_dim3A_333 : vector<64x1xf32> to vector<64x512xf32>
    %broadcast_in_dim3A_335 = vector.broadcast %jit3A_330 : f32 to vector<64x512xf32>
    %select_n3A_336 = arith.select %broadcast_in_dim3A_332, %broadcast_in_dim3A_334, %broadcast_in_dim3A_335 : vector<64x512xi1>, vector<64x512xf32>
    %add3A_337 = arith.addf %add3A_301, %select_n3A_336 : vector<64x512xf32>
    %mul3A_338 = arith.constant 16 : i32
    %mul3A_339 = arith.muli %arg0, %mul3A_338 : i32
    %add3A_340 = arith.constant 9 : i32
    %add3A_341 = arith.addi %mul3A_339, %add3A_340 : i32
    %slice3A_342 = vector.extract_strided_slice %get3A_2 {offsets = [9, 0, 0], sizes = [1, 64, 512], strides = [1, 1, 1]} : vector<16x64x512xf32> to vector<1x64x512xf32>
    %squeeze3A_343 = vector.shape_cast %slice3A_342 : vector<1x64x512xf32> to vector<64x512xf32>
    %dot_general3A_344 = arith.constant dense<0.000000e+00> : vector<64x512xf32>
    %dot_general3A_345 = tpu.matmul %get3A_13, %squeeze3A_343, %dot_general3A_344 {dimension_numbers = #tpu.dot_dimension_numbers<[1], [0], [0], [1], [0, 0, 1, 1], [], []>, transpose_lhs_hint = false} : vector<64x64xf32>, vector<64x512xf32>, vector<64x512xf32> -> vector<64x512xf32>
    %add3A_346 = vector.broadcast %get3A_16 : vector<64x1xf32> to vector<64x512xf32>
    %add3A_347 = arith.addf %dot_general3A_345, %add3A_346 : vector<64x512xf32>
    %max3A_348 = arith.constant 0.000000e+00 : f32
    %max3A_349 = vector.broadcast %max3A_348 : f32 to vector<64x512xf32>
    %max3A_350 = arith.maximumf %add3A_347, %max3A_349 : vector<64x512xf32>
    %add3A_351 = arith.addf %add3A_315, %max3A_350 : vector<64x512xf32>
    %eq3A_352 = vector.broadcast %add3A_341 : i32 to vector<1x512xi32>
    %eq3A_353 = arith.cmpi eq, %iota3A, %eq3A_352 : vector<1x512xi32>
    %jit3A_354 = arith.constant 0.000000e+00 : f32
    %broadcast_in_dim3A_355 = vector.shape_cast %eq3A_353 : vector<1x512xi1> to vector<1x512xi1>
    %broadcast_in_dim3A_356 = vector.broadcast %broadcast_in_dim3A_355 : vector<1x512xi1> to vector<64x512xi1>
    %broadcast_in_dim3A_357 = vector.broadcast %jit3A_354 : f32 to vector<64x512xf32>
    %select_n3A_358 = arith.select %broadcast_in_dim3A_356, %squeeze3A_343, %broadcast_in_dim3A_357 : vector<64x512xi1>, vector<64x512xf32>
    %add3A_359 = arith.addf %add3A_323, %select_n3A_358 : vector<64x512xf32>
    %reduce_sum3A_360 = arith.constant dense<0.000000e+00> : vector<64xf32>
    %reduce_sum3A_361 = vector.multi_reduction <add>, %squeeze3A_343, %reduce_sum3A_360 [1] : vector<64x512xf32> to vector<64xf32>
    %broadcast_in_dim3A_362 = vector.shape_cast %reduce_sum3A_361 : vector<64xf32> to vector<64x1xf32>
    %div3A_363 = arith.constant 5.120000e+02 : f32
    %div3A_364 = vector.broadcast %div3A_363 : f32 to vector<64x1xf32>
    %div3A_365 = arith.divf %broadcast_in_dim3A_362, %div3A_364 : vector<64x1xf32>
    %jit3A_366 = arith.constant 0.000000e+00 : f32
    %broadcast_in_dim3A_367 = vector.shape_cast %eq3A_353 : vector<1x512xi1> to vector<1x512xi1>
    %broadcast_in_dim3A_368 = vector.broadcast %broadcast_in_dim3A_367 : vector<1x512xi1> to vector<64x512xi1>
    %broadcast_in_dim3A_369 = vector.shape_cast %div3A_365 : vector<64x1xf32> to vector<64x1xf32>
    %broadcast_in_dim3A_370 = vector.broadcast %broadcast_in_dim3A_369 : vector<64x1xf32> to vector<64x512xf32>
    %broadcast_in_dim3A_371 = vector.broadcast %jit3A_366 : f32 to vector<64x512xf32>
    %select_n3A_372 = arith.select %broadcast_in_dim3A_368, %broadcast_in_dim3A_370, %broadcast_in_dim3A_371 : vector<64x512xi1>, vector<64x512xf32>
    %add3A_373 = arith.addf %add3A_337, %select_n3A_372 : vector<64x512xf32>
    %mul3A_374 = arith.constant 16 : i32
    %mul3A_375 = arith.muli %arg0, %mul3A_374 : i32
    %add3A_376 = arith.constant 10 : i32
    %add3A_377 = arith.addi %mul3A_375, %add3A_376 : i32
    %slice3A_378 = vector.extract_strided_slice %get3A_2 {offsets = [10, 0, 0], sizes = [1, 64, 512], strides = [1, 1, 1]} : vector<16x64x512xf32> to vector<1x64x512xf32>
    %squeeze3A_379 = vector.shape_cast %slice3A_378 : vector<1x64x512xf32> to vector<64x512xf32>
    %dot_general3A_380 = arith.constant dense<0.000000e+00> : vector<64x512xf32>
    %dot_general3A_381 = tpu.matmul %get3A_13, %squeeze3A_379, %dot_general3A_380 {dimension_numbers = #tpu.dot_dimension_numbers<[1], [0], [0], [1], [0, 0, 1, 1], [], []>, transpose_lhs_hint = false} : vector<64x64xf32>, vector<64x512xf32>, vector<64x512xf32> -> vector<64x512xf32>
    %add3A_382 = vector.broadcast %get3A_16 : vector<64x1xf32> to vector<64x512xf32>
    %add3A_383 = arith.addf %dot_general3A_381, %add3A_382 : vector<64x512xf32>
    %max3A_384 = arith.constant 0.000000e+00 : f32
    %max3A_385 = vector.broadcast %max3A_384 : f32 to vector<64x512xf32>
    %max3A_386 = arith.maximumf %add3A_383, %max3A_385 : vector<64x512xf32>
    %add3A_387 = arith.addf %add3A_351, %max3A_386 : vector<64x512xf32>
    %eq3A_388 = vector.broadcast %add3A_377 : i32 to vector<1x512xi32>
    %eq3A_389 = arith.cmpi eq, %iota3A, %eq3A_388 : vector<1x512xi32>
    %jit3A_390 = arith.constant 0.000000e+00 : f32
    %broadcast_in_dim3A_391 = vector.shape_cast %eq3A_389 : vector<1x512xi1> to vector<1x512xi1>
    %broadcast_in_dim3A_392 = vector.broadcast %broadcast_in_dim3A_391 : vector<1x512xi1> to vector<64x512xi1>
    %broadcast_in_dim3A_393 = vector.broadcast %jit3A_390 : f32 to vector<64x512xf32>
    %select_n3A_394 = arith.select %broadcast_in_dim3A_392, %squeeze3A_379, %broadcast_in_dim3A_393 : vector<64x512xi1>, vector<64x512xf32>
    %add3A_395 = arith.addf %add3A_359, %select_n3A_394 : vector<64x512xf32>
    %reduce_sum3A_396 = arith.constant dense<0.000000e+00> : vector<64xf32>
    %reduce_sum3A_397 = vector.multi_reduction <add>, %squeeze3A_379, %reduce_sum3A_396 [1] : vector<64x512xf32> to vector<64xf32>
    %broadcast_in_dim3A_398 = vector.shape_cast %reduce_sum3A_397 : vector<64xf32> to vector<64x1xf32>
    %div3A_399 = arith.constant 5.120000e+02 : f32
    %div3A_400 = vector.broadcast %div3A_399 : f32 to vector<64x1xf32>
    %div3A_401 = arith.divf %broadcast_in_dim3A_398, %div3A_400 : vector<64x1xf32>
    %jit3A_402 = arith.constant 0.000000e+00 : f32
    %broadcast_in_dim3A_403 = vector.shape_cast %eq3A_389 : vector<1x512xi1> to vector<1x512xi1>
    %broadcast_in_dim3A_404 = vector.broadcast %broadcast_in_dim3A_403 : vector<1x512xi1> to vector<64x512xi1>
    %broadcast_in_dim3A_405 = vector.shape_cast %div3A_401 : vector<64x1xf32> to vector<64x1xf32>
    %broadcast_in_dim3A_406 = vector.broadcast %broadcast_in_dim3A_405 : vector<64x1xf32> to vector<64x512xf32>
    %broadcast_in_dim3A_407 = vector.broadcast %jit3A_402 : f32 to vector<64x512xf32>
    %select_n3A_408 = arith.select %broadcast_in_dim3A_404, %broadcast_in_dim3A_406, %broadcast_in_dim3A_407 : vector<64x512xi1>, vector<64x512xf32>
    %add3A_409 = arith.addf %add3A_373, %select_n3A_408 : vector<64x512xf32>
    %mul3A_410 = arith.constant 16 : i32
    %mul3A_411 = arith.muli %arg0, %mul3A_410 : i32
    %add3A_412 = arith.constant 11 : i32
    %add3A_413 = arith.addi %mul3A_411, %add3A_412 : i32
    %slice3A_414 = vector.extract_strided_slice %get3A_2 {offsets = [11, 0, 0], sizes = [1, 64, 512], strides = [1, 1, 1]} : vector<16x64x512xf32> to vector<1x64x512xf32>
    %squeeze3A_415 = vector.shape_cast %slice3A_414 : vector<1x64x512xf32> to vector<64x512xf32>
    %dot_general3A_416 = arith.constant dense<0.000000e+00> : vector<64x512xf32>
    %dot_general3A_417 = tpu.matmul %get3A_13, %squeeze3A_415, %dot_general3A_416 {dimension_numbers = #tpu.dot_dimension_numbers<[1], [0], [0], [1], [0, 0, 1, 1], [], []>, transpose_lhs_hint = false} : vector<64x64xf32>, vector<64x512xf32>, vector<64x512xf32> -> vector<64x512xf32>
    %add3A_418 = vector.broadcast %get3A_16 : vector<64x1xf32> to vector<64x512xf32>
    %add3A_419 = arith.addf %dot_general3A_417, %add3A_418 : vector<64x512xf32>
    %max3A_420 = arith.constant 0.000000e+00 : f32
    %max3A_421 = vector.broadcast %max3A_420 : f32 to vector<64x512xf32>
    %max3A_422 = arith.maximumf %add3A_419, %max3A_421 : vector<64x512xf32>
    %add3A_423 = arith.addf %add3A_387, %max3A_422 : vector<64x512xf32>
    %eq3A_424 = vector.broadcast %add3A_413 : i32 to vector<1x512xi32>
    %eq3A_425 = arith.cmpi eq, %iota3A, %eq3A_424 : vector<1x512xi32>
    %jit3A_426 = arith.constant 0.000000e+00 : f32
    %broadcast_in_dim3A_427 = vector.shape_cast %eq3A_425 : vector<1x512xi1> to vector<1x512xi1>
    %broadcast_in_dim3A_428 = vector.broadcast %broadcast_in_dim3A_427 : vector<1x512xi1> to vector<64x512xi1>
    %broadcast_in_dim3A_429 = vector.broadcast %jit3A_426 : f32 to vector<64x512xf32>
    %select_n3A_430 = arith.select %broadcast_in_dim3A_428, %squeeze3A_415, %broadcast_in_dim3A_429 : vector<64x512xi1>, vector<64x512xf32>
    %add3A_431 = arith.addf %add3A_395, %select_n3A_430 : vector<64x512xf32>
    %reduce_sum3A_432 = arith.constant dense<0.000000e+00> : vector<64xf32>
    %reduce_sum3A_433 = vector.multi_reduction <add>, %squeeze3A_415, %reduce_sum3A_432 [1] : vector<64x512xf32> to vector<64xf32>
    %broadcast_in_dim3A_434 = vector.shape_cast %reduce_sum3A_433 : vector<64xf32> to vector<64x1xf32>
    %div3A_435 = arith.constant 5.120000e+02 : f32
    %div3A_436 = vector.broadcast %div3A_435 : f32 to vector<64x1xf32>
    %div3A_437 = arith.divf %broadcast_in_dim3A_434, %div3A_436 : vector<64x1xf32>
    %jit3A_438 = arith.constant 0.000000e+00 : f32
    %broadcast_in_dim3A_439 = vector.shape_cast %eq3A_425 : vector<1x512xi1> to vector<1x512xi1>
    %broadcast_in_dim3A_440 = vector.broadcast %broadcast_in_dim3A_439 : vector<1x512xi1> to vector<64x512xi1>
    %broadcast_in_dim3A_441 = vector.shape_cast %div3A_437 : vector<64x1xf32> to vector<64x1xf32>
    %broadcast_in_dim3A_442 = vector.broadcast %broadcast_in_dim3A_441 : vector<64x1xf32> to vector<64x512xf32>
    %broadcast_in_dim3A_443 = vector.broadcast %jit3A_438 : f32 to vector<64x512xf32>
    %select_n3A_444 = arith.select %broadcast_in_dim3A_440, %broadcast_in_dim3A_442, %broadcast_in_dim3A_443 : vector<64x512xi1>, vector<64x512xf32>
    %add3A_445 = arith.addf %add3A_409, %select_n3A_444 : vector<64x512xf32>
    %mul3A_446 = arith.constant 16 : i32
    %mul3A_447 = arith.muli %arg0, %mul3A_446 : i32
    %add3A_448 = arith.constant 12 : i32
    %add3A_449 = arith.addi %mul3A_447, %add3A_448 : i32
    %slice3A_450 = vector.extract_strided_slice %get3A_2 {offsets = [12, 0, 0], sizes = [1, 64, 512], strides = [1, 1, 1]} : vector<16x64x512xf32> to vector<1x64x512xf32>
    %squeeze3A_451 = vector.shape_cast %slice3A_450 : vector<1x64x512xf32> to vector<64x512xf32>
    %dot_general3A_452 = arith.constant dense<0.000000e+00> : vector<64x512xf32>
    %dot_general3A_453 = tpu.matmul %get3A_13, %squeeze3A_451, %dot_general3A_452 {dimension_numbers = #tpu.dot_dimension_numbers<[1], [0], [0], [1], [0, 0, 1, 1], [], []>, transpose_lhs_hint = false} : vector<64x64xf32>, vector<64x512xf32>, vector<64x512xf32> -> vector<64x512xf32>
    %add3A_454 = vector.broadcast %get3A_16 : vector<64x1xf32> to vector<64x512xf32>
    %add3A_455 = arith.addf %dot_general3A_453, %add3A_454 : vector<64x512xf32>
    %max3A_456 = arith.constant 0.000000e+00 : f32
    %max3A_457 = vector.broadcast %max3A_456 : f32 to vector<64x512xf32>
    %max3A_458 = arith.maximumf %add3A_455, %max3A_457 : vector<64x512xf32>
    %add3A_459 = arith.addf %add3A_423, %max3A_458 : vector<64x512xf32>
    %eq3A_460 = vector.broadcast %add3A_449 : i32 to vector<1x512xi32>
    %eq3A_461 = arith.cmpi eq, %iota3A, %eq3A_460 : vector<1x512xi32>
    %jit3A_462 = arith.constant 0.000000e+00 : f32
    %broadcast_in_dim3A_463 = vector.shape_cast %eq3A_461 : vector<1x512xi1> to vector<1x512xi1>
    %broadcast_in_dim3A_464 = vector.broadcast %broadcast_in_dim3A_463 : vector<1x512xi1> to vector<64x512xi1>
    %broadcast_in_dim3A_465 = vector.broadcast %jit3A_462 : f32 to vector<64x512xf32>
    %select_n3A_466 = arith.select %broadcast_in_dim3A_464, %squeeze3A_451, %broadcast_in_dim3A_465 : vector<64x512xi1>, vector<64x512xf32>
    %add3A_467 = arith.addf %add3A_431, %select_n3A_466 : vector<64x512xf32>
    %reduce_sum3A_468 = arith.constant dense<0.000000e+00> : vector<64xf32>
    %reduce_sum3A_469 = vector.multi_reduction <add>, %squeeze3A_451, %reduce_sum3A_468 [1] : vector<64x512xf32> to vector<64xf32>
    %broadcast_in_dim3A_470 = vector.shape_cast %reduce_sum3A_469 : vector<64xf32> to vector<64x1xf32>
    %div3A_471 = arith.constant 5.120000e+02 : f32
    %div3A_472 = vector.broadcast %div3A_471 : f32 to vector<64x1xf32>
    %div3A_473 = arith.divf %broadcast_in_dim3A_470, %div3A_472 : vector<64x1xf32>
    %jit3A_474 = arith.constant 0.000000e+00 : f32
    %broadcast_in_dim3A_475 = vector.shape_cast %eq3A_461 : vector<1x512xi1> to vector<1x512xi1>
    %broadcast_in_dim3A_476 = vector.broadcast %broadcast_in_dim3A_475 : vector<1x512xi1> to vector<64x512xi1>
    %broadcast_in_dim3A_477 = vector.shape_cast %div3A_473 : vector<64x1xf32> to vector<64x1xf32>
    %broadcast_in_dim3A_478 = vector.broadcast %broadcast_in_dim3A_477 : vector<64x1xf32> to vector<64x512xf32>
    %broadcast_in_dim3A_479 = vector.broadcast %jit3A_474 : f32 to vector<64x512xf32>
    %select_n3A_480 = arith.select %broadcast_in_dim3A_476, %broadcast_in_dim3A_478, %broadcast_in_dim3A_479 : vector<64x512xi1>, vector<64x512xf32>
    %add3A_481 = arith.addf %add3A_445, %select_n3A_480 : vector<64x512xf32>
    %mul3A_482 = arith.constant 16 : i32
    %mul3A_483 = arith.muli %arg0, %mul3A_482 : i32
    %add3A_484 = arith.constant 13 : i32
    %add3A_485 = arith.addi %mul3A_483, %add3A_484 : i32
    %slice3A_486 = vector.extract_strided_slice %get3A_2 {offsets = [13, 0, 0], sizes = [1, 64, 512], strides = [1, 1, 1]} : vector<16x64x512xf32> to vector<1x64x512xf32>
    %squeeze3A_487 = vector.shape_cast %slice3A_486 : vector<1x64x512xf32> to vector<64x512xf32>
    %dot_general3A_488 = arith.constant dense<0.000000e+00> : vector<64x512xf32>
    %dot_general3A_489 = tpu.matmul %get3A_13, %squeeze3A_487, %dot_general3A_488 {dimension_numbers = #tpu.dot_dimension_numbers<[1], [0], [0], [1], [0, 0, 1, 1], [], []>, transpose_lhs_hint = false} : vector<64x64xf32>, vector<64x512xf32>, vector<64x512xf32> -> vector<64x512xf32>
    %add3A_490 = vector.broadcast %get3A_16 : vector<64x1xf32> to vector<64x512xf32>
    %add3A_491 = arith.addf %dot_general3A_489, %add3A_490 : vector<64x512xf32>
    %max3A_492 = arith.constant 0.000000e+00 : f32
    %max3A_493 = vector.broadcast %max3A_492 : f32 to vector<64x512xf32>
    %max3A_494 = arith.maximumf %add3A_491, %max3A_493 : vector<64x512xf32>
    %add3A_495 = arith.addf %add3A_459, %max3A_494 : vector<64x512xf32>
    %eq3A_496 = vector.broadcast %add3A_485 : i32 to vector<1x512xi32>
    %eq3A_497 = arith.cmpi eq, %iota3A, %eq3A_496 : vector<1x512xi32>
    %jit3A_498 = arith.constant 0.000000e+00 : f32
    %broadcast_in_dim3A_499 = vector.shape_cast %eq3A_497 : vector<1x512xi1> to vector<1x512xi1>
    %broadcast_in_dim3A_500 = vector.broadcast %broadcast_in_dim3A_499 : vector<1x512xi1> to vector<64x512xi1>
    %broadcast_in_dim3A_501 = vector.broadcast %jit3A_498 : f32 to vector<64x512xf32>
    %select_n3A_502 = arith.select %broadcast_in_dim3A_500, %squeeze3A_487, %broadcast_in_dim3A_501 : vector<64x512xi1>, vector<64x512xf32>
    %add3A_503 = arith.addf %add3A_467, %select_n3A_502 : vector<64x512xf32>
    %reduce_sum3A_504 = arith.constant dense<0.000000e+00> : vector<64xf32>
    %reduce_sum3A_505 = vector.multi_reduction <add>, %squeeze3A_487, %reduce_sum3A_504 [1] : vector<64x512xf32> to vector<64xf32>
    %broadcast_in_dim3A_506 = vector.shape_cast %reduce_sum3A_505 : vector<64xf32> to vector<64x1xf32>
    %div3A_507 = arith.constant 5.120000e+02 : f32
    %div3A_508 = vector.broadcast %div3A_507 : f32 to vector<64x1xf32>
    %div3A_509 = arith.divf %broadcast_in_dim3A_506, %div3A_508 : vector<64x1xf32>
    %jit3A_510 = arith.constant 0.000000e+00 : f32
    %broadcast_in_dim3A_511 = vector.shape_cast %eq3A_497 : vector<1x512xi1> to vector<1x512xi1>
    %broadcast_in_dim3A_512 = vector.broadcast %broadcast_in_dim3A_511 : vector<1x512xi1> to vector<64x512xi1>
    %broadcast_in_dim3A_513 = vector.shape_cast %div3A_509 : vector<64x1xf32> to vector<64x1xf32>
    %broadcast_in_dim3A_514 = vector.broadcast %broadcast_in_dim3A_513 : vector<64x1xf32> to vector<64x512xf32>
    %broadcast_in_dim3A_515 = vector.broadcast %jit3A_510 : f32 to vector<64x512xf32>
    %select_n3A_516 = arith.select %broadcast_in_dim3A_512, %broadcast_in_dim3A_514, %broadcast_in_dim3A_515 : vector<64x512xi1>, vector<64x512xf32>
    %add3A_517 = arith.addf %add3A_481, %select_n3A_516 : vector<64x512xf32>
    %mul3A_518 = arith.constant 16 : i32
    %mul3A_519 = arith.muli %arg0, %mul3A_518 : i32
    %add3A_520 = arith.constant 14 : i32
    %add3A_521 = arith.addi %mul3A_519, %add3A_520 : i32
    %slice3A_522 = vector.extract_strided_slice %get3A_2 {offsets = [14, 0, 0], sizes = [1, 64, 512], strides = [1, 1, 1]} : vector<16x64x512xf32> to vector<1x64x512xf32>
    %squeeze3A_523 = vector.shape_cast %slice3A_522 : vector<1x64x512xf32> to vector<64x512xf32>
    %dot_general3A_524 = arith.constant dense<0.000000e+00> : vector<64x512xf32>
    %dot_general3A_525 = tpu.matmul %get3A_13, %squeeze3A_523, %dot_general3A_524 {dimension_numbers = #tpu.dot_dimension_numbers<[1], [0], [0], [1], [0, 0, 1, 1], [], []>, transpose_lhs_hint = false} : vector<64x64xf32>, vector<64x512xf32>, vector<64x512xf32> -> vector<64x512xf32>
    %add3A_526 = vector.broadcast %get3A_16 : vector<64x1xf32> to vector<64x512xf32>
    %add3A_527 = arith.addf %dot_general3A_525, %add3A_526 : vector<64x512xf32>
    %max3A_528 = arith.constant 0.000000e+00 : f32
    %max3A_529 = vector.broadcast %max3A_528 : f32 to vector<64x512xf32>
    %max3A_530 = arith.maximumf %add3A_527, %max3A_529 : vector<64x512xf32>
    %add3A_531 = arith.addf %add3A_495, %max3A_530 : vector<64x512xf32>
    %eq3A_532 = vector.broadcast %add3A_521 : i32 to vector<1x512xi32>
    %eq3A_533 = arith.cmpi eq, %iota3A, %eq3A_532 : vector<1x512xi32>
    %jit3A_534 = arith.constant 0.000000e+00 : f32
    %broadcast_in_dim3A_535 = vector.shape_cast %eq3A_533 : vector<1x512xi1> to vector<1x512xi1>
    %broadcast_in_dim3A_536 = vector.broadcast %broadcast_in_dim3A_535 : vector<1x512xi1> to vector<64x512xi1>
    %broadcast_in_dim3A_537 = vector.broadcast %jit3A_534 : f32 to vector<64x512xf32>
    %select_n3A_538 = arith.select %broadcast_in_dim3A_536, %squeeze3A_523, %broadcast_in_dim3A_537 : vector<64x512xi1>, vector<64x512xf32>
    %add3A_539 = arith.addf %add3A_503, %select_n3A_538 : vector<64x512xf32>
    %reduce_sum3A_540 = arith.constant dense<0.000000e+00> : vector<64xf32>
    %reduce_sum3A_541 = vector.multi_reduction <add>, %squeeze3A_523, %reduce_sum3A_540 [1] : vector<64x512xf32> to vector<64xf32>
    %broadcast_in_dim3A_542 = vector.shape_cast %reduce_sum3A_541 : vector<64xf32> to vector<64x1xf32>
    %div3A_543 = arith.constant 5.120000e+02 : f32
    %div3A_544 = vector.broadcast %div3A_543 : f32 to vector<64x1xf32>
    %div3A_545 = arith.divf %broadcast_in_dim3A_542, %div3A_544 : vector<64x1xf32>
    %jit3A_546 = arith.constant 0.000000e+00 : f32
    %broadcast_in_dim3A_547 = vector.shape_cast %eq3A_533 : vector<1x512xi1> to vector<1x512xi1>
    %broadcast_in_dim3A_548 = vector.broadcast %broadcast_in_dim3A_547 : vector<1x512xi1> to vector<64x512xi1>
    %broadcast_in_dim3A_549 = vector.shape_cast %div3A_545 : vector<64x1xf32> to vector<64x1xf32>
    %broadcast_in_dim3A_550 = vector.broadcast %broadcast_in_dim3A_549 : vector<64x1xf32> to vector<64x512xf32>
    %broadcast_in_dim3A_551 = vector.broadcast %jit3A_546 : f32 to vector<64x512xf32>
    %select_n3A_552 = arith.select %broadcast_in_dim3A_548, %broadcast_in_dim3A_550, %broadcast_in_dim3A_551 : vector<64x512xi1>, vector<64x512xf32>
    %add3A_553 = arith.addf %add3A_517, %select_n3A_552 : vector<64x512xf32>
    %mul3A_554 = arith.constant 16 : i32
    %mul3A_555 = arith.muli %arg0, %mul3A_554 : i32
    %add3A_556 = arith.constant 15 : i32
    %add3A_557 = arith.addi %mul3A_555, %add3A_556 : i32
    %slice3A_558 = vector.extract_strided_slice %get3A_2 {offsets = [15, 0, 0], sizes = [1, 64, 512], strides = [1, 1, 1]} : vector<16x64x512xf32> to vector<1x64x512xf32>
    %squeeze3A_559 = vector.shape_cast %slice3A_558 : vector<1x64x512xf32> to vector<64x512xf32>
    %dot_general3A_560 = arith.constant dense<0.000000e+00> : vector<64x512xf32>
    %dot_general3A_561 = tpu.matmul %get3A_13, %squeeze3A_559, %dot_general3A_560 {dimension_numbers = #tpu.dot_dimension_numbers<[1], [0], [0], [1], [0, 0, 1, 1], [], []>, transpose_lhs_hint = false} : vector<64x64xf32>, vector<64x512xf32>, vector<64x512xf32> -> vector<64x512xf32>
    %add3A_562 = vector.broadcast %get3A_16 : vector<64x1xf32> to vector<64x512xf32>
    %add3A_563 = arith.addf %dot_general3A_561, %add3A_562 : vector<64x512xf32>
    %max3A_564 = arith.constant 0.000000e+00 : f32
    %max3A_565 = vector.broadcast %max3A_564 : f32 to vector<64x512xf32>
    %max3A_566 = arith.maximumf %add3A_563, %max3A_565 : vector<64x512xf32>
    %add3A_567 = arith.addf %add3A_531, %max3A_566 : vector<64x512xf32>
    %eq3A_568 = vector.broadcast %add3A_557 : i32 to vector<1x512xi32>
    %eq3A_569 = arith.cmpi eq, %iota3A, %eq3A_568 : vector<1x512xi32>
    %jit3A_570 = arith.constant 0.000000e+00 : f32
    %broadcast_in_dim3A_571 = vector.shape_cast %eq3A_569 : vector<1x512xi1> to vector<1x512xi1>
    %broadcast_in_dim3A_572 = vector.broadcast %broadcast_in_dim3A_571 : vector<1x512xi1> to vector<64x512xi1>
    %broadcast_in_dim3A_573 = vector.broadcast %jit3A_570 : f32 to vector<64x512xf32>
    %select_n3A_574 = arith.select %broadcast_in_dim3A_572, %squeeze3A_559, %broadcast_in_dim3A_573 : vector<64x512xi1>, vector<64x512xf32>
    %add3A_575 = arith.addf %add3A_539, %select_n3A_574 : vector<64x512xf32>
    %reduce_sum3A_576 = arith.constant dense<0.000000e+00> : vector<64xf32>
    %reduce_sum3A_577 = vector.multi_reduction <add>, %squeeze3A_559, %reduce_sum3A_576 [1] : vector<64x512xf32> to vector<64xf32>
    %broadcast_in_dim3A_578 = vector.shape_cast %reduce_sum3A_577 : vector<64xf32> to vector<64x1xf32>
    %div3A_579 = arith.constant 5.120000e+02 : f32
    %div3A_580 = vector.broadcast %div3A_579 : f32 to vector<64x1xf32>
    %div3A_581 = arith.divf %broadcast_in_dim3A_578, %div3A_580 : vector<64x1xf32>
    %jit3A_582 = arith.constant 0.000000e+00 : f32
    %broadcast_in_dim3A_583 = vector.shape_cast %eq3A_569 : vector<1x512xi1> to vector<1x512xi1>
    %broadcast_in_dim3A_584 = vector.broadcast %broadcast_in_dim3A_583 : vector<1x512xi1> to vector<64x512xi1>
    %broadcast_in_dim3A_585 = vector.shape_cast %div3A_581 : vector<64x1xf32> to vector<64x1xf32>
    %broadcast_in_dim3A_586 = vector.broadcast %broadcast_in_dim3A_585 : vector<64x1xf32> to vector<64x512xf32>
    %broadcast_in_dim3A_587 = vector.broadcast %jit3A_582 : f32 to vector<64x512xf32>
    %select_n3A_588 = arith.select %broadcast_in_dim3A_584, %broadcast_in_dim3A_586, %broadcast_in_dim3A_587 : vector<64x512xi1>, vector<64x512xf32>
    %add3A_589 = arith.addf %add3A_553, %select_n3A_588 : vector<64x512xf32>
    %get3A_590 = arith.constant 0 : index
    %get3A_591 = arith.constant 0 : index
    %get3A_592 = vector.load %arg5[%get3A_590, %get3A_591] : memref<64x512xf32, #tpu.memory_space<vmem>>, vector<64x512xf32>
    %add3A_593 = arith.addf %get3A_592, %add3A_567 : vector<64x512xf32>
    %swap3A_594 = arith.constant 0 : index
    %swap3A_595 = arith.constant 0 : index
    %swap3A_596 = vector.load %arg5[%swap3A_594, %swap3A_595] : memref<64x512xf32, #tpu.memory_space<vmem>>, vector<64x512xf32>
    tpu.vector_store %arg5[%swap3A_594, %swap3A_595], %add3A_593 {strides = array<i32>} : memref<64x512xf32, #tpu.memory_space<vmem>>, vector<64x512xf32>,
    %get3A_597 = arith.constant 0 : index
    %get3A_598 = arith.constant 0 : index
    %get3A_599 = vector.load %arg6[%get3A_597, %get3A_598] : memref<64x512xf32, #tpu.memory_space<vmem>>, vector<64x512xf32>
    %add3A_600 = arith.addf %get3A_599, %add3A_575 : vector<64x512xf32>
    %swap3A_601 = arith.constant 0 : index
    %swap3A_602 = arith.constant 0 : index
    %swap3A_603 = vector.load %arg6[%swap3A_601, %swap3A_602] : memref<64x512xf32, #tpu.memory_space<vmem>>, vector<64x512xf32>
    tpu.vector_store %arg6[%swap3A_601, %swap3A_602], %add3A_600 {strides = array<i32>} : memref<64x512xf32, #tpu.memory_space<vmem>>, vector<64x512xf32>,
    %get3A_604 = arith.constant 0 : index
    %get3A_605 = arith.constant 0 : index
    %get3A_606 = vector.load %arg7[%get3A_604, %get3A_605] : memref<64x512xf32, #tpu.memory_space<vmem>>, vector<64x512xf32>
    %add3A_607 = arith.addf %get3A_606, %add3A_589 : vector<64x512xf32>
    %swap3A_608 = arith.constant 0 : index
    %swap3A_609 = arith.constant 0 : index
    %swap3A_610 = vector.load %arg7[%swap3A_608, %swap3A_609] : memref<64x512xf32, #tpu.memory_space<vmem>>, vector<64x512xf32>
    tpu.vector_store %arg7[%swap3A_608, %swap3A_609], %add3A_607 {strides = array<i32>} : memref<64x512xf32, #tpu.memory_space<vmem>>, vector<64x512xf32>,
    return
  }
  func.func @transform_0(%arg0: i32) -> (i32, i32, i32) {
    %c0_i32 = arith.constant 0 : i32
    %c0_i32_0 = arith.constant 0 : i32
    %c0_i32_1 = arith.constant 0 : i32
    return %arg0, %c0_i32, %c0_i32_0 : i32, i32, i32
  }
  func.func @transform_1(%arg0: i32) -> (i32, i32) {
    %c0_i32 = arith.constant 0 : i32
    %c0_i32_0 = arith.constant 0 : i32
    %c0_i32_1 = arith.constant 0 : i32
    return %c0_i32, %c0_i32_0 : i32, i32
  }
  func.func @transform_2(%arg0: i32) -> (i32, i32) {
    %c0_i32 = arith.constant 0 : i32
    %c0_i32_0 = arith.constant 0 : i32
    %c0_i32_1 = arith.constant 0 : i32
    return %c0_i32, %c0_i32_0 : i32, i32
  }
  func.func @transform_3(%arg0: i32) -> (i32, i32) {
    %c0_i32 = arith.constant 0 : i32
    %c0_i32_0 = arith.constant 0 : i32
    %c0_i32_1 = arith.constant 0 : i32
    return %c0_i32, %c0_i32_0 : i32, i32
  }
  func.func @transform_4(%arg0: i32) -> (i32, i32) {
    %c0_i32 = arith.constant 0 : i32
    %c0_i32_0 = arith.constant 0 : i32
    %c0_i32_1 = arith.constant 0 : i32
    return %c0_i32, %c0_i32_0 : i32, i32
  }
  func.func @transform_5(%arg0: i32) -> (i32, i32) {
    %c0_i32 = arith.constant 0 : i32
    %c0_i32_0 = arith.constant 0 : i32
    %c0_i32_1 = arith.constant 0 : i32
    return %c0_i32, %c0_i32_0 : i32, i32
  }
  func.func @transform_6(%arg0: i32) -> (i32, i32) {
    %c0_i32 = arith.constant 0 : i32
    %c0_i32_0 = arith.constant 0 : i32
    %c0_i32_1 = arith.constant 0 : i32
    return %c0_i32, %c0_i32_0 : i32, i32
  }
}

module attributes {stable_mosaic.version = 14 : i64} {
  func.func @_main_body(%arg0: i32, %arg1: memref<16x64x512xf32, #tpu.memory_space<vmem>>, %arg2: memref<512x512xf32, #tpu.memory_space<vmem>>, %arg3: memref<64x64xf32, #tpu.memory_space<vmem>>, %arg4: memref<64x1xf32, #tpu.memory_space<vmem>>, %arg5: memref<64x448xf32, #tpu.memory_space<vmem>>, %arg6: memref<64x1xf32, #tpu.memory_space<vmem>>, %arg7: memref<64x448xf32, #tpu.memory_space<vmem>>, %arg8: memref<64x1xf32, #tpu.memory_space<vmem>>, %arg9: memref<64x64xf32, #tpu.memory_space<vmem>>, %arg10: memref<64x1xf32, #tpu.memory_space<vmem>>, %arg11: memref<64x512xf32, #tpu.memory_space<vmem>>, %arg12: memref<64x512xf32, #tpu.memory_space<vmem>>, %arg13: memref<64x512xf32, #tpu.memory_space<vmem>>, %arg14: memref<64x512xf32, #tpu.memory_space<vmem>>, %arg15: memref<16x64x512xf32, #tpu.memory_space<vmem>>, %arg16: memref<64x512xf32, #tpu.memory_space<vmem>>, %arg17: memref<64x512xf32, #tpu.memory_space<vmem>>, %arg18: memref<64x512xf32, #tpu.memory_space<vmem>>, %arg19: memref<128x64xbf16, #tpu.memory_space<vmem>>, %arg20: memref<128x64xbf16, #tpu.memory_space<vmem>>, %arg21: memref<512x512xbf16, #tpu.memory_space<vmem>>) attributes {dimension_semantics = [#tpu.dimension_semantics<arbitrary>], iteration_bounds = array<i64: 32>, scalar_prefetch = 0 : i64, scratch_operands = 6 : i64, tpu.core_type = #tpu.core_type<tc>, window_params = [{transform_indices = @transform_0, window_bounds = array<i64: 16, 64, 512>}, {pipeline_mode = #tpu.pipeline_mode<synchronous>, transform_indices = @transform_1, window_bounds = array<i64: 512, 512>}, {pipeline_mode = #tpu.pipeline_mode<synchronous>, transform_indices = @transform_2, window_bounds = array<i64: 64, 64>}, {pipeline_mode = #tpu.pipeline_mode<synchronous>, transform_indices = @transform_3, window_bounds = array<i64: 64, 1>}, {pipeline_mode = #tpu.pipeline_mode<synchronous>, transform_indices = @transform_4, window_bounds = array<i64: 64, 448>}, {pipeline_mode = #tpu.pipeline_mode<synchronous>, transform_indices = @transform_5, window_bounds = array<i64: 64, 1>}, {pipeline_mode = #tpu.pipeline_mode<synchronous>, transform_indices = @transform_6, window_bounds = array<i64: 64, 448>}, {pipeline_mode = #tpu.pipeline_mode<synchronous>, transform_indices = @transform_7, window_bounds = array<i64: 64, 1>}, {pipeline_mode = #tpu.pipeline_mode<synchronous>, transform_indices = @transform_8, window_bounds = array<i64: 64, 64>}, {pipeline_mode = #tpu.pipeline_mode<synchronous>, transform_indices = @transform_9, window_bounds = array<i64: 64, 1>}, {pipeline_mode = #tpu.pipeline_mode<synchronous>, transform_indices = @transform_10, window_bounds = array<i64: 64, 512>}, {pipeline_mode = #tpu.pipeline_mode<synchronous>, transform_indices = @transform_11, window_bounds = array<i64: 64, 512>}, {pipeline_mode = #tpu.pipeline_mode<synchronous>, transform_indices = @transform_12, window_bounds = array<i64: 64, 512>}, {pipeline_mode = #tpu.pipeline_mode<synchronous>, transform_indices = @transform_13, window_bounds = array<i64: 64, 512>}, {transform_indices = @transform_14, window_bounds = array<i64: 16, 64, 512>}]} {
    %eq3A = arith.constant 0 : i32
    %eq3A_0 = arith.cmpi eq, %arg0, %eq3A : i32
    %convert_element_type3A = arith.extui %eq3A_0 : i1 to i32
    %cond3A = arith.constant 0 : i32
    %cond3A_1 = arith.cmpi ne, %convert_element_type3A, %cond3A : i32
    scf.if %cond3A_1 {
      %get3A_1212 = arith.constant 0 : index
      %get3A_1213 = arith.constant 0 : index
      %get3A_1214 = vector.load %arg9[%get3A_1212, %get3A_1213] : memref<64x64xf32, #tpu.memory_space<vmem>>, vector<64x64xf32>
      %get3A_1215 = arith.constant 0 : index
      %get3A_1216 = arith.constant 0 : index
      %get3A_1217 = vector.load %arg5[%get3A_1215, %get3A_1216] : memref<64x448xf32, #tpu.memory_space<vmem>>, vector<64x448xf32>
      %dot_general3A_1218 = arith.constant dense<0.000000e+00> : vector<64x448xf32>
      %dot_general3A_1219 = tpu.matmul %get3A_1214, %get3A_1217, %dot_general3A_1218 {dimension_numbers = #tpu.dot_dimension_numbers<[1], [0], [0], [1], [0, 0, 1, 1], [], []>, transpose_lhs_hint = false} : vector<64x64xf32>, vector<64x448xf32>, vector<64x448xf32> -> vector<64x448xf32>
      %get3A_1220 = arith.constant 0 : index
      %get3A_1221 = arith.constant 0 : index
      %get3A_1222 = vector.load %arg7[%get3A_1220, %get3A_1221] : memref<64x448xf32, #tpu.memory_space<vmem>>, vector<64x448xf32>
      %dot_general3A_1223 = arith.constant dense<0.000000e+00> : vector<64x448xf32>
      %dot_general3A_1224 = tpu.matmul %get3A_1214, %get3A_1222, %dot_general3A_1223 {dimension_numbers = #tpu.dot_dimension_numbers<[1], [0], [0], [1], [0, 0, 1, 1], [], []>, transpose_lhs_hint = false} : vector<64x64xf32>, vector<64x448xf32>, vector<64x448xf32> -> vector<64x448xf32>
      %get3A_1225 = arith.constant 0 : index
      %get3A_1226 = arith.constant 0 : index
      %get3A_1227 = vector.load %arg6[%get3A_1225, %get3A_1226] : memref<64x1xf32, #tpu.memory_space<vmem>>, vector<64x1xf32>
      %dot_general3A_1228 = arith.constant dense<0.000000e+00> : vector<64x1xf32>
      %dot_general3A_1229 = tpu.matmul %get3A_1214, %get3A_1227, %dot_general3A_1228 {dimension_numbers = #tpu.dot_dimension_numbers<[1], [0], [0], [1], [0, 0, 1, 1], [], []>, transpose_lhs_hint = false} : vector<64x64xf32>, vector<64x1xf32>, vector<64x1xf32> -> vector<64x1xf32>
      %get3A_1230 = arith.constant 0 : index
      %get3A_1231 = arith.constant 0 : index
      %get3A_1232 = vector.load %arg10[%get3A_1230, %get3A_1231] : memref<64x1xf32, #tpu.memory_space<vmem>>, vector<64x1xf32>
      %add3A_1233 = arith.addf %dot_general3A_1229, %get3A_1232 : vector<64x1xf32>
      %get3A_1234 = arith.constant 0 : index
      %get3A_1235 = arith.constant 0 : index
      %get3A_1236 = vector.load %arg8[%get3A_1234, %get3A_1235] : memref<64x1xf32, #tpu.memory_space<vmem>>, vector<64x1xf32>
      %dot_general3A_1237 = arith.constant dense<0.000000e+00> : vector<64x1xf32>
      %dot_general3A_1238 = tpu.matmul %get3A_1214, %get3A_1236, %dot_general3A_1237 {dimension_numbers = #tpu.dot_dimension_numbers<[1], [0], [0], [1], [0, 0, 1, 1], [], []>, transpose_lhs_hint = false} : vector<64x64xf32>, vector<64x1xf32>, vector<64x1xf32> -> vector<64x1xf32>
      %get3A_1239 = arith.constant 0 : index
      %get3A_1240 = arith.constant 0 : index
      %get3A_1241 = vector.load %arg10[%get3A_1239, %get3A_1240] : memref<64x1xf32, #tpu.memory_space<vmem>>, vector<64x1xf32>
      %add3A_1242 = arith.addf %dot_general3A_1238, %get3A_1241 : vector<64x1xf32>
      %get3A_1243 = arith.constant 0 : index
      %get3A_1244 = arith.constant 0 : index
      %get3A_1245 = vector.load %arg3[%get3A_1243, %get3A_1244] : memref<64x64xf32, #tpu.memory_space<vmem>>, vector<64x64xf32>
      %slice3A_1246 = vector.extract_strided_slice %dot_general3A_1219 {offsets = [0, 0], sizes = [64, 64], strides = [1, 1]} : vector<64x448xf32> to vector<64x64xf32>
      %concatenate3A = tpu.concatenate %get3A_1245, %slice3A_1246 in 0 : vector<64x64xf32>, vector<64x64xf32> -> vector<128x64xf32>
      %convert_element_type3A_1247 = arith.truncf %concatenate3A : vector<128x64xf32> to vector<128x64xbf16>
      %swap3A_1248 = arith.constant 0 : index
      %swap3A_1249 = arith.constant 0 : index
      %swap3A_1250 = vector.load %arg19[%swap3A_1248, %swap3A_1249] : memref<128x64xbf16, #tpu.memory_space<vmem>>, vector<128x64xbf16>
      tpu.vector_store %arg19[%swap3A_1248, %swap3A_1249], %convert_element_type3A_1247 {strides = array<i32>} : memref<128x64xbf16, #tpu.memory_space<vmem>>, vector<128x64xbf16>,
      %slice3A_1251 = vector.extract_strided_slice %dot_general3A_1219 {offsets = [0, 192], sizes = [64, 64], strides = [1, 1]} : vector<64x448xf32> to vector<64x64xf32>
      %slice3A_1252 = vector.extract_strided_slice %dot_general3A_1224 {offsets = [0, 192], sizes = [64, 64], strides = [1, 1]} : vector<64x448xf32> to vector<64x64xf32>
      %concatenate3A_1253 = tpu.concatenate %slice3A_1251, %slice3A_1252 in 0 : vector<64x64xf32>, vector<64x64xf32> -> vector<128x64xf32>
      %convert_element_type3A_1254 = arith.truncf %concatenate3A_1253 : vector<128x64xf32> to vector<128x64xbf16>
      %swap3A_1255 = arith.constant 0 : index
      %swap3A_1256 = arith.constant 0 : index
      %swap3A_1257 = vector.load %arg20[%swap3A_1255, %swap3A_1256] : memref<128x64xbf16, #tpu.memory_space<vmem>>, vector<128x64xbf16>
      tpu.vector_store %arg20[%swap3A_1255, %swap3A_1256], %convert_element_type3A_1254 {strides = array<i32>} : memref<128x64xbf16, #tpu.memory_space<vmem>>, vector<128x64xbf16>,
      %get3A_1258 = arith.constant 0 : index
      %get3A_1259 = arith.constant 0 : index
      %get3A_1260 = vector.load %arg2[%get3A_1258, %get3A_1259] : memref<512x512xf32, #tpu.memory_space<vmem>>, vector<512x512xf32>
      %convert_element_type3A_1261 = arith.truncf %get3A_1260 : vector<512x512xf32> to vector<512x512xbf16>
      %swap3A_1262 = arith.constant 0 : index
      %swap3A_1263 = arith.constant 0 : index
      %swap3A_1264 = vector.load %arg21[%swap3A_1262, %swap3A_1263] : memref<512x512xbf16, #tpu.memory_space<vmem>>, vector<512x512xbf16>
      tpu.vector_store %arg21[%swap3A_1262, %swap3A_1263], %convert_element_type3A_1261 {strides = array<i32>} : memref<512x512xbf16, #tpu.memory_space<vmem>>, vector<512x512xbf16>,
      %get3A_1265 = arith.constant 0 : index
      %get3A_1266 = arith.constant 0 : index
      %get3A_1267 = vector.load %arg11[%get3A_1265, %get3A_1266] : memref<64x512xf32, #tpu.memory_space<vmem>>, vector<64x512xf32>
      %mul3A_1268 = arith.constant 0.001953125 : f32
      %mul3A_1269 = vector.broadcast %mul3A_1268 : f32 to vector<64x512xf32>
      %mul3A_1270 = arith.mulf %get3A_1267, %mul3A_1269 : vector<64x512xf32>
      %get3A_1271 = arith.constant 0 : index
      %get3A_1272 = arith.constant 0 : index
      %get3A_1273 = vector.load %arg12[%get3A_1271, %get3A_1272] : memref<64x512xf32, #tpu.memory_space<vmem>>, vector<64x512xf32>
      %mul3A_1274 = arith.constant 0.001953125 : f32
      %mul3A_1275 = vector.broadcast %mul3A_1274 : f32 to vector<64x512xf32>
      %mul3A_1276 = arith.mulf %get3A_1273, %mul3A_1275 : vector<64x512xf32>
      %get3A_1277 = arith.constant 0 : index
      %get3A_1278 = arith.constant 0 : index
      %get3A_1279 = vector.load %arg13[%get3A_1277, %get3A_1278] : memref<64x512xf32, #tpu.memory_space<vmem>>, vector<64x512xf32>
      %get3A_1280 = arith.constant 0 : index
      %get3A_1281 = arith.constant 0 : index
      %get3A_1282 = vector.load %arg14[%get3A_1280, %get3A_1281] : memref<64x512xf32, #tpu.memory_space<vmem>>, vector<64x512xf32>
      %convert_element_type3A_1283 = arith.truncf %mul3A_1276 : vector<64x512xf32> to vector<64x512xbf16>
      %dot_general3A_1284 = arith.constant dense<0.000000e+00> : vector<64x512xf32>
      %dot_general3A_1285 = tpu.matmul %convert_element_type3A_1283, %convert_element_type3A_1261, %dot_general3A_1284 {dimension_numbers = #tpu.dot_dimension_numbers<[1], [0], [0], [1], [0, 0, 1, 1], [], []>, transpose_lhs_hint = false} : vector<64x512xbf16>, vector<512x512xbf16>, vector<64x512xf32> -> vector<64x512xf32>
      %slice3A_1286 = vector.extract_strided_slice %dot_general3A_1224 {offsets = [0, 0], sizes = [64, 64], strides = [1, 1]} : vector<64x448xf32> to vector<64x64xf32>
      %slice3A_1287 = vector.extract_strided_slice %dot_general3A_1224 {offsets = [0, 64], sizes = [64, 64], strides = [1, 1]} : vector<64x448xf32> to vector<64x64xf32>
      %add3A_1288 = arith.addf %slice3A_1286, %slice3A_1287 : vector<64x64xf32>
      %slice3A_1289 = vector.extract_strided_slice %dot_general3A_1224 {offsets = [0, 128], sizes = [64, 64], strides = [1, 1]} : vector<64x448xf32> to vector<64x64xf32>
      %add3A_1290 = arith.addf %add3A_1288, %slice3A_1289 : vector<64x64xf32>
      %slice3A_1291 = vector.extract_strided_slice %dot_general3A_1219 {offsets = [0, 128], sizes = [64, 64], strides = [1, 1]} : vector<64x448xf32> to vector<64x64xf32>
      %dot_general3A_1292 = arith.constant dense<0.000000e+00> : vector<64x512xf32>
      %dot_general3A_1293 = tpu.matmul %slice3A_1291, %get3A_1279, %dot_general3A_1292 {dimension_numbers = #tpu.dot_dimension_numbers<[1], [0], [0], [1], [0, 0, 1, 1], [], []>, transpose_lhs_hint = false} : vector<64x64xf32>, vector<64x512xf32>, vector<64x512xf32> -> vector<64x512xf32>
      %slice3A_1294 = vector.extract_strided_slice %dot_general3A_1219 {offsets = [0, 256], sizes = [64, 64], strides = [1, 1]} : vector<64x448xf32> to vector<64x64xf32>
      %dot_general3A_1295 = arith.constant dense<0.000000e+00> : vector<64x512xf32>
      %dot_general3A_1296 = tpu.matmul %slice3A_1294, %mul3A_1270, %dot_general3A_1295 {dimension_numbers = #tpu.dot_dimension_numbers<[1], [0], [0], [1], [0, 0, 1, 1], [], []>, transpose_lhs_hint = false} : vector<64x64xf32>, vector<64x512xf32>, vector<64x512xf32> -> vector<64x512xf32>
      %add3A_1297 = arith.addf %dot_general3A_1293, %dot_general3A_1296 : vector<64x512xf32>
      %slice3A_1298 = vector.extract_strided_slice %dot_general3A_1219 {offsets = [0, 384], sizes = [64, 64], strides = [1, 1]} : vector<64x448xf32> to vector<64x64xf32>
      %dot_general3A_1299 = arith.constant dense<0.000000e+00> : vector<64x512xf32>
      %dot_general3A_1300 = tpu.matmul %slice3A_1298, %dot_general3A_1285, %dot_general3A_1299 {dimension_numbers = #tpu.dot_dimension_numbers<[1], [0], [0], [1], [0, 0, 1, 1], [], []>, transpose_lhs_hint = false} : vector<64x64xf32>, vector<64x512xf32>, vector<64x512xf32> -> vector<64x512xf32>
      %add3A_1301 = arith.addf %add3A_1297, %dot_general3A_1300 : vector<64x512xf32>
      %swap3A_1302 = arith.constant 0 : index
      %swap3A_1303 = arith.constant 0 : index
      %swap3A_1304 = vector.load %arg16[%swap3A_1302, %swap3A_1303] : memref<64x512xf32, #tpu.memory_space<vmem>>, vector<64x512xf32>
      tpu.vector_store %arg16[%swap3A_1302, %swap3A_1303], %add3A_1301 {strides = array<i32>} : memref<64x512xf32, #tpu.memory_space<vmem>>, vector<64x512xf32>,
      %slice3A_1305 = vector.extract_strided_slice %dot_general3A_1219 {offsets = [0, 64], sizes = [64, 64], strides = [1, 1]} : vector<64x448xf32> to vector<64x64xf32>
      %dot_general3A_1306 = arith.constant dense<0.000000e+00> : vector<64x512xf32>
      %dot_general3A_1307 = tpu.matmul %slice3A_1305, %get3A_1279, %dot_general3A_1306 {dimension_numbers = #tpu.dot_dimension_numbers<[1], [0], [0], [1], [0, 0, 1, 1], [], []>, transpose_lhs_hint = false} : vector<64x64xf32>, vector<64x512xf32>, vector<64x512xf32> -> vector<64x512xf32>
      %slice3A_1308 = vector.extract_strided_slice %dot_general3A_1219 {offsets = [0, 320], sizes = [64, 64], strides = [1, 1]} : vector<64x448xf32> to vector<64x64xf32>
      %dot_general3A_1309 = arith.constant dense<0.000000e+00> : vector<64x512xf32>
      %dot_general3A_1310 = tpu.matmul %slice3A_1308, %get3A_1282, %dot_general3A_1309 {dimension_numbers = #tpu.dot_dimension_numbers<[1], [0], [0], [1], [0, 0, 1, 1], [], []>, transpose_lhs_hint = false} : vector<64x64xf32>, vector<64x512xf32>, vector<64x512xf32> -> vector<64x512xf32>
      %add3A_1311 = arith.addf %dot_general3A_1307, %dot_general3A_1310 : vector<64x512xf32>
      %add3A_1312 = vector.broadcast %add3A_1233 : vector<64x1xf32> to vector<64x512xf32>
      %add3A_1313 = arith.addf %add3A_1311, %add3A_1312 : vector<64x512xf32>
      %swap3A_1314 = arith.constant 0 : index
      %swap3A_1315 = arith.constant 0 : index
      %swap3A_1316 = vector.load %arg17[%swap3A_1314, %swap3A_1315] : memref<64x512xf32, #tpu.memory_space<vmem>>, vector<64x512xf32>
      tpu.vector_store %arg17[%swap3A_1314, %swap3A_1315], %add3A_1313 {strides = array<i32>} : memref<64x512xf32, #tpu.memory_space<vmem>>, vector<64x512xf32>,
      %dot_general3A_1317 = arith.constant dense<0.000000e+00> : vector<64x512xf32>
      %dot_general3A_1318 = tpu.matmul %add3A_1290, %get3A_1279, %dot_general3A_1317 {dimension_numbers = #tpu.dot_dimension_numbers<[1], [0], [0], [1], [0, 0, 1, 1], [], []>, transpose_lhs_hint = false} : vector<64x64xf32>, vector<64x512xf32>, vector<64x512xf32> -> vector<64x512xf32>
      %slice3A_1319 = vector.extract_strided_slice %dot_general3A_1224 {offsets = [0, 256], sizes = [64, 64], strides = [1, 1]} : vector<64x448xf32> to vector<64x64xf32>
      %dot_general3A_1320 = arith.constant dense<0.000000e+00> : vector<64x512xf32>
      %dot_general3A_1321 = tpu.matmul %slice3A_1319, %mul3A_1270, %dot_general3A_1320 {dimension_numbers = #tpu.dot_dimension_numbers<[1], [0], [0], [1], [0, 0, 1, 1], [], []>, transpose_lhs_hint = false} : vector<64x64xf32>, vector<64x512xf32>, vector<64x512xf32> -> vector<64x512xf32>
      %add3A_1322 = arith.addf %dot_general3A_1318, %dot_general3A_1321 : vector<64x512xf32>
      %slice3A_1323 = vector.extract_strided_slice %dot_general3A_1224 {offsets = [0, 320], sizes = [64, 64], strides = [1, 1]} : vector<64x448xf32> to vector<64x64xf32>
      %dot_general3A_1324 = arith.constant dense<0.000000e+00> : vector<64x512xf32>
      %dot_general3A_1325 = tpu.matmul %slice3A_1323, %get3A_1282, %dot_general3A_1324 {dimension_numbers = #tpu.dot_dimension_numbers<[1], [0], [0], [1], [0, 0, 1, 1], [], []>, transpose_lhs_hint = false} : vector<64x64xf32>, vector<64x512xf32>, vector<64x512xf32> -> vector<64x512xf32>
      %add3A_1326 = arith.addf %add3A_1322, %dot_general3A_1325 : vector<64x512xf32>
      %slice3A_1327 = vector.extract_strided_slice %dot_general3A_1224 {offsets = [0, 384], sizes = [64, 64], strides = [1, 1]} : vector<64x448xf32> to vector<64x64xf32>
      %dot_general3A_1328 = arith.constant dense<0.000000e+00> : vector<64x512xf32>
      %dot_general3A_1329 = tpu.matmul %slice3A_1327, %dot_general3A_1285, %dot_general3A_1328 {dimension_numbers = #tpu.dot_dimension_numbers<[1], [0], [0], [1], [0, 0, 1, 1], [], []>, transpose_lhs_hint = false} : vector<64x64xf32>, vector<64x512xf32>, vector<64x512xf32> -> vector<64x512xf32>
      %add3A_1330 = arith.addf %add3A_1326, %dot_general3A_1329 : vector<64x512xf32>
      %add3A_1331 = vector.broadcast %add3A_1242 : vector<64x1xf32> to vector<64x512xf32>
      %add3A_1332 = arith.addf %add3A_1330, %add3A_1331 : vector<64x512xf32>
      %swap3A_1333 = arith.constant 0 : index
      %swap3A_1334 = arith.constant 0 : index
      %swap3A_1335 = vector.load %arg18[%swap3A_1333, %swap3A_1334] : memref<64x512xf32, #tpu.memory_space<vmem>>, vector<64x512xf32>
      tpu.vector_store %arg18[%swap3A_1333, %swap3A_1334], %add3A_1332 {strides = array<i32>} : memref<64x512xf32, #tpu.memory_space<vmem>>, vector<64x512xf32>,
    } else {
    }
    %get3A = arith.constant 0 : index
    %get3A_2 = arith.constant 0 : index
    %get3A_3 = vector.load %arg21[%get3A, %get3A_2] : memref<512x512xbf16, #tpu.memory_space<vmem>>, vector<512x512xbf16>
    %get3A_4 = arith.constant 0 : index
    %get3A_5 = arith.constant 0 : index
    %get3A_6 = vector.load %arg17[%get3A_4, %get3A_5] : memref<64x512xf32, #tpu.memory_space<vmem>>, vector<64x512xf32>
    %get3A_7 = arith.constant 0 : index
    %get3A_8 = arith.constant 0 : index
    %get3A_9 = vector.load %arg16[%get3A_7, %get3A_8] : memref<64x512xf32, #tpu.memory_space<vmem>>, vector<64x512xf32>
    %get3A_10 = arith.constant 0 : index
    %get3A_11 = arith.constant 0 : index
    %get3A_12 = vector.load %arg18[%get3A_10, %get3A_11] : memref<64x512xf32, #tpu.memory_space<vmem>>, vector<64x512xf32>
    %get3A_13 = arith.constant 0 : index
    %get3A_14 = arith.constant 0 : index
    %get3A_15 = vector.load %arg19[%get3A_13, %get3A_14] : memref<128x64xbf16, #tpu.memory_space<vmem>>, vector<128x64xbf16>
    %get3A_16 = arith.constant 0 : index
    %get3A_17 = arith.constant 0 : index
    %get3A_18 = vector.load %arg20[%get3A_16, %get3A_17] : memref<128x64xbf16, #tpu.memory_space<vmem>>, vector<128x64xbf16>
    %get3A_19 = arith.constant 0 : index
    %get3A_20 = arith.constant 0 : index
    %get3A_21 = vector.load %arg4[%get3A_19, %get3A_20] : memref<64x1xf32, #tpu.memory_space<vmem>>, vector<64x1xf32>
    %iota3A = tpu.iota {dimensions = array<i32: 1>} : vector<1x512xi32>
    %mul3A = arith.constant 16 : i32
    %mul3A_22 = arith.muli %arg0, %mul3A : i32
    %add3A = arith.constant 0 : i32
    %add3A_23 = arith.addi %mul3A_22, %add3A : i32
    %get3A_24 = arith.constant 0 : index
    %get3A_25 = arith.constant 0 : index
    %get3A_26 = arith.constant 0 : index
    %get3A_27 = vector.load %arg1[%get3A_24, %get3A_25, %get3A_26] : memref<16x64x512xf32, #tpu.memory_space<vmem>>, vector<1x64x512xf32>
    %get3A_28 = vector.shape_cast %get3A_27 : vector<1x64x512xf32> to vector<64x512xf32>
    %convert_element_type3A_29 = arith.truncf %get3A_28 : vector<64x512xf32> to vector<64x512xbf16>
    %dot_general3A = arith.constant dense<0.000000e+00> : vector<128x512xf32>
    %dot_general3A_30 = tpu.matmul %get3A_15, %convert_element_type3A_29, %dot_general3A {dimension_numbers = #tpu.dot_dimension_numbers<[1], [0], [0], [1], [0, 0, 1, 1], [], []>, transpose_lhs_hint = false} : vector<128x64xbf16>, vector<64x512xbf16>, vector<128x512xf32> -> vector<128x512xf32>
    %slice3A = vector.extract_strided_slice %dot_general3A_30 {offsets = [0, 0], sizes = [64, 512], strides = [1, 1]} : vector<128x512xf32> to vector<64x512xf32>
    %add3A_31 = vector.broadcast %get3A_21 : vector<64x1xf32> to vector<64x512xf32>
    %add3A_32 = arith.addf %slice3A, %add3A_31 : vector<64x512xf32>
    %max3A = arith.constant 0.000000e+00 : f32
    %max3A_33 = vector.broadcast %max3A : f32 to vector<64x512xf32>
    %max3A_34 = arith.maximumf %add3A_32, %max3A_33 : vector<64x512xf32>
    %slice3A_35 = vector.extract_strided_slice %dot_general3A_30 {offsets = [64, 0], sizes = [64, 512], strides = [1, 1]} : vector<128x512xf32> to vector<64x512xf32>
    %convert_element_type3A_36 = arith.truncf %max3A_34 : vector<64x512xf32> to vector<64x512xbf16>
    %dot_general3A_37 = arith.constant dense<0.000000e+00> : vector<128x512xf32>
    %dot_general3A_38 = tpu.matmul %get3A_18, %convert_element_type3A_36, %dot_general3A_37 {dimension_numbers = #tpu.dot_dimension_numbers<[1], [0], [0], [1], [0, 0, 1, 1], [], []>, transpose_lhs_hint = false} : vector<128x64xbf16>, vector<64x512xbf16>, vector<128x512xf32> -> vector<128x512xf32>
    %convert_element_type3A_39 = arith.truncf %dot_general3A_38 : vector<128x512xf32> to vector<128x512xbf16>
    %dot_general3A_40 = arith.constant dense<0.000000e+00> : vector<128x512xf32>
    %dot_general3A_41 = tpu.matmul %convert_element_type3A_39, %get3A_3, %dot_general3A_40 {dimension_numbers = #tpu.dot_dimension_numbers<[1], [0], [0], [1], [0, 0, 1, 1], [], []>, transpose_lhs_hint = false} : vector<128x512xbf16>, vector<512x512xbf16>, vector<128x512xf32> -> vector<128x512xf32>
    %slice3A_42 = vector.extract_strided_slice %dot_general3A_41 {offsets = [0, 0], sizes = [64, 512], strides = [1, 1]} : vector<128x512xf32> to vector<64x512xf32>
    %eq3A_43 = vector.broadcast %add3A_23 : i32 to vector<1x512xi32>
    %eq3A_44 = arith.cmpi eq, %iota3A, %eq3A_43 : vector<1x512xi32>
    %jit3A = arith.constant 0.000000e+00 : f32
    %broadcast_in_dim3A = vector.shape_cast %eq3A_44 : vector<1x512xi1> to vector<1x512xi1>
    %broadcast_in_dim3A_45 = vector.broadcast %broadcast_in_dim3A : vector<1x512xi1> to vector<64x512xi1>
    %broadcast_in_dim3A_46 = vector.broadcast %jit3A : f32 to vector<64x512xf32>
    %select_n3A = arith.select %broadcast_in_dim3A_45, %get3A_9, %broadcast_in_dim3A_46 : vector<64x512xi1>, vector<64x512xf32>
    %reduce_sum3A = arith.constant dense<0.000000e+00> : vector<64xf32>
    %reduce_sum3A_47 = vector.multi_reduction <add>, %select_n3A, %reduce_sum3A [1] : vector<64x512xf32> to vector<64xf32>
    %broadcast_in_dim3A_48 = vector.shape_cast %reduce_sum3A_47 : vector<64xf32> to vector<64x1xf32>
    %jit3A_49 = arith.constant 0.000000e+00 : f32
    %broadcast_in_dim3A_50 = vector.shape_cast %eq3A_44 : vector<1x512xi1> to vector<1x512xi1>
    %broadcast_in_dim3A_51 = vector.broadcast %broadcast_in_dim3A_50 : vector<1x512xi1> to vector<64x512xi1>
    %broadcast_in_dim3A_52 = vector.broadcast %jit3A_49 : f32 to vector<64x512xf32>
    %select_n3A_53 = arith.select %broadcast_in_dim3A_51, %get3A_12, %broadcast_in_dim3A_52 : vector<64x512xi1>, vector<64x512xf32>
    %reduce_sum3A_54 = arith.constant dense<0.000000e+00> : vector<64xf32>
    %reduce_sum3A_55 = vector.multi_reduction <add>, %select_n3A_53, %reduce_sum3A_54 [1] : vector<64x512xf32> to vector<64xf32>
    %broadcast_in_dim3A_56 = vector.shape_cast %reduce_sum3A_55 : vector<64xf32> to vector<64x1xf32>
    %slice3A_57 = vector.extract_strided_slice %dot_general3A_41 {offsets = [64, 0], sizes = [64, 512], strides = [1, 1]} : vector<128x512xf32> to vector<64x512xf32>
    %jit3A_58 = arith.constant 0.000000e+00 : f32
    %broadcast_in_dim3A_59 = vector.shape_cast %eq3A_44 : vector<1x512xi1> to vector<1x512xi1>
    %broadcast_in_dim3A_60 = vector.broadcast %broadcast_in_dim3A_59 : vector<1x512xi1> to vector<64x512xi1>
    %broadcast_in_dim3A_61 = vector.broadcast %jit3A_58 : f32 to vector<64x512xf32>
    %select_n3A_62 = arith.select %broadcast_in_dim3A_60, %slice3A_57, %broadcast_in_dim3A_61 : vector<64x512xi1>, vector<64x512xf32>
    %reduce_sum3A_63 = arith.constant dense<0.000000e+00> : vector<64xf32>
    %reduce_sum3A_64 = vector.multi_reduction <add>, %select_n3A_62, %reduce_sum3A_63 [1] : vector<64x512xf32> to vector<64xf32>
    %broadcast_in_dim3A_65 = vector.shape_cast %reduce_sum3A_64 : vector<64xf32> to vector<64x1xf32>
    %add3A_66 = arith.addf %broadcast_in_dim3A_56, %broadcast_in_dim3A_65 : vector<64x1xf32>
    %add3A_67 = arith.addf %slice3A_35, %slice3A_42 : vector<64x512xf32>
    %add3A_68 = vector.broadcast %broadcast_in_dim3A_48 : vector<64x1xf32> to vector<64x512xf32>
    %add3A_69 = arith.addf %add3A_67, %add3A_68 : vector<64x512xf32>
    %add3A_70 = arith.addf %add3A_69, %get3A_6 : vector<64x512xf32>
    %max3A_71 = arith.constant 0.000000e+00 : f32
    %max3A_72 = vector.broadcast %max3A_71 : f32 to vector<64x1xf32>
    %max3A_73 = arith.maximumf %add3A_66, %max3A_72 : vector<64x1xf32>
    %max3A_74 = arith.constant 0.000000e+00 : f32
    %max3A_75 = vector.broadcast %max3A_74 : f32 to vector<64x512xf32>
    %max3A_76 = arith.maximumf %add3A_70, %max3A_75 : vector<64x512xf32>
    %broadcast_in_dim3A_77 = vector.shape_cast %eq3A_44 : vector<1x512xi1> to vector<1x512xi1>
    %broadcast_in_dim3A_78 = vector.broadcast %broadcast_in_dim3A_77 : vector<1x512xi1> to vector<64x512xi1>
    %broadcast_in_dim3A_79 = vector.shape_cast %max3A_73 : vector<64x1xf32> to vector<64x1xf32>
    %broadcast_in_dim3A_80 = vector.broadcast %broadcast_in_dim3A_79 : vector<64x1xf32> to vector<64x512xf32>
    %select_n3A_81 = arith.select %broadcast_in_dim3A_78, %broadcast_in_dim3A_80, %max3A_76 : vector<64x512xi1>, vector<64x512xf32>
    %swap3A = arith.constant 0 : index
    %swap3A_82 = arith.constant 0 : index
    %swap3A_83 = arith.constant 0 : index
    %swap3A_84 = vector.load %arg15[%swap3A, %swap3A_82, %swap3A_83] : memref<16x64x512xf32, #tpu.memory_space<vmem>>, vector<1x64x512xf32>
    %swap3A_85 = vector.shape_cast %swap3A_84 : vector<1x64x512xf32> to vector<64x512xf32>
    %swap3A_86 = vector.shape_cast %select_n3A_81 : vector<64x512xf32> to vector<1x64x512xf32>
    tpu.vector_store %arg15[%swap3A, %swap3A_82, %swap3A_83], %swap3A_86 {strides = array<i32>} : memref<16x64x512xf32, #tpu.memory_space<vmem>>, vector<1x64x512xf32>,
    %mul3A_87 = arith.constant 16 : i32
    %mul3A_88 = arith.muli %arg0, %mul3A_87 : i32
    %add3A_89 = arith.constant 1 : i32
    %add3A_90 = arith.addi %mul3A_88, %add3A_89 : i32
    %get3A_91 = arith.constant 1 : index
    %get3A_92 = arith.constant 0 : index
    %get3A_93 = arith.constant 0 : index
    %get3A_94 = vector.load %arg1[%get3A_91, %get3A_92, %get3A_93] : memref<16x64x512xf32, #tpu.memory_space<vmem>>, vector<1x64x512xf32>
    %get3A_95 = vector.shape_cast %get3A_94 : vector<1x64x512xf32> to vector<64x512xf32>
    %convert_element_type3A_96 = arith.truncf %get3A_95 : vector<64x512xf32> to vector<64x512xbf16>
    %dot_general3A_97 = arith.constant dense<0.000000e+00> : vector<128x512xf32>
    %dot_general3A_98 = tpu.matmul %get3A_15, %convert_element_type3A_96, %dot_general3A_97 {dimension_numbers = #tpu.dot_dimension_numbers<[1], [0], [0], [1], [0, 0, 1, 1], [], []>, transpose_lhs_hint = false} : vector<128x64xbf16>, vector<64x512xbf16>, vector<128x512xf32> -> vector<128x512xf32>
    %slice3A_99 = vector.extract_strided_slice %dot_general3A_98 {offsets = [0, 0], sizes = [64, 512], strides = [1, 1]} : vector<128x512xf32> to vector<64x512xf32>
    %add3A_100 = vector.broadcast %get3A_21 : vector<64x1xf32> to vector<64x512xf32>
    %add3A_101 = arith.addf %slice3A_99, %add3A_100 : vector<64x512xf32>
    %max3A_102 = arith.constant 0.000000e+00 : f32
    %max3A_103 = vector.broadcast %max3A_102 : f32 to vector<64x512xf32>
    %max3A_104 = arith.maximumf %add3A_101, %max3A_103 : vector<64x512xf32>
    %slice3A_105 = vector.extract_strided_slice %dot_general3A_98 {offsets = [64, 0], sizes = [64, 512], strides = [1, 1]} : vector<128x512xf32> to vector<64x512xf32>
    %convert_element_type3A_106 = arith.truncf %max3A_104 : vector<64x512xf32> to vector<64x512xbf16>
    %dot_general3A_107 = arith.constant dense<0.000000e+00> : vector<128x512xf32>
    %dot_general3A_108 = tpu.matmul %get3A_18, %convert_element_type3A_106, %dot_general3A_107 {dimension_numbers = #tpu.dot_dimension_numbers<[1], [0], [0], [1], [0, 0, 1, 1], [], []>, transpose_lhs_hint = false} : vector<128x64xbf16>, vector<64x512xbf16>, vector<128x512xf32> -> vector<128x512xf32>
    %convert_element_type3A_109 = arith.truncf %dot_general3A_108 : vector<128x512xf32> to vector<128x512xbf16>
    %dot_general3A_110 = arith.constant dense<0.000000e+00> : vector<128x512xf32>
    %dot_general3A_111 = tpu.matmul %convert_element_type3A_109, %get3A_3, %dot_general3A_110 {dimension_numbers = #tpu.dot_dimension_numbers<[1], [0], [0], [1], [0, 0, 1, 1], [], []>, transpose_lhs_hint = false} : vector<128x512xbf16>, vector<512x512xbf16>, vector<128x512xf32> -> vector<128x512xf32>
    %slice3A_112 = vector.extract_strided_slice %dot_general3A_111 {offsets = [0, 0], sizes = [64, 512], strides = [1, 1]} : vector<128x512xf32> to vector<64x512xf32>
    %eq3A_113 = vector.broadcast %add3A_90 : i32 to vector<1x512xi32>
    %eq3A_114 = arith.cmpi eq, %iota3A, %eq3A_113 : vector<1x512xi32>
    %jit3A_115 = arith.constant 0.000000e+00 : f32
    %broadcast_in_dim3A_116 = vector.shape_cast %eq3A_114 : vector<1x512xi1> to vector<1x512xi1>
    %broadcast_in_dim3A_117 = vector.broadcast %broadcast_in_dim3A_116 : vector<1x512xi1> to vector<64x512xi1>
    %broadcast_in_dim3A_118 = vector.broadcast %jit3A_115 : f32 to vector<64x512xf32>
    %select_n3A_119 = arith.select %broadcast_in_dim3A_117, %get3A_9, %broadcast_in_dim3A_118 : vector<64x512xi1>, vector<64x512xf32>
    %reduce_sum3A_120 = arith.constant dense<0.000000e+00> : vector<64xf32>
    %reduce_sum3A_121 = vector.multi_reduction <add>, %select_n3A_119, %reduce_sum3A_120 [1] : vector<64x512xf32> to vector<64xf32>
    %broadcast_in_dim3A_122 = vector.shape_cast %reduce_sum3A_121 : vector<64xf32> to vector<64x1xf32>
    %jit3A_123 = arith.constant 0.000000e+00 : f32
    %broadcast_in_dim3A_124 = vector.shape_cast %eq3A_114 : vector<1x512xi1> to vector<1x512xi1>
    %broadcast_in_dim3A_125 = vector.broadcast %broadcast_in_dim3A_124 : vector<1x512xi1> to vector<64x512xi1>
    %broadcast_in_dim3A_126 = vector.broadcast %jit3A_123 : f32 to vector<64x512xf32>
    %select_n3A_127 = arith.select %broadcast_in_dim3A_125, %get3A_12, %broadcast_in_dim3A_126 : vector<64x512xi1>, vector<64x512xf32>
    %reduce_sum3A_128 = arith.constant dense<0.000000e+00> : vector<64xf32>
    %reduce_sum3A_129 = vector.multi_reduction <add>, %select_n3A_127, %reduce_sum3A_128 [1] : vector<64x512xf32> to vector<64xf32>
    %broadcast_in_dim3A_130 = vector.shape_cast %reduce_sum3A_129 : vector<64xf32> to vector<64x1xf32>
    %slice3A_131 = vector.extract_strided_slice %dot_general3A_111 {offsets = [64, 0], sizes = [64, 512], strides = [1, 1]} : vector<128x512xf32> to vector<64x512xf32>
    %jit3A_132 = arith.constant 0.000000e+00 : f32
    %broadcast_in_dim3A_133 = vector.shape_cast %eq3A_114 : vector<1x512xi1> to vector<1x512xi1>
    %broadcast_in_dim3A_134 = vector.broadcast %broadcast_in_dim3A_133 : vector<1x512xi1> to vector<64x512xi1>
    %broadcast_in_dim3A_135 = vector.broadcast %jit3A_132 : f32 to vector<64x512xf32>
    %select_n3A_136 = arith.select %broadcast_in_dim3A_134, %slice3A_131, %broadcast_in_dim3A_135 : vector<64x512xi1>, vector<64x512xf32>
    %reduce_sum3A_137 = arith.constant dense<0.000000e+00> : vector<64xf32>
    %reduce_sum3A_138 = vector.multi_reduction <add>, %select_n3A_136, %reduce_sum3A_137 [1] : vector<64x512xf32> to vector<64xf32>
    %broadcast_in_dim3A_139 = vector.shape_cast %reduce_sum3A_138 : vector<64xf32> to vector<64x1xf32>
    %add3A_140 = arith.addf %broadcast_in_dim3A_130, %broadcast_in_dim3A_139 : vector<64x1xf32>
    %add3A_141 = arith.addf %slice3A_105, %slice3A_112 : vector<64x512xf32>
    %add3A_142 = vector.broadcast %broadcast_in_dim3A_122 : vector<64x1xf32> to vector<64x512xf32>
    %add3A_143 = arith.addf %add3A_141, %add3A_142 : vector<64x512xf32>
    %add3A_144 = arith.addf %add3A_143, %get3A_6 : vector<64x512xf32>
    %max3A_145 = arith.constant 0.000000e+00 : f32
    %max3A_146 = vector.broadcast %max3A_145 : f32 to vector<64x1xf32>
    %max3A_147 = arith.maximumf %add3A_140, %max3A_146 : vector<64x1xf32>
    %max3A_148 = arith.constant 0.000000e+00 : f32
    %max3A_149 = vector.broadcast %max3A_148 : f32 to vector<64x512xf32>
    %max3A_150 = arith.maximumf %add3A_144, %max3A_149 : vector<64x512xf32>
    %broadcast_in_dim3A_151 = vector.shape_cast %eq3A_114 : vector<1x512xi1> to vector<1x512xi1>
    %broadcast_in_dim3A_152 = vector.broadcast %broadcast_in_dim3A_151 : vector<1x512xi1> to vector<64x512xi1>
    %broadcast_in_dim3A_153 = vector.shape_cast %max3A_147 : vector<64x1xf32> to vector<64x1xf32>
    %broadcast_in_dim3A_154 = vector.broadcast %broadcast_in_dim3A_153 : vector<64x1xf32> to vector<64x512xf32>
    %select_n3A_155 = arith.select %broadcast_in_dim3A_152, %broadcast_in_dim3A_154, %max3A_150 : vector<64x512xi1>, vector<64x512xf32>
    %swap3A_156 = arith.constant 1 : index
    %swap3A_157 = arith.constant 0 : index
    %swap3A_158 = arith.constant 0 : index
    %swap3A_159 = vector.load %arg15[%swap3A_156, %swap3A_157, %swap3A_158] : memref<16x64x512xf32, #tpu.memory_space<vmem>>, vector<1x64x512xf32>
    %swap3A_160 = vector.shape_cast %swap3A_159 : vector<1x64x512xf32> to vector<64x512xf32>
    %swap3A_161 = vector.shape_cast %select_n3A_155 : vector<64x512xf32> to vector<1x64x512xf32>
    tpu.vector_store %arg15[%swap3A_156, %swap3A_157, %swap3A_158], %swap3A_161 {strides = array<i32>} : memref<16x64x512xf32, #tpu.memory_space<vmem>>, vector<1x64x512xf32>,
    %mul3A_162 = arith.constant 16 : i32
    %mul3A_163 = arith.muli %arg0, %mul3A_162 : i32
    %add3A_164 = arith.constant 2 : i32
    %add3A_165 = arith.addi %mul3A_163, %add3A_164 : i32
    %get3A_166 = arith.constant 2 : index
    %get3A_167 = arith.constant 0 : index
    %get3A_168 = arith.constant 0 : index
    %get3A_169 = vector.load %arg1[%get3A_166, %get3A_167, %get3A_168] : memref<16x64x512xf32, #tpu.memory_space<vmem>>, vector<1x64x512xf32>
    %get3A_170 = vector.shape_cast %get3A_169 : vector<1x64x512xf32> to vector<64x512xf32>
    %convert_element_type3A_171 = arith.truncf %get3A_170 : vector<64x512xf32> to vector<64x512xbf16>
    %dot_general3A_172 = arith.constant dense<0.000000e+00> : vector<128x512xf32>
    %dot_general3A_173 = tpu.matmul %get3A_15, %convert_element_type3A_171, %dot_general3A_172 {dimension_numbers = #tpu.dot_dimension_numbers<[1], [0], [0], [1], [0, 0, 1, 1], [], []>, transpose_lhs_hint = false} : vector<128x64xbf16>, vector<64x512xbf16>, vector<128x512xf32> -> vector<128x512xf32>
    %slice3A_174 = vector.extract_strided_slice %dot_general3A_173 {offsets = [0, 0], sizes = [64, 512], strides = [1, 1]} : vector<128x512xf32> to vector<64x512xf32>
    %add3A_175 = vector.broadcast %get3A_21 : vector<64x1xf32> to vector<64x512xf32>
    %add3A_176 = arith.addf %slice3A_174, %add3A_175 : vector<64x512xf32>
    %max3A_177 = arith.constant 0.000000e+00 : f32
    %max3A_178 = vector.broadcast %max3A_177 : f32 to vector<64x512xf32>
    %max3A_179 = arith.maximumf %add3A_176, %max3A_178 : vector<64x512xf32>
    %slice3A_180 = vector.extract_strided_slice %dot_general3A_173 {offsets = [64, 0], sizes = [64, 512], strides = [1, 1]} : vector<128x512xf32> to vector<64x512xf32>
    %convert_element_type3A_181 = arith.truncf %max3A_179 : vector<64x512xf32> to vector<64x512xbf16>
    %dot_general3A_182 = arith.constant dense<0.000000e+00> : vector<128x512xf32>
    %dot_general3A_183 = tpu.matmul %get3A_18, %convert_element_type3A_181, %dot_general3A_182 {dimension_numbers = #tpu.dot_dimension_numbers<[1], [0], [0], [1], [0, 0, 1, 1], [], []>, transpose_lhs_hint = false} : vector<128x64xbf16>, vector<64x512xbf16>, vector<128x512xf32> -> vector<128x512xf32>
    %convert_element_type3A_184 = arith.truncf %dot_general3A_183 : vector<128x512xf32> to vector<128x512xbf16>
    %dot_general3A_185 = arith.constant dense<0.000000e+00> : vector<128x512xf32>
    %dot_general3A_186 = tpu.matmul %convert_element_type3A_184, %get3A_3, %dot_general3A_185 {dimension_numbers = #tpu.dot_dimension_numbers<[1], [0], [0], [1], [0, 0, 1, 1], [], []>, transpose_lhs_hint = false} : vector<128x512xbf16>, vector<512x512xbf16>, vector<128x512xf32> -> vector<128x512xf32>
    %slice3A_187 = vector.extract_strided_slice %dot_general3A_186 {offsets = [0, 0], sizes = [64, 512], strides = [1, 1]} : vector<128x512xf32> to vector<64x512xf32>
    %eq3A_188 = vector.broadcast %add3A_165 : i32 to vector<1x512xi32>
    %eq3A_189 = arith.cmpi eq, %iota3A, %eq3A_188 : vector<1x512xi32>
    %jit3A_190 = arith.constant 0.000000e+00 : f32
    %broadcast_in_dim3A_191 = vector.shape_cast %eq3A_189 : vector<1x512xi1> to vector<1x512xi1>
    %broadcast_in_dim3A_192 = vector.broadcast %broadcast_in_dim3A_191 : vector<1x512xi1> to vector<64x512xi1>
    %broadcast_in_dim3A_193 = vector.broadcast %jit3A_190 : f32 to vector<64x512xf32>
    %select_n3A_194 = arith.select %broadcast_in_dim3A_192, %get3A_9, %broadcast_in_dim3A_193 : vector<64x512xi1>, vector<64x512xf32>
    %reduce_sum3A_195 = arith.constant dense<0.000000e+00> : vector<64xf32>
    %reduce_sum3A_196 = vector.multi_reduction <add>, %select_n3A_194, %reduce_sum3A_195 [1] : vector<64x512xf32> to vector<64xf32>
    %broadcast_in_dim3A_197 = vector.shape_cast %reduce_sum3A_196 : vector<64xf32> to vector<64x1xf32>
    %jit3A_198 = arith.constant 0.000000e+00 : f32
    %broadcast_in_dim3A_199 = vector.shape_cast %eq3A_189 : vector<1x512xi1> to vector<1x512xi1>
    %broadcast_in_dim3A_200 = vector.broadcast %broadcast_in_dim3A_199 : vector<1x512xi1> to vector<64x512xi1>
    %broadcast_in_dim3A_201 = vector.broadcast %jit3A_198 : f32 to vector<64x512xf32>
    %select_n3A_202 = arith.select %broadcast_in_dim3A_200, %get3A_12, %broadcast_in_dim3A_201 : vector<64x512xi1>, vector<64x512xf32>
    %reduce_sum3A_203 = arith.constant dense<0.000000e+00> : vector<64xf32>
    %reduce_sum3A_204 = vector.multi_reduction <add>, %select_n3A_202, %reduce_sum3A_203 [1] : vector<64x512xf32> to vector<64xf32>
    %broadcast_in_dim3A_205 = vector.shape_cast %reduce_sum3A_204 : vector<64xf32> to vector<64x1xf32>
    %slice3A_206 = vector.extract_strided_slice %dot_general3A_186 {offsets = [64, 0], sizes = [64, 512], strides = [1, 1]} : vector<128x512xf32> to vector<64x512xf32>
    %jit3A_207 = arith.constant 0.000000e+00 : f32
    %broadcast_in_dim3A_208 = vector.shape_cast %eq3A_189 : vector<1x512xi1> to vector<1x512xi1>
    %broadcast_in_dim3A_209 = vector.broadcast %broadcast_in_dim3A_208 : vector<1x512xi1> to vector<64x512xi1>
    %broadcast_in_dim3A_210 = vector.broadcast %jit3A_207 : f32 to vector<64x512xf32>
    %select_n3A_211 = arith.select %broadcast_in_dim3A_209, %slice3A_206, %broadcast_in_dim3A_210 : vector<64x512xi1>, vector<64x512xf32>
    %reduce_sum3A_212 = arith.constant dense<0.000000e+00> : vector<64xf32>
    %reduce_sum3A_213 = vector.multi_reduction <add>, %select_n3A_211, %reduce_sum3A_212 [1] : vector<64x512xf32> to vector<64xf32>
    %broadcast_in_dim3A_214 = vector.shape_cast %reduce_sum3A_213 : vector<64xf32> to vector<64x1xf32>
    %add3A_215 = arith.addf %broadcast_in_dim3A_205, %broadcast_in_dim3A_214 : vector<64x1xf32>
    %add3A_216 = arith.addf %slice3A_180, %slice3A_187 : vector<64x512xf32>
    %add3A_217 = vector.broadcast %broadcast_in_dim3A_197 : vector<64x1xf32> to vector<64x512xf32>
    %add3A_218 = arith.addf %add3A_216, %add3A_217 : vector<64x512xf32>
    %add3A_219 = arith.addf %add3A_218, %get3A_6 : vector<64x512xf32>
    %max3A_220 = arith.constant 0.000000e+00 : f32
    %max3A_221 = vector.broadcast %max3A_220 : f32 to vector<64x1xf32>
    %max3A_222 = arith.maximumf %add3A_215, %max3A_221 : vector<64x1xf32>
    %max3A_223 = arith.constant 0.000000e+00 : f32
    %max3A_224 = vector.broadcast %max3A_223 : f32 to vector<64x512xf32>
    %max3A_225 = arith.maximumf %add3A_219, %max3A_224 : vector<64x512xf32>
    %broadcast_in_dim3A_226 = vector.shape_cast %eq3A_189 : vector<1x512xi1> to vector<1x512xi1>
    %broadcast_in_dim3A_227 = vector.broadcast %broadcast_in_dim3A_226 : vector<1x512xi1> to vector<64x512xi1>
    %broadcast_in_dim3A_228 = vector.shape_cast %max3A_222 : vector<64x1xf32> to vector<64x1xf32>
    %broadcast_in_dim3A_229 = vector.broadcast %broadcast_in_dim3A_228 : vector<64x1xf32> to vector<64x512xf32>
    %select_n3A_230 = arith.select %broadcast_in_dim3A_227, %broadcast_in_dim3A_229, %max3A_225 : vector<64x512xi1>, vector<64x512xf32>
    %swap3A_231 = arith.constant 2 : index
    %swap3A_232 = arith.constant 0 : index
    %swap3A_233 = arith.constant 0 : index
    %swap3A_234 = vector.load %arg15[%swap3A_231, %swap3A_232, %swap3A_233] : memref<16x64x512xf32, #tpu.memory_space<vmem>>, vector<1x64x512xf32>
    %swap3A_235 = vector.shape_cast %swap3A_234 : vector<1x64x512xf32> to vector<64x512xf32>
    %swap3A_236 = vector.shape_cast %select_n3A_230 : vector<64x512xf32> to vector<1x64x512xf32>
    tpu.vector_store %arg15[%swap3A_231, %swap3A_232, %swap3A_233], %swap3A_236 {strides = array<i32>} : memref<16x64x512xf32, #tpu.memory_space<vmem>>, vector<1x64x512xf32>,
    %mul3A_237 = arith.constant 16 : i32
    %mul3A_238 = arith.muli %arg0, %mul3A_237 : i32
    %add3A_239 = arith.constant 3 : i32
    %add3A_240 = arith.addi %mul3A_238, %add3A_239 : i32
    %get3A_241 = arith.constant 3 : index
    %get3A_242 = arith.constant 0 : index
    %get3A_243 = arith.constant 0 : index
    %get3A_244 = vector.load %arg1[%get3A_241, %get3A_242, %get3A_243] : memref<16x64x512xf32, #tpu.memory_space<vmem>>, vector<1x64x512xf32>
    %get3A_245 = vector.shape_cast %get3A_244 : vector<1x64x512xf32> to vector<64x512xf32>
    %convert_element_type3A_246 = arith.truncf %get3A_245 : vector<64x512xf32> to vector<64x512xbf16>
    %dot_general3A_247 = arith.constant dense<0.000000e+00> : vector<128x512xf32>
    %dot_general3A_248 = tpu.matmul %get3A_15, %convert_element_type3A_246, %dot_general3A_247 {dimension_numbers = #tpu.dot_dimension_numbers<[1], [0], [0], [1], [0, 0, 1, 1], [], []>, transpose_lhs_hint = false} : vector<128x64xbf16>, vector<64x512xbf16>, vector<128x512xf32> -> vector<128x512xf32>
    %slice3A_249 = vector.extract_strided_slice %dot_general3A_248 {offsets = [0, 0], sizes = [64, 512], strides = [1, 1]} : vector<128x512xf32> to vector<64x512xf32>
    %add3A_250 = vector.broadcast %get3A_21 : vector<64x1xf32> to vector<64x512xf32>
    %add3A_251 = arith.addf %slice3A_249, %add3A_250 : vector<64x512xf32>
    %max3A_252 = arith.constant 0.000000e+00 : f32
    %max3A_253 = vector.broadcast %max3A_252 : f32 to vector<64x512xf32>
    %max3A_254 = arith.maximumf %add3A_251, %max3A_253 : vector<64x512xf32>
    %slice3A_255 = vector.extract_strided_slice %dot_general3A_248 {offsets = [64, 0], sizes = [64, 512], strides = [1, 1]} : vector<128x512xf32> to vector<64x512xf32>
    %convert_element_type3A_256 = arith.truncf %max3A_254 : vector<64x512xf32> to vector<64x512xbf16>
    %dot_general3A_257 = arith.constant dense<0.000000e+00> : vector<128x512xf32>
    %dot_general3A_258 = tpu.matmul %get3A_18, %convert_element_type3A_256, %dot_general3A_257 {dimension_numbers = #tpu.dot_dimension_numbers<[1], [0], [0], [1], [0, 0, 1, 1], [], []>, transpose_lhs_hint = false} : vector<128x64xbf16>, vector<64x512xbf16>, vector<128x512xf32> -> vector<128x512xf32>
    %convert_element_type3A_259 = arith.truncf %dot_general3A_258 : vector<128x512xf32> to vector<128x512xbf16>
    %dot_general3A_260 = arith.constant dense<0.000000e+00> : vector<128x512xf32>
    %dot_general3A_261 = tpu.matmul %convert_element_type3A_259, %get3A_3, %dot_general3A_260 {dimension_numbers = #tpu.dot_dimension_numbers<[1], [0], [0], [1], [0, 0, 1, 1], [], []>, transpose_lhs_hint = false} : vector<128x512xbf16>, vector<512x512xbf16>, vector<128x512xf32> -> vector<128x512xf32>
    %slice3A_262 = vector.extract_strided_slice %dot_general3A_261 {offsets = [0, 0], sizes = [64, 512], strides = [1, 1]} : vector<128x512xf32> to vector<64x512xf32>
    %eq3A_263 = vector.broadcast %add3A_240 : i32 to vector<1x512xi32>
    %eq3A_264 = arith.cmpi eq, %iota3A, %eq3A_263 : vector<1x512xi32>
    %jit3A_265 = arith.constant 0.000000e+00 : f32
    %broadcast_in_dim3A_266 = vector.shape_cast %eq3A_264 : vector<1x512xi1> to vector<1x512xi1>
    %broadcast_in_dim3A_267 = vector.broadcast %broadcast_in_dim3A_266 : vector<1x512xi1> to vector<64x512xi1>
    %broadcast_in_dim3A_268 = vector.broadcast %jit3A_265 : f32 to vector<64x512xf32>
    %select_n3A_269 = arith.select %broadcast_in_dim3A_267, %get3A_9, %broadcast_in_dim3A_268 : vector<64x512xi1>, vector<64x512xf32>
    %reduce_sum3A_270 = arith.constant dense<0.000000e+00> : vector<64xf32>
    %reduce_sum3A_271 = vector.multi_reduction <add>, %select_n3A_269, %reduce_sum3A_270 [1] : vector<64x512xf32> to vector<64xf32>
    %broadcast_in_dim3A_272 = vector.shape_cast %reduce_sum3A_271 : vector<64xf32> to vector<64x1xf32>
    %jit3A_273 = arith.constant 0.000000e+00 : f32
    %broadcast_in_dim3A_274 = vector.shape_cast %eq3A_264 : vector<1x512xi1> to vector<1x512xi1>
    %broadcast_in_dim3A_275 = vector.broadcast %broadcast_in_dim3A_274 : vector<1x512xi1> to vector<64x512xi1>
    %broadcast_in_dim3A_276 = vector.broadcast %jit3A_273 : f32 to vector<64x512xf32>
    %select_n3A_277 = arith.select %broadcast_in_dim3A_275, %get3A_12, %broadcast_in_dim3A_276 : vector<64x512xi1>, vector<64x512xf32>
    %reduce_sum3A_278 = arith.constant dense<0.000000e+00> : vector<64xf32>
    %reduce_sum3A_279 = vector.multi_reduction <add>, %select_n3A_277, %reduce_sum3A_278 [1] : vector<64x512xf32> to vector<64xf32>
    %broadcast_in_dim3A_280 = vector.shape_cast %reduce_sum3A_279 : vector<64xf32> to vector<64x1xf32>
    %slice3A_281 = vector.extract_strided_slice %dot_general3A_261 {offsets = [64, 0], sizes = [64, 512], strides = [1, 1]} : vector<128x512xf32> to vector<64x512xf32>
    %jit3A_282 = arith.constant 0.000000e+00 : f32
    %broadcast_in_dim3A_283 = vector.shape_cast %eq3A_264 : vector<1x512xi1> to vector<1x512xi1>
    %broadcast_in_dim3A_284 = vector.broadcast %broadcast_in_dim3A_283 : vector<1x512xi1> to vector<64x512xi1>
    %broadcast_in_dim3A_285 = vector.broadcast %jit3A_282 : f32 to vector<64x512xf32>
    %select_n3A_286 = arith.select %broadcast_in_dim3A_284, %slice3A_281, %broadcast_in_dim3A_285 : vector<64x512xi1>, vector<64x512xf32>
    %reduce_sum3A_287 = arith.constant dense<0.000000e+00> : vector<64xf32>
    %reduce_sum3A_288 = vector.multi_reduction <add>, %select_n3A_286, %reduce_sum3A_287 [1] : vector<64x512xf32> to vector<64xf32>
    %broadcast_in_dim3A_289 = vector.shape_cast %reduce_sum3A_288 : vector<64xf32> to vector<64x1xf32>
    %add3A_290 = arith.addf %broadcast_in_dim3A_280, %broadcast_in_dim3A_289 : vector<64x1xf32>
    %add3A_291 = arith.addf %slice3A_255, %slice3A_262 : vector<64x512xf32>
    %add3A_292 = vector.broadcast %broadcast_in_dim3A_272 : vector<64x1xf32> to vector<64x512xf32>
    %add3A_293 = arith.addf %add3A_291, %add3A_292 : vector<64x512xf32>
    %add3A_294 = arith.addf %add3A_293, %get3A_6 : vector<64x512xf32>
    %max3A_295 = arith.constant 0.000000e+00 : f32
    %max3A_296 = vector.broadcast %max3A_295 : f32 to vector<64x1xf32>
    %max3A_297 = arith.maximumf %add3A_290, %max3A_296 : vector<64x1xf32>
    %max3A_298 = arith.constant 0.000000e+00 : f32
    %max3A_299 = vector.broadcast %max3A_298 : f32 to vector<64x512xf32>
    %max3A_300 = arith.maximumf %add3A_294, %max3A_299 : vector<64x512xf32>
    %broadcast_in_dim3A_301 = vector.shape_cast %eq3A_264 : vector<1x512xi1> to vector<1x512xi1>
    %broadcast_in_dim3A_302 = vector.broadcast %broadcast_in_dim3A_301 : vector<1x512xi1> to vector<64x512xi1>
    %broadcast_in_dim3A_303 = vector.shape_cast %max3A_297 : vector<64x1xf32> to vector<64x1xf32>
    %broadcast_in_dim3A_304 = vector.broadcast %broadcast_in_dim3A_303 : vector<64x1xf32> to vector<64x512xf32>
    %select_n3A_305 = arith.select %broadcast_in_dim3A_302, %broadcast_in_dim3A_304, %max3A_300 : vector<64x512xi1>, vector<64x512xf32>
    %swap3A_306 = arith.constant 3 : index
    %swap3A_307 = arith.constant 0 : index
    %swap3A_308 = arith.constant 0 : index
    %swap3A_309 = vector.load %arg15[%swap3A_306, %swap3A_307, %swap3A_308] : memref<16x64x512xf32, #tpu.memory_space<vmem>>, vector<1x64x512xf32>
    %swap3A_310 = vector.shape_cast %swap3A_309 : vector<1x64x512xf32> to vector<64x512xf32>
    %swap3A_311 = vector.shape_cast %select_n3A_305 : vector<64x512xf32> to vector<1x64x512xf32>
    tpu.vector_store %arg15[%swap3A_306, %swap3A_307, %swap3A_308], %swap3A_311 {strides = array<i32>} : memref<16x64x512xf32, #tpu.memory_space<vmem>>, vector<1x64x512xf32>,
    %mul3A_312 = arith.constant 16 : i32
    %mul3A_313 = arith.muli %arg0, %mul3A_312 : i32
    %add3A_314 = arith.constant 4 : i32
    %add3A_315 = arith.addi %mul3A_313, %add3A_314 : i32
    %get3A_316 = arith.constant 4 : index
    %get3A_317 = arith.constant 0 : index
    %get3A_318 = arith.constant 0 : index
    %get3A_319 = vector.load %arg1[%get3A_316, %get3A_317, %get3A_318] : memref<16x64x512xf32, #tpu.memory_space<vmem>>, vector<1x64x512xf32>
    %get3A_320 = vector.shape_cast %get3A_319 : vector<1x64x512xf32> to vector<64x512xf32>
    %convert_element_type3A_321 = arith.truncf %get3A_320 : vector<64x512xf32> to vector<64x512xbf16>
    %dot_general3A_322 = arith.constant dense<0.000000e+00> : vector<128x512xf32>
    %dot_general3A_323 = tpu.matmul %get3A_15, %convert_element_type3A_321, %dot_general3A_322 {dimension_numbers = #tpu.dot_dimension_numbers<[1], [0], [0], [1], [0, 0, 1, 1], [], []>, transpose_lhs_hint = false} : vector<128x64xbf16>, vector<64x512xbf16>, vector<128x512xf32> -> vector<128x512xf32>
    %slice3A_324 = vector.extract_strided_slice %dot_general3A_323 {offsets = [0, 0], sizes = [64, 512], strides = [1, 1]} : vector<128x512xf32> to vector<64x512xf32>
    %add3A_325 = vector.broadcast %get3A_21 : vector<64x1xf32> to vector<64x512xf32>
    %add3A_326 = arith.addf %slice3A_324, %add3A_325 : vector<64x512xf32>
    %max3A_327 = arith.constant 0.000000e+00 : f32
    %max3A_328 = vector.broadcast %max3A_327 : f32 to vector<64x512xf32>
    %max3A_329 = arith.maximumf %add3A_326, %max3A_328 : vector<64x512xf32>
    %slice3A_330 = vector.extract_strided_slice %dot_general3A_323 {offsets = [64, 0], sizes = [64, 512], strides = [1, 1]} : vector<128x512xf32> to vector<64x512xf32>
    %convert_element_type3A_331 = arith.truncf %max3A_329 : vector<64x512xf32> to vector<64x512xbf16>
    %dot_general3A_332 = arith.constant dense<0.000000e+00> : vector<128x512xf32>
    %dot_general3A_333 = tpu.matmul %get3A_18, %convert_element_type3A_331, %dot_general3A_332 {dimension_numbers = #tpu.dot_dimension_numbers<[1], [0], [0], [1], [0, 0, 1, 1], [], []>, transpose_lhs_hint = false} : vector<128x64xbf16>, vector<64x512xbf16>, vector<128x512xf32> -> vector<128x512xf32>
    %convert_element_type3A_334 = arith.truncf %dot_general3A_333 : vector<128x512xf32> to vector<128x512xbf16>
    %dot_general3A_335 = arith.constant dense<0.000000e+00> : vector<128x512xf32>
    %dot_general3A_336 = tpu.matmul %convert_element_type3A_334, %get3A_3, %dot_general3A_335 {dimension_numbers = #tpu.dot_dimension_numbers<[1], [0], [0], [1], [0, 0, 1, 1], [], []>, transpose_lhs_hint = false} : vector<128x512xbf16>, vector<512x512xbf16>, vector<128x512xf32> -> vector<128x512xf32>
    %slice3A_337 = vector.extract_strided_slice %dot_general3A_336 {offsets = [0, 0], sizes = [64, 512], strides = [1, 1]} : vector<128x512xf32> to vector<64x512xf32>
    %eq3A_338 = vector.broadcast %add3A_315 : i32 to vector<1x512xi32>
    %eq3A_339 = arith.cmpi eq, %iota3A, %eq3A_338 : vector<1x512xi32>
    %jit3A_340 = arith.constant 0.000000e+00 : f32
    %broadcast_in_dim3A_341 = vector.shape_cast %eq3A_339 : vector<1x512xi1> to vector<1x512xi1>
    %broadcast_in_dim3A_342 = vector.broadcast %broadcast_in_dim3A_341 : vector<1x512xi1> to vector<64x512xi1>
    %broadcast_in_dim3A_343 = vector.broadcast %jit3A_340 : f32 to vector<64x512xf32>
    %select_n3A_344 = arith.select %broadcast_in_dim3A_342, %get3A_9, %broadcast_in_dim3A_343 : vector<64x512xi1>, vector<64x512xf32>
    %reduce_sum3A_345 = arith.constant dense<0.000000e+00> : vector<64xf32>
    %reduce_sum3A_346 = vector.multi_reduction <add>, %select_n3A_344, %reduce_sum3A_345 [1] : vector<64x512xf32> to vector<64xf32>
    %broadcast_in_dim3A_347 = vector.shape_cast %reduce_sum3A_346 : vector<64xf32> to vector<64x1xf32>
    %jit3A_348 = arith.constant 0.000000e+00 : f32
    %broadcast_in_dim3A_349 = vector.shape_cast %eq3A_339 : vector<1x512xi1> to vector<1x512xi1>
    %broadcast_in_dim3A_350 = vector.broadcast %broadcast_in_dim3A_349 : vector<1x512xi1> to vector<64x512xi1>
    %broadcast_in_dim3A_351 = vector.broadcast %jit3A_348 : f32 to vector<64x512xf32>
    %select_n3A_352 = arith.select %broadcast_in_dim3A_350, %get3A_12, %broadcast_in_dim3A_351 : vector<64x512xi1>, vector<64x512xf32>
    %reduce_sum3A_353 = arith.constant dense<0.000000e+00> : vector<64xf32>
    %reduce_sum3A_354 = vector.multi_reduction <add>, %select_n3A_352, %reduce_sum3A_353 [1] : vector<64x512xf32> to vector<64xf32>
    %broadcast_in_dim3A_355 = vector.shape_cast %reduce_sum3A_354 : vector<64xf32> to vector<64x1xf32>
    %slice3A_356 = vector.extract_strided_slice %dot_general3A_336 {offsets = [64, 0], sizes = [64, 512], strides = [1, 1]} : vector<128x512xf32> to vector<64x512xf32>
    %jit3A_357 = arith.constant 0.000000e+00 : f32
    %broadcast_in_dim3A_358 = vector.shape_cast %eq3A_339 : vector<1x512xi1> to vector<1x512xi1>
    %broadcast_in_dim3A_359 = vector.broadcast %broadcast_in_dim3A_358 : vector<1x512xi1> to vector<64x512xi1>
    %broadcast_in_dim3A_360 = vector.broadcast %jit3A_357 : f32 to vector<64x512xf32>
    %select_n3A_361 = arith.select %broadcast_in_dim3A_359, %slice3A_356, %broadcast_in_dim3A_360 : vector<64x512xi1>, vector<64x512xf32>
    %reduce_sum3A_362 = arith.constant dense<0.000000e+00> : vector<64xf32>
    %reduce_sum3A_363 = vector.multi_reduction <add>, %select_n3A_361, %reduce_sum3A_362 [1] : vector<64x512xf32> to vector<64xf32>
    %broadcast_in_dim3A_364 = vector.shape_cast %reduce_sum3A_363 : vector<64xf32> to vector<64x1xf32>
    %add3A_365 = arith.addf %broadcast_in_dim3A_355, %broadcast_in_dim3A_364 : vector<64x1xf32>
    %add3A_366 = arith.addf %slice3A_330, %slice3A_337 : vector<64x512xf32>
    %add3A_367 = vector.broadcast %broadcast_in_dim3A_347 : vector<64x1xf32> to vector<64x512xf32>
    %add3A_368 = arith.addf %add3A_366, %add3A_367 : vector<64x512xf32>
    %add3A_369 = arith.addf %add3A_368, %get3A_6 : vector<64x512xf32>
    %max3A_370 = arith.constant 0.000000e+00 : f32
    %max3A_371 = vector.broadcast %max3A_370 : f32 to vector<64x1xf32>
    %max3A_372 = arith.maximumf %add3A_365, %max3A_371 : vector<64x1xf32>
    %max3A_373 = arith.constant 0.000000e+00 : f32
    %max3A_374 = vector.broadcast %max3A_373 : f32 to vector<64x512xf32>
    %max3A_375 = arith.maximumf %add3A_369, %max3A_374 : vector<64x512xf32>
    %broadcast_in_dim3A_376 = vector.shape_cast %eq3A_339 : vector<1x512xi1> to vector<1x512xi1>
    %broadcast_in_dim3A_377 = vector.broadcast %broadcast_in_dim3A_376 : vector<1x512xi1> to vector<64x512xi1>
    %broadcast_in_dim3A_378 = vector.shape_cast %max3A_372 : vector<64x1xf32> to vector<64x1xf32>
    %broadcast_in_dim3A_379 = vector.broadcast %broadcast_in_dim3A_378 : vector<64x1xf32> to vector<64x512xf32>
    %select_n3A_380 = arith.select %broadcast_in_dim3A_377, %broadcast_in_dim3A_379, %max3A_375 : vector<64x512xi1>, vector<64x512xf32>
    %swap3A_381 = arith.constant 4 : index
    %swap3A_382 = arith.constant 0 : index
    %swap3A_383 = arith.constant 0 : index
    %swap3A_384 = vector.load %arg15[%swap3A_381, %swap3A_382, %swap3A_383] : memref<16x64x512xf32, #tpu.memory_space<vmem>>, vector<1x64x512xf32>
    %swap3A_385 = vector.shape_cast %swap3A_384 : vector<1x64x512xf32> to vector<64x512xf32>
    %swap3A_386 = vector.shape_cast %select_n3A_380 : vector<64x512xf32> to vector<1x64x512xf32>
    tpu.vector_store %arg15[%swap3A_381, %swap3A_382, %swap3A_383], %swap3A_386 {strides = array<i32>} : memref<16x64x512xf32, #tpu.memory_space<vmem>>, vector<1x64x512xf32>,
    %mul3A_387 = arith.constant 16 : i32
    %mul3A_388 = arith.muli %arg0, %mul3A_387 : i32
    %add3A_389 = arith.constant 5 : i32
    %add3A_390 = arith.addi %mul3A_388, %add3A_389 : i32
    %get3A_391 = arith.constant 5 : index
    %get3A_392 = arith.constant 0 : index
    %get3A_393 = arith.constant 0 : index
    %get3A_394 = vector.load %arg1[%get3A_391, %get3A_392, %get3A_393] : memref<16x64x512xf32, #tpu.memory_space<vmem>>, vector<1x64x512xf32>
    %get3A_395 = vector.shape_cast %get3A_394 : vector<1x64x512xf32> to vector<64x512xf32>
    %convert_element_type3A_396 = arith.truncf %get3A_395 : vector<64x512xf32> to vector<64x512xbf16>
    %dot_general3A_397 = arith.constant dense<0.000000e+00> : vector<128x512xf32>
    %dot_general3A_398 = tpu.matmul %get3A_15, %convert_element_type3A_396, %dot_general3A_397 {dimension_numbers = #tpu.dot_dimension_numbers<[1], [0], [0], [1], [0, 0, 1, 1], [], []>, transpose_lhs_hint = false} : vector<128x64xbf16>, vector<64x512xbf16>, vector<128x512xf32> -> vector<128x512xf32>
    %slice3A_399 = vector.extract_strided_slice %dot_general3A_398 {offsets = [0, 0], sizes = [64, 512], strides = [1, 1]} : vector<128x512xf32> to vector<64x512xf32>
    %add3A_400 = vector.broadcast %get3A_21 : vector<64x1xf32> to vector<64x512xf32>
    %add3A_401 = arith.addf %slice3A_399, %add3A_400 : vector<64x512xf32>
    %max3A_402 = arith.constant 0.000000e+00 : f32
    %max3A_403 = vector.broadcast %max3A_402 : f32 to vector<64x512xf32>
    %max3A_404 = arith.maximumf %add3A_401, %max3A_403 : vector<64x512xf32>
    %slice3A_405 = vector.extract_strided_slice %dot_general3A_398 {offsets = [64, 0], sizes = [64, 512], strides = [1, 1]} : vector<128x512xf32> to vector<64x512xf32>
    %convert_element_type3A_406 = arith.truncf %max3A_404 : vector<64x512xf32> to vector<64x512xbf16>
    %dot_general3A_407 = arith.constant dense<0.000000e+00> : vector<128x512xf32>
    %dot_general3A_408 = tpu.matmul %get3A_18, %convert_element_type3A_406, %dot_general3A_407 {dimension_numbers = #tpu.dot_dimension_numbers<[1], [0], [0], [1], [0, 0, 1, 1], [], []>, transpose_lhs_hint = false} : vector<128x64xbf16>, vector<64x512xbf16>, vector<128x512xf32> -> vector<128x512xf32>
    %convert_element_type3A_409 = arith.truncf %dot_general3A_408 : vector<128x512xf32> to vector<128x512xbf16>
    %dot_general3A_410 = arith.constant dense<0.000000e+00> : vector<128x512xf32>
    %dot_general3A_411 = tpu.matmul %convert_element_type3A_409, %get3A_3, %dot_general3A_410 {dimension_numbers = #tpu.dot_dimension_numbers<[1], [0], [0], [1], [0, 0, 1, 1], [], []>, transpose_lhs_hint = false} : vector<128x512xbf16>, vector<512x512xbf16>, vector<128x512xf32> -> vector<128x512xf32>
    %slice3A_412 = vector.extract_strided_slice %dot_general3A_411 {offsets = [0, 0], sizes = [64, 512], strides = [1, 1]} : vector<128x512xf32> to vector<64x512xf32>
    %eq3A_413 = vector.broadcast %add3A_390 : i32 to vector<1x512xi32>
    %eq3A_414 = arith.cmpi eq, %iota3A, %eq3A_413 : vector<1x512xi32>
    %jit3A_415 = arith.constant 0.000000e+00 : f32
    %broadcast_in_dim3A_416 = vector.shape_cast %eq3A_414 : vector<1x512xi1> to vector<1x512xi1>
    %broadcast_in_dim3A_417 = vector.broadcast %broadcast_in_dim3A_416 : vector<1x512xi1> to vector<64x512xi1>
    %broadcast_in_dim3A_418 = vector.broadcast %jit3A_415 : f32 to vector<64x512xf32>
    %select_n3A_419 = arith.select %broadcast_in_dim3A_417, %get3A_9, %broadcast_in_dim3A_418 : vector<64x512xi1>, vector<64x512xf32>
    %reduce_sum3A_420 = arith.constant dense<0.000000e+00> : vector<64xf32>
    %reduce_sum3A_421 = vector.multi_reduction <add>, %select_n3A_419, %reduce_sum3A_420 [1] : vector<64x512xf32> to vector<64xf32>
    %broadcast_in_dim3A_422 = vector.shape_cast %reduce_sum3A_421 : vector<64xf32> to vector<64x1xf32>
    %jit3A_423 = arith.constant 0.000000e+00 : f32
    %broadcast_in_dim3A_424 = vector.shape_cast %eq3A_414 : vector<1x512xi1> to vector<1x512xi1>
    %broadcast_in_dim3A_425 = vector.broadcast %broadcast_in_dim3A_424 : vector<1x512xi1> to vector<64x512xi1>
    %broadcast_in_dim3A_426 = vector.broadcast %jit3A_423 : f32 to vector<64x512xf32>
    %select_n3A_427 = arith.select %broadcast_in_dim3A_425, %get3A_12, %broadcast_in_dim3A_426 : vector<64x512xi1>, vector<64x512xf32>
    %reduce_sum3A_428 = arith.constant dense<0.000000e+00> : vector<64xf32>
    %reduce_sum3A_429 = vector.multi_reduction <add>, %select_n3A_427, %reduce_sum3A_428 [1] : vector<64x512xf32> to vector<64xf32>
    %broadcast_in_dim3A_430 = vector.shape_cast %reduce_sum3A_429 : vector<64xf32> to vector<64x1xf32>
    %slice3A_431 = vector.extract_strided_slice %dot_general3A_411 {offsets = [64, 0], sizes = [64, 512], strides = [1, 1]} : vector<128x512xf32> to vector<64x512xf32>
    %jit3A_432 = arith.constant 0.000000e+00 : f32
    %broadcast_in_dim3A_433 = vector.shape_cast %eq3A_414 : vector<1x512xi1> to vector<1x512xi1>
    %broadcast_in_dim3A_434 = vector.broadcast %broadcast_in_dim3A_433 : vector<1x512xi1> to vector<64x512xi1>
    %broadcast_in_dim3A_435 = vector.broadcast %jit3A_432 : f32 to vector<64x512xf32>
    %select_n3A_436 = arith.select %broadcast_in_dim3A_434, %slice3A_431, %broadcast_in_dim3A_435 : vector<64x512xi1>, vector<64x512xf32>
    %reduce_sum3A_437 = arith.constant dense<0.000000e+00> : vector<64xf32>
    %reduce_sum3A_438 = vector.multi_reduction <add>, %select_n3A_436, %reduce_sum3A_437 [1] : vector<64x512xf32> to vector<64xf32>
    %broadcast_in_dim3A_439 = vector.shape_cast %reduce_sum3A_438 : vector<64xf32> to vector<64x1xf32>
    %add3A_440 = arith.addf %broadcast_in_dim3A_430, %broadcast_in_dim3A_439 : vector<64x1xf32>
    %add3A_441 = arith.addf %slice3A_405, %slice3A_412 : vector<64x512xf32>
    %add3A_442 = vector.broadcast %broadcast_in_dim3A_422 : vector<64x1xf32> to vector<64x512xf32>
    %add3A_443 = arith.addf %add3A_441, %add3A_442 : vector<64x512xf32>
    %add3A_444 = arith.addf %add3A_443, %get3A_6 : vector<64x512xf32>
    %max3A_445 = arith.constant 0.000000e+00 : f32
    %max3A_446 = vector.broadcast %max3A_445 : f32 to vector<64x1xf32>
    %max3A_447 = arith.maximumf %add3A_440, %max3A_446 : vector<64x1xf32>
    %max3A_448 = arith.constant 0.000000e+00 : f32
    %max3A_449 = vector.broadcast %max3A_448 : f32 to vector<64x512xf32>
    %max3A_450 = arith.maximumf %add3A_444, %max3A_449 : vector<64x512xf32>
    %broadcast_in_dim3A_451 = vector.shape_cast %eq3A_414 : vector<1x512xi1> to vector<1x512xi1>
    %broadcast_in_dim3A_452 = vector.broadcast %broadcast_in_dim3A_451 : vector<1x512xi1> to vector<64x512xi1>
    %broadcast_in_dim3A_453 = vector.shape_cast %max3A_447 : vector<64x1xf32> to vector<64x1xf32>
    %broadcast_in_dim3A_454 = vector.broadcast %broadcast_in_dim3A_453 : vector<64x1xf32> to vector<64x512xf32>
    %select_n3A_455 = arith.select %broadcast_in_dim3A_452, %broadcast_in_dim3A_454, %max3A_450 : vector<64x512xi1>, vector<64x512xf32>
    %swap3A_456 = arith.constant 5 : index
    %swap3A_457 = arith.constant 0 : index
    %swap3A_458 = arith.constant 0 : index
    %swap3A_459 = vector.load %arg15[%swap3A_456, %swap3A_457, %swap3A_458] : memref<16x64x512xf32, #tpu.memory_space<vmem>>, vector<1x64x512xf32>
    %swap3A_460 = vector.shape_cast %swap3A_459 : vector<1x64x512xf32> to vector<64x512xf32>
    %swap3A_461 = vector.shape_cast %select_n3A_455 : vector<64x512xf32> to vector<1x64x512xf32>
    tpu.vector_store %arg15[%swap3A_456, %swap3A_457, %swap3A_458], %swap3A_461 {strides = array<i32>} : memref<16x64x512xf32, #tpu.memory_space<vmem>>, vector<1x64x512xf32>,
    %mul3A_462 = arith.constant 16 : i32
    %mul3A_463 = arith.muli %arg0, %mul3A_462 : i32
    %add3A_464 = arith.constant 6 : i32
    %add3A_465 = arith.addi %mul3A_463, %add3A_464 : i32
    %get3A_466 = arith.constant 6 : index
    %get3A_467 = arith.constant 0 : index
    %get3A_468 = arith.constant 0 : index
    %get3A_469 = vector.load %arg1[%get3A_466, %get3A_467, %get3A_468] : memref<16x64x512xf32, #tpu.memory_space<vmem>>, vector<1x64x512xf32>
    %get3A_470 = vector.shape_cast %get3A_469 : vector<1x64x512xf32> to vector<64x512xf32>
    %convert_element_type3A_471 = arith.truncf %get3A_470 : vector<64x512xf32> to vector<64x512xbf16>
    %dot_general3A_472 = arith.constant dense<0.000000e+00> : vector<128x512xf32>
    %dot_general3A_473 = tpu.matmul %get3A_15, %convert_element_type3A_471, %dot_general3A_472 {dimension_numbers = #tpu.dot_dimension_numbers<[1], [0], [0], [1], [0, 0, 1, 1], [], []>, transpose_lhs_hint = false} : vector<128x64xbf16>, vector<64x512xbf16>, vector<128x512xf32> -> vector<128x512xf32>
    %slice3A_474 = vector.extract_strided_slice %dot_general3A_473 {offsets = [0, 0], sizes = [64, 512], strides = [1, 1]} : vector<128x512xf32> to vector<64x512xf32>
    %add3A_475 = vector.broadcast %get3A_21 : vector<64x1xf32> to vector<64x512xf32>
    %add3A_476 = arith.addf %slice3A_474, %add3A_475 : vector<64x512xf32>
    %max3A_477 = arith.constant 0.000000e+00 : f32
    %max3A_478 = vector.broadcast %max3A_477 : f32 to vector<64x512xf32>
    %max3A_479 = arith.maximumf %add3A_476, %max3A_478 : vector<64x512xf32>
    %slice3A_480 = vector.extract_strided_slice %dot_general3A_473 {offsets = [64, 0], sizes = [64, 512], strides = [1, 1]} : vector<128x512xf32> to vector<64x512xf32>
    %convert_element_type3A_481 = arith.truncf %max3A_479 : vector<64x512xf32> to vector<64x512xbf16>
    %dot_general3A_482 = arith.constant dense<0.000000e+00> : vector<128x512xf32>
    %dot_general3A_483 = tpu.matmul %get3A_18, %convert_element_type3A_481, %dot_general3A_482 {dimension_numbers = #tpu.dot_dimension_numbers<[1], [0], [0], [1], [0, 0, 1, 1], [], []>, transpose_lhs_hint = false} : vector<128x64xbf16>, vector<64x512xbf16>, vector<128x512xf32> -> vector<128x512xf32>
    %convert_element_type3A_484 = arith.truncf %dot_general3A_483 : vector<128x512xf32> to vector<128x512xbf16>
    %dot_general3A_485 = arith.constant dense<0.000000e+00> : vector<128x512xf32>
    %dot_general3A_486 = tpu.matmul %convert_element_type3A_484, %get3A_3, %dot_general3A_485 {dimension_numbers = #tpu.dot_dimension_numbers<[1], [0], [0], [1], [0, 0, 1, 1], [], []>, transpose_lhs_hint = false} : vector<128x512xbf16>, vector<512x512xbf16>, vector<128x512xf32> -> vector<128x512xf32>
    %slice3A_487 = vector.extract_strided_slice %dot_general3A_486 {offsets = [0, 0], sizes = [64, 512], strides = [1, 1]} : vector<128x512xf32> to vector<64x512xf32>
    %eq3A_488 = vector.broadcast %add3A_465 : i32 to vector<1x512xi32>
    %eq3A_489 = arith.cmpi eq, %iota3A, %eq3A_488 : vector<1x512xi32>
    %jit3A_490 = arith.constant 0.000000e+00 : f32
    %broadcast_in_dim3A_491 = vector.shape_cast %eq3A_489 : vector<1x512xi1> to vector<1x512xi1>
    %broadcast_in_dim3A_492 = vector.broadcast %broadcast_in_dim3A_491 : vector<1x512xi1> to vector<64x512xi1>
    %broadcast_in_dim3A_493 = vector.broadcast %jit3A_490 : f32 to vector<64x512xf32>
    %select_n3A_494 = arith.select %broadcast_in_dim3A_492, %get3A_9, %broadcast_in_dim3A_493 : vector<64x512xi1>, vector<64x512xf32>
    %reduce_sum3A_495 = arith.constant dense<0.000000e+00> : vector<64xf32>
    %reduce_sum3A_496 = vector.multi_reduction <add>, %select_n3A_494, %reduce_sum3A_495 [1] : vector<64x512xf32> to vector<64xf32>
    %broadcast_in_dim3A_497 = vector.shape_cast %reduce_sum3A_496 : vector<64xf32> to vector<64x1xf32>
    %jit3A_498 = arith.constant 0.000000e+00 : f32
    %broadcast_in_dim3A_499 = vector.shape_cast %eq3A_489 : vector<1x512xi1> to vector<1x512xi1>
    %broadcast_in_dim3A_500 = vector.broadcast %broadcast_in_dim3A_499 : vector<1x512xi1> to vector<64x512xi1>
    %broadcast_in_dim3A_501 = vector.broadcast %jit3A_498 : f32 to vector<64x512xf32>
    %select_n3A_502 = arith.select %broadcast_in_dim3A_500, %get3A_12, %broadcast_in_dim3A_501 : vector<64x512xi1>, vector<64x512xf32>
    %reduce_sum3A_503 = arith.constant dense<0.000000e+00> : vector<64xf32>
    %reduce_sum3A_504 = vector.multi_reduction <add>, %select_n3A_502, %reduce_sum3A_503 [1] : vector<64x512xf32> to vector<64xf32>
    %broadcast_in_dim3A_505 = vector.shape_cast %reduce_sum3A_504 : vector<64xf32> to vector<64x1xf32>
    %slice3A_506 = vector.extract_strided_slice %dot_general3A_486 {offsets = [64, 0], sizes = [64, 512], strides = [1, 1]} : vector<128x512xf32> to vector<64x512xf32>
    %jit3A_507 = arith.constant 0.000000e+00 : f32
    %broadcast_in_dim3A_508 = vector.shape_cast %eq3A_489 : vector<1x512xi1> to vector<1x512xi1>
    %broadcast_in_dim3A_509 = vector.broadcast %broadcast_in_dim3A_508 : vector<1x512xi1> to vector<64x512xi1>
    %broadcast_in_dim3A_510 = vector.broadcast %jit3A_507 : f32 to vector<64x512xf32>
    %select_n3A_511 = arith.select %broadcast_in_dim3A_509, %slice3A_506, %broadcast_in_dim3A_510 : vector<64x512xi1>, vector<64x512xf32>
    %reduce_sum3A_512 = arith.constant dense<0.000000e+00> : vector<64xf32>
    %reduce_sum3A_513 = vector.multi_reduction <add>, %select_n3A_511, %reduce_sum3A_512 [1] : vector<64x512xf32> to vector<64xf32>
    %broadcast_in_dim3A_514 = vector.shape_cast %reduce_sum3A_513 : vector<64xf32> to vector<64x1xf32>
    %add3A_515 = arith.addf %broadcast_in_dim3A_505, %broadcast_in_dim3A_514 : vector<64x1xf32>
    %add3A_516 = arith.addf %slice3A_480, %slice3A_487 : vector<64x512xf32>
    %add3A_517 = vector.broadcast %broadcast_in_dim3A_497 : vector<64x1xf32> to vector<64x512xf32>
    %add3A_518 = arith.addf %add3A_516, %add3A_517 : vector<64x512xf32>
    %add3A_519 = arith.addf %add3A_518, %get3A_6 : vector<64x512xf32>
    %max3A_520 = arith.constant 0.000000e+00 : f32
    %max3A_521 = vector.broadcast %max3A_520 : f32 to vector<64x1xf32>
    %max3A_522 = arith.maximumf %add3A_515, %max3A_521 : vector<64x1xf32>
    %max3A_523 = arith.constant 0.000000e+00 : f32
    %max3A_524 = vector.broadcast %max3A_523 : f32 to vector<64x512xf32>
    %max3A_525 = arith.maximumf %add3A_519, %max3A_524 : vector<64x512xf32>
    %broadcast_in_dim3A_526 = vector.shape_cast %eq3A_489 : vector<1x512xi1> to vector<1x512xi1>
    %broadcast_in_dim3A_527 = vector.broadcast %broadcast_in_dim3A_526 : vector<1x512xi1> to vector<64x512xi1>
    %broadcast_in_dim3A_528 = vector.shape_cast %max3A_522 : vector<64x1xf32> to vector<64x1xf32>
    %broadcast_in_dim3A_529 = vector.broadcast %broadcast_in_dim3A_528 : vector<64x1xf32> to vector<64x512xf32>
    %select_n3A_530 = arith.select %broadcast_in_dim3A_527, %broadcast_in_dim3A_529, %max3A_525 : vector<64x512xi1>, vector<64x512xf32>
    %swap3A_531 = arith.constant 6 : index
    %swap3A_532 = arith.constant 0 : index
    %swap3A_533 = arith.constant 0 : index
    %swap3A_534 = vector.load %arg15[%swap3A_531, %swap3A_532, %swap3A_533] : memref<16x64x512xf32, #tpu.memory_space<vmem>>, vector<1x64x512xf32>
    %swap3A_535 = vector.shape_cast %swap3A_534 : vector<1x64x512xf32> to vector<64x512xf32>
    %swap3A_536 = vector.shape_cast %select_n3A_530 : vector<64x512xf32> to vector<1x64x512xf32>
    tpu.vector_store %arg15[%swap3A_531, %swap3A_532, %swap3A_533], %swap3A_536 {strides = array<i32>} : memref<16x64x512xf32, #tpu.memory_space<vmem>>, vector<1x64x512xf32>,
    %mul3A_537 = arith.constant 16 : i32
    %mul3A_538 = arith.muli %arg0, %mul3A_537 : i32
    %add3A_539 = arith.constant 7 : i32
    %add3A_540 = arith.addi %mul3A_538, %add3A_539 : i32
    %get3A_541 = arith.constant 7 : index
    %get3A_542 = arith.constant 0 : index
    %get3A_543 = arith.constant 0 : index
    %get3A_544 = vector.load %arg1[%get3A_541, %get3A_542, %get3A_543] : memref<16x64x512xf32, #tpu.memory_space<vmem>>, vector<1x64x512xf32>
    %get3A_545 = vector.shape_cast %get3A_544 : vector<1x64x512xf32> to vector<64x512xf32>
    %convert_element_type3A_546 = arith.truncf %get3A_545 : vector<64x512xf32> to vector<64x512xbf16>
    %dot_general3A_547 = arith.constant dense<0.000000e+00> : vector<128x512xf32>
    %dot_general3A_548 = tpu.matmul %get3A_15, %convert_element_type3A_546, %dot_general3A_547 {dimension_numbers = #tpu.dot_dimension_numbers<[1], [0], [0], [1], [0, 0, 1, 1], [], []>, transpose_lhs_hint = false} : vector<128x64xbf16>, vector<64x512xbf16>, vector<128x512xf32> -> vector<128x512xf32>
    %slice3A_549 = vector.extract_strided_slice %dot_general3A_548 {offsets = [0, 0], sizes = [64, 512], strides = [1, 1]} : vector<128x512xf32> to vector<64x512xf32>
    %add3A_550 = vector.broadcast %get3A_21 : vector<64x1xf32> to vector<64x512xf32>
    %add3A_551 = arith.addf %slice3A_549, %add3A_550 : vector<64x512xf32>
    %max3A_552 = arith.constant 0.000000e+00 : f32
    %max3A_553 = vector.broadcast %max3A_552 : f32 to vector<64x512xf32>
    %max3A_554 = arith.maximumf %add3A_551, %max3A_553 : vector<64x512xf32>
    %slice3A_555 = vector.extract_strided_slice %dot_general3A_548 {offsets = [64, 0], sizes = [64, 512], strides = [1, 1]} : vector<128x512xf32> to vector<64x512xf32>
    %convert_element_type3A_556 = arith.truncf %max3A_554 : vector<64x512xf32> to vector<64x512xbf16>
    %dot_general3A_557 = arith.constant dense<0.000000e+00> : vector<128x512xf32>
    %dot_general3A_558 = tpu.matmul %get3A_18, %convert_element_type3A_556, %dot_general3A_557 {dimension_numbers = #tpu.dot_dimension_numbers<[1], [0], [0], [1], [0, 0, 1, 1], [], []>, transpose_lhs_hint = false} : vector<128x64xbf16>, vector<64x512xbf16>, vector<128x512xf32> -> vector<128x512xf32>
    %convert_element_type3A_559 = arith.truncf %dot_general3A_558 : vector<128x512xf32> to vector<128x512xbf16>
    %dot_general3A_560 = arith.constant dense<0.000000e+00> : vector<128x512xf32>
    %dot_general3A_561 = tpu.matmul %convert_element_type3A_559, %get3A_3, %dot_general3A_560 {dimension_numbers = #tpu.dot_dimension_numbers<[1], [0], [0], [1], [0, 0, 1, 1], [], []>, transpose_lhs_hint = false} : vector<128x512xbf16>, vector<512x512xbf16>, vector<128x512xf32> -> vector<128x512xf32>
    %slice3A_562 = vector.extract_strided_slice %dot_general3A_561 {offsets = [0, 0], sizes = [64, 512], strides = [1, 1]} : vector<128x512xf32> to vector<64x512xf32>
    %eq3A_563 = vector.broadcast %add3A_540 : i32 to vector<1x512xi32>
    %eq3A_564 = arith.cmpi eq, %iota3A, %eq3A_563 : vector<1x512xi32>
    %jit3A_565 = arith.constant 0.000000e+00 : f32
    %broadcast_in_dim3A_566 = vector.shape_cast %eq3A_564 : vector<1x512xi1> to vector<1x512xi1>
    %broadcast_in_dim3A_567 = vector.broadcast %broadcast_in_dim3A_566 : vector<1x512xi1> to vector<64x512xi1>
    %broadcast_in_dim3A_568 = vector.broadcast %jit3A_565 : f32 to vector<64x512xf32>
    %select_n3A_569 = arith.select %broadcast_in_dim3A_567, %get3A_9, %broadcast_in_dim3A_568 : vector<64x512xi1>, vector<64x512xf32>
    %reduce_sum3A_570 = arith.constant dense<0.000000e+00> : vector<64xf32>
    %reduce_sum3A_571 = vector.multi_reduction <add>, %select_n3A_569, %reduce_sum3A_570 [1] : vector<64x512xf32> to vector<64xf32>
    %broadcast_in_dim3A_572 = vector.shape_cast %reduce_sum3A_571 : vector<64xf32> to vector<64x1xf32>
    %jit3A_573 = arith.constant 0.000000e+00 : f32
    %broadcast_in_dim3A_574 = vector.shape_cast %eq3A_564 : vector<1x512xi1> to vector<1x512xi1>
    %broadcast_in_dim3A_575 = vector.broadcast %broadcast_in_dim3A_574 : vector<1x512xi1> to vector<64x512xi1>
    %broadcast_in_dim3A_576 = vector.broadcast %jit3A_573 : f32 to vector<64x512xf32>
    %select_n3A_577 = arith.select %broadcast_in_dim3A_575, %get3A_12, %broadcast_in_dim3A_576 : vector<64x512xi1>, vector<64x512xf32>
    %reduce_sum3A_578 = arith.constant dense<0.000000e+00> : vector<64xf32>
    %reduce_sum3A_579 = vector.multi_reduction <add>, %select_n3A_577, %reduce_sum3A_578 [1] : vector<64x512xf32> to vector<64xf32>
    %broadcast_in_dim3A_580 = vector.shape_cast %reduce_sum3A_579 : vector<64xf32> to vector<64x1xf32>
    %slice3A_581 = vector.extract_strided_slice %dot_general3A_561 {offsets = [64, 0], sizes = [64, 512], strides = [1, 1]} : vector<128x512xf32> to vector<64x512xf32>
    %jit3A_582 = arith.constant 0.000000e+00 : f32
    %broadcast_in_dim3A_583 = vector.shape_cast %eq3A_564 : vector<1x512xi1> to vector<1x512xi1>
    %broadcast_in_dim3A_584 = vector.broadcast %broadcast_in_dim3A_583 : vector<1x512xi1> to vector<64x512xi1>
    %broadcast_in_dim3A_585 = vector.broadcast %jit3A_582 : f32 to vector<64x512xf32>
    %select_n3A_586 = arith.select %broadcast_in_dim3A_584, %slice3A_581, %broadcast_in_dim3A_585 : vector<64x512xi1>, vector<64x512xf32>
    %reduce_sum3A_587 = arith.constant dense<0.000000e+00> : vector<64xf32>
    %reduce_sum3A_588 = vector.multi_reduction <add>, %select_n3A_586, %reduce_sum3A_587 [1] : vector<64x512xf32> to vector<64xf32>
    %broadcast_in_dim3A_589 = vector.shape_cast %reduce_sum3A_588 : vector<64xf32> to vector<64x1xf32>
    %add3A_590 = arith.addf %broadcast_in_dim3A_580, %broadcast_in_dim3A_589 : vector<64x1xf32>
    %add3A_591 = arith.addf %slice3A_555, %slice3A_562 : vector<64x512xf32>
    %add3A_592 = vector.broadcast %broadcast_in_dim3A_572 : vector<64x1xf32> to vector<64x512xf32>
    %add3A_593 = arith.addf %add3A_591, %add3A_592 : vector<64x512xf32>
    %add3A_594 = arith.addf %add3A_593, %get3A_6 : vector<64x512xf32>
    %max3A_595 = arith.constant 0.000000e+00 : f32
    %max3A_596 = vector.broadcast %max3A_595 : f32 to vector<64x1xf32>
    %max3A_597 = arith.maximumf %add3A_590, %max3A_596 : vector<64x1xf32>
    %max3A_598 = arith.constant 0.000000e+00 : f32
    %max3A_599 = vector.broadcast %max3A_598 : f32 to vector<64x512xf32>
    %max3A_600 = arith.maximumf %add3A_594, %max3A_599 : vector<64x512xf32>
    %broadcast_in_dim3A_601 = vector.shape_cast %eq3A_564 : vector<1x512xi1> to vector<1x512xi1>
    %broadcast_in_dim3A_602 = vector.broadcast %broadcast_in_dim3A_601 : vector<1x512xi1> to vector<64x512xi1>
    %broadcast_in_dim3A_603 = vector.shape_cast %max3A_597 : vector<64x1xf32> to vector<64x1xf32>
    %broadcast_in_dim3A_604 = vector.broadcast %broadcast_in_dim3A_603 : vector<64x1xf32> to vector<64x512xf32>
    %select_n3A_605 = arith.select %broadcast_in_dim3A_602, %broadcast_in_dim3A_604, %max3A_600 : vector<64x512xi1>, vector<64x512xf32>
    %swap3A_606 = arith.constant 7 : index
    %swap3A_607 = arith.constant 0 : index
    %swap3A_608 = arith.constant 0 : index
    %swap3A_609 = vector.load %arg15[%swap3A_606, %swap3A_607, %swap3A_608] : memref<16x64x512xf32, #tpu.memory_space<vmem>>, vector<1x64x512xf32>
    %swap3A_610 = vector.shape_cast %swap3A_609 : vector<1x64x512xf32> to vector<64x512xf32>
    %swap3A_611 = vector.shape_cast %select_n3A_605 : vector<64x512xf32> to vector<1x64x512xf32>
    tpu.vector_store %arg15[%swap3A_606, %swap3A_607, %swap3A_608], %swap3A_611 {strides = array<i32>} : memref<16x64x512xf32, #tpu.memory_space<vmem>>, vector<1x64x512xf32>,
    %mul3A_612 = arith.constant 16 : i32
    %mul3A_613 = arith.muli %arg0, %mul3A_612 : i32
    %add3A_614 = arith.constant 8 : i32
    %add3A_615 = arith.addi %mul3A_613, %add3A_614 : i32
    %get3A_616 = arith.constant 8 : index
    %get3A_617 = arith.constant 0 : index
    %get3A_618 = arith.constant 0 : index
    %get3A_619 = vector.load %arg1[%get3A_616, %get3A_617, %get3A_618] : memref<16x64x512xf32, #tpu.memory_space<vmem>>, vector<1x64x512xf32>
    %get3A_620 = vector.shape_cast %get3A_619 : vector<1x64x512xf32> to vector<64x512xf32>
    %convert_element_type3A_621 = arith.truncf %get3A_620 : vector<64x512xf32> to vector<64x512xbf16>
    %dot_general3A_622 = arith.constant dense<0.000000e+00> : vector<128x512xf32>
    %dot_general3A_623 = tpu.matmul %get3A_15, %convert_element_type3A_621, %dot_general3A_622 {dimension_numbers = #tpu.dot_dimension_numbers<[1], [0], [0], [1], [0, 0, 1, 1], [], []>, transpose_lhs_hint = false} : vector<128x64xbf16>, vector<64x512xbf16>, vector<128x512xf32> -> vector<128x512xf32>
    %slice3A_624 = vector.extract_strided_slice %dot_general3A_623 {offsets = [0, 0], sizes = [64, 512], strides = [1, 1]} : vector<128x512xf32> to vector<64x512xf32>
    %add3A_625 = vector.broadcast %get3A_21 : vector<64x1xf32> to vector<64x512xf32>
    %add3A_626 = arith.addf %slice3A_624, %add3A_625 : vector<64x512xf32>
    %max3A_627 = arith.constant 0.000000e+00 : f32
    %max3A_628 = vector.broadcast %max3A_627 : f32 to vector<64x512xf32>
    %max3A_629 = arith.maximumf %add3A_626, %max3A_628 : vector<64x512xf32>
    %slice3A_630 = vector.extract_strided_slice %dot_general3A_623 {offsets = [64, 0], sizes = [64, 512], strides = [1, 1]} : vector<128x512xf32> to vector<64x512xf32>
    %convert_element_type3A_631 = arith.truncf %max3A_629 : vector<64x512xf32> to vector<64x512xbf16>
    %dot_general3A_632 = arith.constant dense<0.000000e+00> : vector<128x512xf32>
    %dot_general3A_633 = tpu.matmul %get3A_18, %convert_element_type3A_631, %dot_general3A_632 {dimension_numbers = #tpu.dot_dimension_numbers<[1], [0], [0], [1], [0, 0, 1, 1], [], []>, transpose_lhs_hint = false} : vector<128x64xbf16>, vector<64x512xbf16>, vector<128x512xf32> -> vector<128x512xf32>
    %convert_element_type3A_634 = arith.truncf %dot_general3A_633 : vector<128x512xf32> to vector<128x512xbf16>
    %dot_general3A_635 = arith.constant dense<0.000000e+00> : vector<128x512xf32>
    %dot_general3A_636 = tpu.matmul %convert_element_type3A_634, %get3A_3, %dot_general3A_635 {dimension_numbers = #tpu.dot_dimension_numbers<[1], [0], [0], [1], [0, 0, 1, 1], [], []>, transpose_lhs_hint = false} : vector<128x512xbf16>, vector<512x512xbf16>, vector<128x512xf32> -> vector<128x512xf32>
    %slice3A_637 = vector.extract_strided_slice %dot_general3A_636 {offsets = [0, 0], sizes = [64, 512], strides = [1, 1]} : vector<128x512xf32> to vector<64x512xf32>
    %eq3A_638 = vector.broadcast %add3A_615 : i32 to vector<1x512xi32>
    %eq3A_639 = arith.cmpi eq, %iota3A, %eq3A_638 : vector<1x512xi32>
    %jit3A_640 = arith.constant 0.000000e+00 : f32
    %broadcast_in_dim3A_641 = vector.shape_cast %eq3A_639 : vector<1x512xi1> to vector<1x512xi1>
    %broadcast_in_dim3A_642 = vector.broadcast %broadcast_in_dim3A_641 : vector<1x512xi1> to vector<64x512xi1>
    %broadcast_in_dim3A_643 = vector.broadcast %jit3A_640 : f32 to vector<64x512xf32>
    %select_n3A_644 = arith.select %broadcast_in_dim3A_642, %get3A_9, %broadcast_in_dim3A_643 : vector<64x512xi1>, vector<64x512xf32>
    %reduce_sum3A_645 = arith.constant dense<0.000000e+00> : vector<64xf32>
    %reduce_sum3A_646 = vector.multi_reduction <add>, %select_n3A_644, %reduce_sum3A_645 [1] : vector<64x512xf32> to vector<64xf32>
    %broadcast_in_dim3A_647 = vector.shape_cast %reduce_sum3A_646 : vector<64xf32> to vector<64x1xf32>
    %jit3A_648 = arith.constant 0.000000e+00 : f32
    %broadcast_in_dim3A_649 = vector.shape_cast %eq3A_639 : vector<1x512xi1> to vector<1x512xi1>
    %broadcast_in_dim3A_650 = vector.broadcast %broadcast_in_dim3A_649 : vector<1x512xi1> to vector<64x512xi1>
    %broadcast_in_dim3A_651 = vector.broadcast %jit3A_648 : f32 to vector<64x512xf32>
    %select_n3A_652 = arith.select %broadcast_in_dim3A_650, %get3A_12, %broadcast_in_dim3A_651 : vector<64x512xi1>, vector<64x512xf32>
    %reduce_sum3A_653 = arith.constant dense<0.000000e+00> : vector<64xf32>
    %reduce_sum3A_654 = vector.multi_reduction <add>, %select_n3A_652, %reduce_sum3A_653 [1] : vector<64x512xf32> to vector<64xf32>
    %broadcast_in_dim3A_655 = vector.shape_cast %reduce_sum3A_654 : vector<64xf32> to vector<64x1xf32>
    %slice3A_656 = vector.extract_strided_slice %dot_general3A_636 {offsets = [64, 0], sizes = [64, 512], strides = [1, 1]} : vector<128x512xf32> to vector<64x512xf32>
    %jit3A_657 = arith.constant 0.000000e+00 : f32
    %broadcast_in_dim3A_658 = vector.shape_cast %eq3A_639 : vector<1x512xi1> to vector<1x512xi1>
    %broadcast_in_dim3A_659 = vector.broadcast %broadcast_in_dim3A_658 : vector<1x512xi1> to vector<64x512xi1>
    %broadcast_in_dim3A_660 = vector.broadcast %jit3A_657 : f32 to vector<64x512xf32>
    %select_n3A_661 = arith.select %broadcast_in_dim3A_659, %slice3A_656, %broadcast_in_dim3A_660 : vector<64x512xi1>, vector<64x512xf32>
    %reduce_sum3A_662 = arith.constant dense<0.000000e+00> : vector<64xf32>
    %reduce_sum3A_663 = vector.multi_reduction <add>, %select_n3A_661, %reduce_sum3A_662 [1] : vector<64x512xf32> to vector<64xf32>
    %broadcast_in_dim3A_664 = vector.shape_cast %reduce_sum3A_663 : vector<64xf32> to vector<64x1xf32>
    %add3A_665 = arith.addf %broadcast_in_dim3A_655, %broadcast_in_dim3A_664 : vector<64x1xf32>
    %add3A_666 = arith.addf %slice3A_630, %slice3A_637 : vector<64x512xf32>
    %add3A_667 = vector.broadcast %broadcast_in_dim3A_647 : vector<64x1xf32> to vector<64x512xf32>
    %add3A_668 = arith.addf %add3A_666, %add3A_667 : vector<64x512xf32>
    %add3A_669 = arith.addf %add3A_668, %get3A_6 : vector<64x512xf32>
    %max3A_670 = arith.constant 0.000000e+00 : f32
    %max3A_671 = vector.broadcast %max3A_670 : f32 to vector<64x1xf32>
    %max3A_672 = arith.maximumf %add3A_665, %max3A_671 : vector<64x1xf32>
    %max3A_673 = arith.constant 0.000000e+00 : f32
    %max3A_674 = vector.broadcast %max3A_673 : f32 to vector<64x512xf32>
    %max3A_675 = arith.maximumf %add3A_669, %max3A_674 : vector<64x512xf32>
    %broadcast_in_dim3A_676 = vector.shape_cast %eq3A_639 : vector<1x512xi1> to vector<1x512xi1>
    %broadcast_in_dim3A_677 = vector.broadcast %broadcast_in_dim3A_676 : vector<1x512xi1> to vector<64x512xi1>
    %broadcast_in_dim3A_678 = vector.shape_cast %max3A_672 : vector<64x1xf32> to vector<64x1xf32>
    %broadcast_in_dim3A_679 = vector.broadcast %broadcast_in_dim3A_678 : vector<64x1xf32> to vector<64x512xf32>
    %select_n3A_680 = arith.select %broadcast_in_dim3A_677, %broadcast_in_dim3A_679, %max3A_675 : vector<64x512xi1>, vector<64x512xf32>
    %swap3A_681 = arith.constant 8 : index
    %swap3A_682 = arith.constant 0 : index
    %swap3A_683 = arith.constant 0 : index
    %swap3A_684 = vector.load %arg15[%swap3A_681, %swap3A_682, %swap3A_683] : memref<16x64x512xf32, #tpu.memory_space<vmem>>, vector<1x64x512xf32>
    %swap3A_685 = vector.shape_cast %swap3A_684 : vector<1x64x512xf32> to vector<64x512xf32>
    %swap3A_686 = vector.shape_cast %select_n3A_680 : vector<64x512xf32> to vector<1x64x512xf32>
    tpu.vector_store %arg15[%swap3A_681, %swap3A_682, %swap3A_683], %swap3A_686 {strides = array<i32>} : memref<16x64x512xf32, #tpu.memory_space<vmem>>, vector<1x64x512xf32>,
    %mul3A_687 = arith.constant 16 : i32
    %mul3A_688 = arith.muli %arg0, %mul3A_687 : i32
    %add3A_689 = arith.constant 9 : i32
    %add3A_690 = arith.addi %mul3A_688, %add3A_689 : i32
    %get3A_691 = arith.constant 9 : index
    %get3A_692 = arith.constant 0 : index
    %get3A_693 = arith.constant 0 : index
    %get3A_694 = vector.load %arg1[%get3A_691, %get3A_692, %get3A_693] : memref<16x64x512xf32, #tpu.memory_space<vmem>>, vector<1x64x512xf32>
    %get3A_695 = vector.shape_cast %get3A_694 : vector<1x64x512xf32> to vector<64x512xf32>
    %convert_element_type3A_696 = arith.truncf %get3A_695 : vector<64x512xf32> to vector<64x512xbf16>
    %dot_general3A_697 = arith.constant dense<0.000000e+00> : vector<128x512xf32>
    %dot_general3A_698 = tpu.matmul %get3A_15, %convert_element_type3A_696, %dot_general3A_697 {dimension_numbers = #tpu.dot_dimension_numbers<[1], [0], [0], [1], [0, 0, 1, 1], [], []>, transpose_lhs_hint = false} : vector<128x64xbf16>, vector<64x512xbf16>, vector<128x512xf32> -> vector<128x512xf32>
    %slice3A_699 = vector.extract_strided_slice %dot_general3A_698 {offsets = [0, 0], sizes = [64, 512], strides = [1, 1]} : vector<128x512xf32> to vector<64x512xf32>
    %add3A_700 = vector.broadcast %get3A_21 : vector<64x1xf32> to vector<64x512xf32>
    %add3A_701 = arith.addf %slice3A_699, %add3A_700 : vector<64x512xf32>
    %max3A_702 = arith.constant 0.000000e+00 : f32
    %max3A_703 = vector.broadcast %max3A_702 : f32 to vector<64x512xf32>
    %max3A_704 = arith.maximumf %add3A_701, %max3A_703 : vector<64x512xf32>
    %slice3A_705 = vector.extract_strided_slice %dot_general3A_698 {offsets = [64, 0], sizes = [64, 512], strides = [1, 1]} : vector<128x512xf32> to vector<64x512xf32>
    %convert_element_type3A_706 = arith.truncf %max3A_704 : vector<64x512xf32> to vector<64x512xbf16>
    %dot_general3A_707 = arith.constant dense<0.000000e+00> : vector<128x512xf32>
    %dot_general3A_708 = tpu.matmul %get3A_18, %convert_element_type3A_706, %dot_general3A_707 {dimension_numbers = #tpu.dot_dimension_numbers<[1], [0], [0], [1], [0, 0, 1, 1], [], []>, transpose_lhs_hint = false} : vector<128x64xbf16>, vector<64x512xbf16>, vector<128x512xf32> -> vector<128x512xf32>
    %convert_element_type3A_709 = arith.truncf %dot_general3A_708 : vector<128x512xf32> to vector<128x512xbf16>
    %dot_general3A_710 = arith.constant dense<0.000000e+00> : vector<128x512xf32>
    %dot_general3A_711 = tpu.matmul %convert_element_type3A_709, %get3A_3, %dot_general3A_710 {dimension_numbers = #tpu.dot_dimension_numbers<[1], [0], [0], [1], [0, 0, 1, 1], [], []>, transpose_lhs_hint = false} : vector<128x512xbf16>, vector<512x512xbf16>, vector<128x512xf32> -> vector<128x512xf32>
    %slice3A_712 = vector.extract_strided_slice %dot_general3A_711 {offsets = [0, 0], sizes = [64, 512], strides = [1, 1]} : vector<128x512xf32> to vector<64x512xf32>
    %eq3A_713 = vector.broadcast %add3A_690 : i32 to vector<1x512xi32>
    %eq3A_714 = arith.cmpi eq, %iota3A, %eq3A_713 : vector<1x512xi32>
    %jit3A_715 = arith.constant 0.000000e+00 : f32
    %broadcast_in_dim3A_716 = vector.shape_cast %eq3A_714 : vector<1x512xi1> to vector<1x512xi1>
    %broadcast_in_dim3A_717 = vector.broadcast %broadcast_in_dim3A_716 : vector<1x512xi1> to vector<64x512xi1>
    %broadcast_in_dim3A_718 = vector.broadcast %jit3A_715 : f32 to vector<64x512xf32>
    %select_n3A_719 = arith.select %broadcast_in_dim3A_717, %get3A_9, %broadcast_in_dim3A_718 : vector<64x512xi1>, vector<64x512xf32>
    %reduce_sum3A_720 = arith.constant dense<0.000000e+00> : vector<64xf32>
    %reduce_sum3A_721 = vector.multi_reduction <add>, %select_n3A_719, %reduce_sum3A_720 [1] : vector<64x512xf32> to vector<64xf32>
    %broadcast_in_dim3A_722 = vector.shape_cast %reduce_sum3A_721 : vector<64xf32> to vector<64x1xf32>
    %jit3A_723 = arith.constant 0.000000e+00 : f32
    %broadcast_in_dim3A_724 = vector.shape_cast %eq3A_714 : vector<1x512xi1> to vector<1x512xi1>
    %broadcast_in_dim3A_725 = vector.broadcast %broadcast_in_dim3A_724 : vector<1x512xi1> to vector<64x512xi1>
    %broadcast_in_dim3A_726 = vector.broadcast %jit3A_723 : f32 to vector<64x512xf32>
    %select_n3A_727 = arith.select %broadcast_in_dim3A_725, %get3A_12, %broadcast_in_dim3A_726 : vector<64x512xi1>, vector<64x512xf32>
    %reduce_sum3A_728 = arith.constant dense<0.000000e+00> : vector<64xf32>
    %reduce_sum3A_729 = vector.multi_reduction <add>, %select_n3A_727, %reduce_sum3A_728 [1] : vector<64x512xf32> to vector<64xf32>
    %broadcast_in_dim3A_730 = vector.shape_cast %reduce_sum3A_729 : vector<64xf32> to vector<64x1xf32>
    %slice3A_731 = vector.extract_strided_slice %dot_general3A_711 {offsets = [64, 0], sizes = [64, 512], strides = [1, 1]} : vector<128x512xf32> to vector<64x512xf32>
    %jit3A_732 = arith.constant 0.000000e+00 : f32
    %broadcast_in_dim3A_733 = vector.shape_cast %eq3A_714 : vector<1x512xi1> to vector<1x512xi1>
    %broadcast_in_dim3A_734 = vector.broadcast %broadcast_in_dim3A_733 : vector<1x512xi1> to vector<64x512xi1>
    %broadcast_in_dim3A_735 = vector.broadcast %jit3A_732 : f32 to vector<64x512xf32>
    %select_n3A_736 = arith.select %broadcast_in_dim3A_734, %slice3A_731, %broadcast_in_dim3A_735 : vector<64x512xi1>, vector<64x512xf32>
    %reduce_sum3A_737 = arith.constant dense<0.000000e+00> : vector<64xf32>
    %reduce_sum3A_738 = vector.multi_reduction <add>, %select_n3A_736, %reduce_sum3A_737 [1] : vector<64x512xf32> to vector<64xf32>
    %broadcast_in_dim3A_739 = vector.shape_cast %reduce_sum3A_738 : vector<64xf32> to vector<64x1xf32>
    %add3A_740 = arith.addf %broadcast_in_dim3A_730, %broadcast_in_dim3A_739 : vector<64x1xf32>
    %add3A_741 = arith.addf %slice3A_705, %slice3A_712 : vector<64x512xf32>
    %add3A_742 = vector.broadcast %broadcast_in_dim3A_722 : vector<64x1xf32> to vector<64x512xf32>
    %add3A_743 = arith.addf %add3A_741, %add3A_742 : vector<64x512xf32>
    %add3A_744 = arith.addf %add3A_743, %get3A_6 : vector<64x512xf32>
    %max3A_745 = arith.constant 0.000000e+00 : f32
    %max3A_746 = vector.broadcast %max3A_745 : f32 to vector<64x1xf32>
    %max3A_747 = arith.maximumf %add3A_740, %max3A_746 : vector<64x1xf32>
    %max3A_748 = arith.constant 0.000000e+00 : f32
    %max3A_749 = vector.broadcast %max3A_748 : f32 to vector<64x512xf32>
    %max3A_750 = arith.maximumf %add3A_744, %max3A_749 : vector<64x512xf32>
    %broadcast_in_dim3A_751 = vector.shape_cast %eq3A_714 : vector<1x512xi1> to vector<1x512xi1>
    %broadcast_in_dim3A_752 = vector.broadcast %broadcast_in_dim3A_751 : vector<1x512xi1> to vector<64x512xi1>
    %broadcast_in_dim3A_753 = vector.shape_cast %max3A_747 : vector<64x1xf32> to vector<64x1xf32>
    %broadcast_in_dim3A_754 = vector.broadcast %broadcast_in_dim3A_753 : vector<64x1xf32> to vector<64x512xf32>
    %select_n3A_755 = arith.select %broadcast_in_dim3A_752, %broadcast_in_dim3A_754, %max3A_750 : vector<64x512xi1>, vector<64x512xf32>
    %swap3A_756 = arith.constant 9 : index
    %swap3A_757 = arith.constant 0 : index
    %swap3A_758 = arith.constant 0 : index
    %swap3A_759 = vector.load %arg15[%swap3A_756, %swap3A_757, %swap3A_758] : memref<16x64x512xf32, #tpu.memory_space<vmem>>, vector<1x64x512xf32>
    %swap3A_760 = vector.shape_cast %swap3A_759 : vector<1x64x512xf32> to vector<64x512xf32>
    %swap3A_761 = vector.shape_cast %select_n3A_755 : vector<64x512xf32> to vector<1x64x512xf32>
    tpu.vector_store %arg15[%swap3A_756, %swap3A_757, %swap3A_758], %swap3A_761 {strides = array<i32>} : memref<16x64x512xf32, #tpu.memory_space<vmem>>, vector<1x64x512xf32>,
    %mul3A_762 = arith.constant 16 : i32
    %mul3A_763 = arith.muli %arg0, %mul3A_762 : i32
    %add3A_764 = arith.constant 10 : i32
    %add3A_765 = arith.addi %mul3A_763, %add3A_764 : i32
    %get3A_766 = arith.constant 10 : index
    %get3A_767 = arith.constant 0 : index
    %get3A_768 = arith.constant 0 : index
    %get3A_769 = vector.load %arg1[%get3A_766, %get3A_767, %get3A_768] : memref<16x64x512xf32, #tpu.memory_space<vmem>>, vector<1x64x512xf32>
    %get3A_770 = vector.shape_cast %get3A_769 : vector<1x64x512xf32> to vector<64x512xf32>
    %convert_element_type3A_771 = arith.truncf %get3A_770 : vector<64x512xf32> to vector<64x512xbf16>
    %dot_general3A_772 = arith.constant dense<0.000000e+00> : vector<128x512xf32>
    %dot_general3A_773 = tpu.matmul %get3A_15, %convert_element_type3A_771, %dot_general3A_772 {dimension_numbers = #tpu.dot_dimension_numbers<[1], [0], [0], [1], [0, 0, 1, 1], [], []>, transpose_lhs_hint = false} : vector<128x64xbf16>, vector<64x512xbf16>, vector<128x512xf32> -> vector<128x512xf32>
    %slice3A_774 = vector.extract_strided_slice %dot_general3A_773 {offsets = [0, 0], sizes = [64, 512], strides = [1, 1]} : vector<128x512xf32> to vector<64x512xf32>
    %add3A_775 = vector.broadcast %get3A_21 : vector<64x1xf32> to vector<64x512xf32>
    %add3A_776 = arith.addf %slice3A_774, %add3A_775 : vector<64x512xf32>
    %max3A_777 = arith.constant 0.000000e+00 : f32
    %max3A_778 = vector.broadcast %max3A_777 : f32 to vector<64x512xf32>
    %max3A_779 = arith.maximumf %add3A_776, %max3A_778 : vector<64x512xf32>
    %slice3A_780 = vector.extract_strided_slice %dot_general3A_773 {offsets = [64, 0], sizes = [64, 512], strides = [1, 1]} : vector<128x512xf32> to vector<64x512xf32>
    %convert_element_type3A_781 = arith.truncf %max3A_779 : vector<64x512xf32> to vector<64x512xbf16>
    %dot_general3A_782 = arith.constant dense<0.000000e+00> : vector<128x512xf32>
    %dot_general3A_783 = tpu.matmul %get3A_18, %convert_element_type3A_781, %dot_general3A_782 {dimension_numbers = #tpu.dot_dimension_numbers<[1], [0], [0], [1], [0, 0, 1, 1], [], []>, transpose_lhs_hint = false} : vector<128x64xbf16>, vector<64x512xbf16>, vector<128x512xf32> -> vector<128x512xf32>
    %convert_element_type3A_784 = arith.truncf %dot_general3A_783 : vector<128x512xf32> to vector<128x512xbf16>
    %dot_general3A_785 = arith.constant dense<0.000000e+00> : vector<128x512xf32>
    %dot_general3A_786 = tpu.matmul %convert_element_type3A_784, %get3A_3, %dot_general3A_785 {dimension_numbers = #tpu.dot_dimension_numbers<[1], [0], [0], [1], [0, 0, 1, 1], [], []>, transpose_lhs_hint = false} : vector<128x512xbf16>, vector<512x512xbf16>, vector<128x512xf32> -> vector<128x512xf32>
    %slice3A_787 = vector.extract_strided_slice %dot_general3A_786 {offsets = [0, 0], sizes = [64, 512], strides = [1, 1]} : vector<128x512xf32> to vector<64x512xf32>
    %eq3A_788 = vector.broadcast %add3A_765 : i32 to vector<1x512xi32>
    %eq3A_789 = arith.cmpi eq, %iota3A, %eq3A_788 : vector<1x512xi32>
    %jit3A_790 = arith.constant 0.000000e+00 : f32
    %broadcast_in_dim3A_791 = vector.shape_cast %eq3A_789 : vector<1x512xi1> to vector<1x512xi1>
    %broadcast_in_dim3A_792 = vector.broadcast %broadcast_in_dim3A_791 : vector<1x512xi1> to vector<64x512xi1>
    %broadcast_in_dim3A_793 = vector.broadcast %jit3A_790 : f32 to vector<64x512xf32>
    %select_n3A_794 = arith.select %broadcast_in_dim3A_792, %get3A_9, %broadcast_in_dim3A_793 : vector<64x512xi1>, vector<64x512xf32>
    %reduce_sum3A_795 = arith.constant dense<0.000000e+00> : vector<64xf32>
    %reduce_sum3A_796 = vector.multi_reduction <add>, %select_n3A_794, %reduce_sum3A_795 [1] : vector<64x512xf32> to vector<64xf32>
    %broadcast_in_dim3A_797 = vector.shape_cast %reduce_sum3A_796 : vector<64xf32> to vector<64x1xf32>
    %jit3A_798 = arith.constant 0.000000e+00 : f32
    %broadcast_in_dim3A_799 = vector.shape_cast %eq3A_789 : vector<1x512xi1> to vector<1x512xi1>
    %broadcast_in_dim3A_800 = vector.broadcast %broadcast_in_dim3A_799 : vector<1x512xi1> to vector<64x512xi1>
    %broadcast_in_dim3A_801 = vector.broadcast %jit3A_798 : f32 to vector<64x512xf32>
    %select_n3A_802 = arith.select %broadcast_in_dim3A_800, %get3A_12, %broadcast_in_dim3A_801 : vector<64x512xi1>, vector<64x512xf32>
    %reduce_sum3A_803 = arith.constant dense<0.000000e+00> : vector<64xf32>
    %reduce_sum3A_804 = vector.multi_reduction <add>, %select_n3A_802, %reduce_sum3A_803 [1] : vector<64x512xf32> to vector<64xf32>
    %broadcast_in_dim3A_805 = vector.shape_cast %reduce_sum3A_804 : vector<64xf32> to vector<64x1xf32>
    %slice3A_806 = vector.extract_strided_slice %dot_general3A_786 {offsets = [64, 0], sizes = [64, 512], strides = [1, 1]} : vector<128x512xf32> to vector<64x512xf32>
    %jit3A_807 = arith.constant 0.000000e+00 : f32
    %broadcast_in_dim3A_808 = vector.shape_cast %eq3A_789 : vector<1x512xi1> to vector<1x512xi1>
    %broadcast_in_dim3A_809 = vector.broadcast %broadcast_in_dim3A_808 : vector<1x512xi1> to vector<64x512xi1>
    %broadcast_in_dim3A_810 = vector.broadcast %jit3A_807 : f32 to vector<64x512xf32>
    %select_n3A_811 = arith.select %broadcast_in_dim3A_809, %slice3A_806, %broadcast_in_dim3A_810 : vector<64x512xi1>, vector<64x512xf32>
    %reduce_sum3A_812 = arith.constant dense<0.000000e+00> : vector<64xf32>
    %reduce_sum3A_813 = vector.multi_reduction <add>, %select_n3A_811, %reduce_sum3A_812 [1] : vector<64x512xf32> to vector<64xf32>
    %broadcast_in_dim3A_814 = vector.shape_cast %reduce_sum3A_813 : vector<64xf32> to vector<64x1xf32>
    %add3A_815 = arith.addf %broadcast_in_dim3A_805, %broadcast_in_dim3A_814 : vector<64x1xf32>
    %add3A_816 = arith.addf %slice3A_780, %slice3A_787 : vector<64x512xf32>
    %add3A_817 = vector.broadcast %broadcast_in_dim3A_797 : vector<64x1xf32> to vector<64x512xf32>
    %add3A_818 = arith.addf %add3A_816, %add3A_817 : vector<64x512xf32>
    %add3A_819 = arith.addf %add3A_818, %get3A_6 : vector<64x512xf32>
    %max3A_820 = arith.constant 0.000000e+00 : f32
    %max3A_821 = vector.broadcast %max3A_820 : f32 to vector<64x1xf32>
    %max3A_822 = arith.maximumf %add3A_815, %max3A_821 : vector<64x1xf32>
    %max3A_823 = arith.constant 0.000000e+00 : f32
    %max3A_824 = vector.broadcast %max3A_823 : f32 to vector<64x512xf32>
    %max3A_825 = arith.maximumf %add3A_819, %max3A_824 : vector<64x512xf32>
    %broadcast_in_dim3A_826 = vector.shape_cast %eq3A_789 : vector<1x512xi1> to vector<1x512xi1>
    %broadcast_in_dim3A_827 = vector.broadcast %broadcast_in_dim3A_826 : vector<1x512xi1> to vector<64x512xi1>
    %broadcast_in_dim3A_828 = vector.shape_cast %max3A_822 : vector<64x1xf32> to vector<64x1xf32>
    %broadcast_in_dim3A_829 = vector.broadcast %broadcast_in_dim3A_828 : vector<64x1xf32> to vector<64x512xf32>
    %select_n3A_830 = arith.select %broadcast_in_dim3A_827, %broadcast_in_dim3A_829, %max3A_825 : vector<64x512xi1>, vector<64x512xf32>
    %swap3A_831 = arith.constant 10 : index
    %swap3A_832 = arith.constant 0 : index
    %swap3A_833 = arith.constant 0 : index
    %swap3A_834 = vector.load %arg15[%swap3A_831, %swap3A_832, %swap3A_833] : memref<16x64x512xf32, #tpu.memory_space<vmem>>, vector<1x64x512xf32>
    %swap3A_835 = vector.shape_cast %swap3A_834 : vector<1x64x512xf32> to vector<64x512xf32>
    %swap3A_836 = vector.shape_cast %select_n3A_830 : vector<64x512xf32> to vector<1x64x512xf32>
    tpu.vector_store %arg15[%swap3A_831, %swap3A_832, %swap3A_833], %swap3A_836 {strides = array<i32>} : memref<16x64x512xf32, #tpu.memory_space<vmem>>, vector<1x64x512xf32>,
    %mul3A_837 = arith.constant 16 : i32
    %mul3A_838 = arith.muli %arg0, %mul3A_837 : i32
    %add3A_839 = arith.constant 11 : i32
    %add3A_840 = arith.addi %mul3A_838, %add3A_839 : i32
    %get3A_841 = arith.constant 11 : index
    %get3A_842 = arith.constant 0 : index
    %get3A_843 = arith.constant 0 : index
    %get3A_844 = vector.load %arg1[%get3A_841, %get3A_842, %get3A_843] : memref<16x64x512xf32, #tpu.memory_space<vmem>>, vector<1x64x512xf32>
    %get3A_845 = vector.shape_cast %get3A_844 : vector<1x64x512xf32> to vector<64x512xf32>
    %convert_element_type3A_846 = arith.truncf %get3A_845 : vector<64x512xf32> to vector<64x512xbf16>
    %dot_general3A_847 = arith.constant dense<0.000000e+00> : vector<128x512xf32>
    %dot_general3A_848 = tpu.matmul %get3A_15, %convert_element_type3A_846, %dot_general3A_847 {dimension_numbers = #tpu.dot_dimension_numbers<[1], [0], [0], [1], [0, 0, 1, 1], [], []>, transpose_lhs_hint = false} : vector<128x64xbf16>, vector<64x512xbf16>, vector<128x512xf32> -> vector<128x512xf32>
    %slice3A_849 = vector.extract_strided_slice %dot_general3A_848 {offsets = [0, 0], sizes = [64, 512], strides = [1, 1]} : vector<128x512xf32> to vector<64x512xf32>
    %add3A_850 = vector.broadcast %get3A_21 : vector<64x1xf32> to vector<64x512xf32>
    %add3A_851 = arith.addf %slice3A_849, %add3A_850 : vector<64x512xf32>
    %max3A_852 = arith.constant 0.000000e+00 : f32
    %max3A_853 = vector.broadcast %max3A_852 : f32 to vector<64x512xf32>
    %max3A_854 = arith.maximumf %add3A_851, %max3A_853 : vector<64x512xf32>
    %slice3A_855 = vector.extract_strided_slice %dot_general3A_848 {offsets = [64, 0], sizes = [64, 512], strides = [1, 1]} : vector<128x512xf32> to vector<64x512xf32>
    %convert_element_type3A_856 = arith.truncf %max3A_854 : vector<64x512xf32> to vector<64x512xbf16>
    %dot_general3A_857 = arith.constant dense<0.000000e+00> : vector<128x512xf32>
    %dot_general3A_858 = tpu.matmul %get3A_18, %convert_element_type3A_856, %dot_general3A_857 {dimension_numbers = #tpu.dot_dimension_numbers<[1], [0], [0], [1], [0, 0, 1, 1], [], []>, transpose_lhs_hint = false} : vector<128x64xbf16>, vector<64x512xbf16>, vector<128x512xf32> -> vector<128x512xf32>
    %convert_element_type3A_859 = arith.truncf %dot_general3A_858 : vector<128x512xf32> to vector<128x512xbf16>
    %dot_general3A_860 = arith.constant dense<0.000000e+00> : vector<128x512xf32>
    %dot_general3A_861 = tpu.matmul %convert_element_type3A_859, %get3A_3, %dot_general3A_860 {dimension_numbers = #tpu.dot_dimension_numbers<[1], [0], [0], [1], [0, 0, 1, 1], [], []>, transpose_lhs_hint = false} : vector<128x512xbf16>, vector<512x512xbf16>, vector<128x512xf32> -> vector<128x512xf32>
    %slice3A_862 = vector.extract_strided_slice %dot_general3A_861 {offsets = [0, 0], sizes = [64, 512], strides = [1, 1]} : vector<128x512xf32> to vector<64x512xf32>
    %eq3A_863 = vector.broadcast %add3A_840 : i32 to vector<1x512xi32>
    %eq3A_864 = arith.cmpi eq, %iota3A, %eq3A_863 : vector<1x512xi32>
    %jit3A_865 = arith.constant 0.000000e+00 : f32
    %broadcast_in_dim3A_866 = vector.shape_cast %eq3A_864 : vector<1x512xi1> to vector<1x512xi1>
    %broadcast_in_dim3A_867 = vector.broadcast %broadcast_in_dim3A_866 : vector<1x512xi1> to vector<64x512xi1>
    %broadcast_in_dim3A_868 = vector.broadcast %jit3A_865 : f32 to vector<64x512xf32>
    %select_n3A_869 = arith.select %broadcast_in_dim3A_867, %get3A_9, %broadcast_in_dim3A_868 : vector<64x512xi1>, vector<64x512xf32>
    %reduce_sum3A_870 = arith.constant dense<0.000000e+00> : vector<64xf32>
    %reduce_sum3A_871 = vector.multi_reduction <add>, %select_n3A_869, %reduce_sum3A_870 [1] : vector<64x512xf32> to vector<64xf32>
    %broadcast_in_dim3A_872 = vector.shape_cast %reduce_sum3A_871 : vector<64xf32> to vector<64x1xf32>
    %jit3A_873 = arith.constant 0.000000e+00 : f32
    %broadcast_in_dim3A_874 = vector.shape_cast %eq3A_864 : vector<1x512xi1> to vector<1x512xi1>
    %broadcast_in_dim3A_875 = vector.broadcast %broadcast_in_dim3A_874 : vector<1x512xi1> to vector<64x512xi1>
    %broadcast_in_dim3A_876 = vector.broadcast %jit3A_873 : f32 to vector<64x512xf32>
    %select_n3A_877 = arith.select %broadcast_in_dim3A_875, %get3A_12, %broadcast_in_dim3A_876 : vector<64x512xi1>, vector<64x512xf32>
    %reduce_sum3A_878 = arith.constant dense<0.000000e+00> : vector<64xf32>
    %reduce_sum3A_879 = vector.multi_reduction <add>, %select_n3A_877, %reduce_sum3A_878 [1] : vector<64x512xf32> to vector<64xf32>
    %broadcast_in_dim3A_880 = vector.shape_cast %reduce_sum3A_879 : vector<64xf32> to vector<64x1xf32>
    %slice3A_881 = vector.extract_strided_slice %dot_general3A_861 {offsets = [64, 0], sizes = [64, 512], strides = [1, 1]} : vector<128x512xf32> to vector<64x512xf32>
    %jit3A_882 = arith.constant 0.000000e+00 : f32
    %broadcast_in_dim3A_883 = vector.shape_cast %eq3A_864 : vector<1x512xi1> to vector<1x512xi1>
    %broadcast_in_dim3A_884 = vector.broadcast %broadcast_in_dim3A_883 : vector<1x512xi1> to vector<64x512xi1>
    %broadcast_in_dim3A_885 = vector.broadcast %jit3A_882 : f32 to vector<64x512xf32>
    %select_n3A_886 = arith.select %broadcast_in_dim3A_884, %slice3A_881, %broadcast_in_dim3A_885 : vector<64x512xi1>, vector<64x512xf32>
    %reduce_sum3A_887 = arith.constant dense<0.000000e+00> : vector<64xf32>
    %reduce_sum3A_888 = vector.multi_reduction <add>, %select_n3A_886, %reduce_sum3A_887 [1] : vector<64x512xf32> to vector<64xf32>
    %broadcast_in_dim3A_889 = vector.shape_cast %reduce_sum3A_888 : vector<64xf32> to vector<64x1xf32>
    %add3A_890 = arith.addf %broadcast_in_dim3A_880, %broadcast_in_dim3A_889 : vector<64x1xf32>
    %add3A_891 = arith.addf %slice3A_855, %slice3A_862 : vector<64x512xf32>
    %add3A_892 = vector.broadcast %broadcast_in_dim3A_872 : vector<64x1xf32> to vector<64x512xf32>
    %add3A_893 = arith.addf %add3A_891, %add3A_892 : vector<64x512xf32>
    %add3A_894 = arith.addf %add3A_893, %get3A_6 : vector<64x512xf32>
    %max3A_895 = arith.constant 0.000000e+00 : f32
    %max3A_896 = vector.broadcast %max3A_895 : f32 to vector<64x1xf32>
    %max3A_897 = arith.maximumf %add3A_890, %max3A_896 : vector<64x1xf32>
    %max3A_898 = arith.constant 0.000000e+00 : f32
    %max3A_899 = vector.broadcast %max3A_898 : f32 to vector<64x512xf32>
    %max3A_900 = arith.maximumf %add3A_894, %max3A_899 : vector<64x512xf32>
    %broadcast_in_dim3A_901 = vector.shape_cast %eq3A_864 : vector<1x512xi1> to vector<1x512xi1>
    %broadcast_in_dim3A_902 = vector.broadcast %broadcast_in_dim3A_901 : vector<1x512xi1> to vector<64x512xi1>
    %broadcast_in_dim3A_903 = vector.shape_cast %max3A_897 : vector<64x1xf32> to vector<64x1xf32>
    %broadcast_in_dim3A_904 = vector.broadcast %broadcast_in_dim3A_903 : vector<64x1xf32> to vector<64x512xf32>
    %select_n3A_905 = arith.select %broadcast_in_dim3A_902, %broadcast_in_dim3A_904, %max3A_900 : vector<64x512xi1>, vector<64x512xf32>
    %swap3A_906 = arith.constant 11 : index
    %swap3A_907 = arith.constant 0 : index
    %swap3A_908 = arith.constant 0 : index
    %swap3A_909 = vector.load %arg15[%swap3A_906, %swap3A_907, %swap3A_908] : memref<16x64x512xf32, #tpu.memory_space<vmem>>, vector<1x64x512xf32>
    %swap3A_910 = vector.shape_cast %swap3A_909 : vector<1x64x512xf32> to vector<64x512xf32>
    %swap3A_911 = vector.shape_cast %select_n3A_905 : vector<64x512xf32> to vector<1x64x512xf32>
    tpu.vector_store %arg15[%swap3A_906, %swap3A_907, %swap3A_908], %swap3A_911 {strides = array<i32>} : memref<16x64x512xf32, #tpu.memory_space<vmem>>, vector<1x64x512xf32>,
    %mul3A_912 = arith.constant 16 : i32
    %mul3A_913 = arith.muli %arg0, %mul3A_912 : i32
    %add3A_914 = arith.constant 12 : i32
    %add3A_915 = arith.addi %mul3A_913, %add3A_914 : i32
    %get3A_916 = arith.constant 12 : index
    %get3A_917 = arith.constant 0 : index
    %get3A_918 = arith.constant 0 : index
    %get3A_919 = vector.load %arg1[%get3A_916, %get3A_917, %get3A_918] : memref<16x64x512xf32, #tpu.memory_space<vmem>>, vector<1x64x512xf32>
    %get3A_920 = vector.shape_cast %get3A_919 : vector<1x64x512xf32> to vector<64x512xf32>
    %convert_element_type3A_921 = arith.truncf %get3A_920 : vector<64x512xf32> to vector<64x512xbf16>
    %dot_general3A_922 = arith.constant dense<0.000000e+00> : vector<128x512xf32>
    %dot_general3A_923 = tpu.matmul %get3A_15, %convert_element_type3A_921, %dot_general3A_922 {dimension_numbers = #tpu.dot_dimension_numbers<[1], [0], [0], [1], [0, 0, 1, 1], [], []>, transpose_lhs_hint = false} : vector<128x64xbf16>, vector<64x512xbf16>, vector<128x512xf32> -> vector<128x512xf32>
    %slice3A_924 = vector.extract_strided_slice %dot_general3A_923 {offsets = [0, 0], sizes = [64, 512], strides = [1, 1]} : vector<128x512xf32> to vector<64x512xf32>
    %add3A_925 = vector.broadcast %get3A_21 : vector<64x1xf32> to vector<64x512xf32>
    %add3A_926 = arith.addf %slice3A_924, %add3A_925 : vector<64x512xf32>
    %max3A_927 = arith.constant 0.000000e+00 : f32
    %max3A_928 = vector.broadcast %max3A_927 : f32 to vector<64x512xf32>
    %max3A_929 = arith.maximumf %add3A_926, %max3A_928 : vector<64x512xf32>
    %slice3A_930 = vector.extract_strided_slice %dot_general3A_923 {offsets = [64, 0], sizes = [64, 512], strides = [1, 1]} : vector<128x512xf32> to vector<64x512xf32>
    %convert_element_type3A_931 = arith.truncf %max3A_929 : vector<64x512xf32> to vector<64x512xbf16>
    %dot_general3A_932 = arith.constant dense<0.000000e+00> : vector<128x512xf32>
    %dot_general3A_933 = tpu.matmul %get3A_18, %convert_element_type3A_931, %dot_general3A_932 {dimension_numbers = #tpu.dot_dimension_numbers<[1], [0], [0], [1], [0, 0, 1, 1], [], []>, transpose_lhs_hint = false} : vector<128x64xbf16>, vector<64x512xbf16>, vector<128x512xf32> -> vector<128x512xf32>
    %convert_element_type3A_934 = arith.truncf %dot_general3A_933 : vector<128x512xf32> to vector<128x512xbf16>
    %dot_general3A_935 = arith.constant dense<0.000000e+00> : vector<128x512xf32>
    %dot_general3A_936 = tpu.matmul %convert_element_type3A_934, %get3A_3, %dot_general3A_935 {dimension_numbers = #tpu.dot_dimension_numbers<[1], [0], [0], [1], [0, 0, 1, 1], [], []>, transpose_lhs_hint = false} : vector<128x512xbf16>, vector<512x512xbf16>, vector<128x512xf32> -> vector<128x512xf32>
    %slice3A_937 = vector.extract_strided_slice %dot_general3A_936 {offsets = [0, 0], sizes = [64, 512], strides = [1, 1]} : vector<128x512xf32> to vector<64x512xf32>
    %eq3A_938 = vector.broadcast %add3A_915 : i32 to vector<1x512xi32>
    %eq3A_939 = arith.cmpi eq, %iota3A, %eq3A_938 : vector<1x512xi32>
    %jit3A_940 = arith.constant 0.000000e+00 : f32
    %broadcast_in_dim3A_941 = vector.shape_cast %eq3A_939 : vector<1x512xi1> to vector<1x512xi1>
    %broadcast_in_dim3A_942 = vector.broadcast %broadcast_in_dim3A_941 : vector<1x512xi1> to vector<64x512xi1>
    %broadcast_in_dim3A_943 = vector.broadcast %jit3A_940 : f32 to vector<64x512xf32>
    %select_n3A_944 = arith.select %broadcast_in_dim3A_942, %get3A_9, %broadcast_in_dim3A_943 : vector<64x512xi1>, vector<64x512xf32>
    %reduce_sum3A_945 = arith.constant dense<0.000000e+00> : vector<64xf32>
    %reduce_sum3A_946 = vector.multi_reduction <add>, %select_n3A_944, %reduce_sum3A_945 [1] : vector<64x512xf32> to vector<64xf32>
    %broadcast_in_dim3A_947 = vector.shape_cast %reduce_sum3A_946 : vector<64xf32> to vector<64x1xf32>
    %jit3A_948 = arith.constant 0.000000e+00 : f32
    %broadcast_in_dim3A_949 = vector.shape_cast %eq3A_939 : vector<1x512xi1> to vector<1x512xi1>
    %broadcast_in_dim3A_950 = vector.broadcast %broadcast_in_dim3A_949 : vector<1x512xi1> to vector<64x512xi1>
    %broadcast_in_dim3A_951 = vector.broadcast %jit3A_948 : f32 to vector<64x512xf32>
    %select_n3A_952 = arith.select %broadcast_in_dim3A_950, %get3A_12, %broadcast_in_dim3A_951 : vector<64x512xi1>, vector<64x512xf32>
    %reduce_sum3A_953 = arith.constant dense<0.000000e+00> : vector<64xf32>
    %reduce_sum3A_954 = vector.multi_reduction <add>, %select_n3A_952, %reduce_sum3A_953 [1] : vector<64x512xf32> to vector<64xf32>
    %broadcast_in_dim3A_955 = vector.shape_cast %reduce_sum3A_954 : vector<64xf32> to vector<64x1xf32>
    %slice3A_956 = vector.extract_strided_slice %dot_general3A_936 {offsets = [64, 0], sizes = [64, 512], strides = [1, 1]} : vector<128x512xf32> to vector<64x512xf32>
    %jit3A_957 = arith.constant 0.000000e+00 : f32
    %broadcast_in_dim3A_958 = vector.shape_cast %eq3A_939 : vector<1x512xi1> to vector<1x512xi1>
    %broadcast_in_dim3A_959 = vector.broadcast %broadcast_in_dim3A_958 : vector<1x512xi1> to vector<64x512xi1>
    %broadcast_in_dim3A_960 = vector.broadcast %jit3A_957 : f32 to vector<64x512xf32>
    %select_n3A_961 = arith.select %broadcast_in_dim3A_959, %slice3A_956, %broadcast_in_dim3A_960 : vector<64x512xi1>, vector<64x512xf32>
    %reduce_sum3A_962 = arith.constant dense<0.000000e+00> : vector<64xf32>
    %reduce_sum3A_963 = vector.multi_reduction <add>, %select_n3A_961, %reduce_sum3A_962 [1] : vector<64x512xf32> to vector<64xf32>
    %broadcast_in_dim3A_964 = vector.shape_cast %reduce_sum3A_963 : vector<64xf32> to vector<64x1xf32>
    %add3A_965 = arith.addf %broadcast_in_dim3A_955, %broadcast_in_dim3A_964 : vector<64x1xf32>
    %add3A_966 = arith.addf %slice3A_930, %slice3A_937 : vector<64x512xf32>
    %add3A_967 = vector.broadcast %broadcast_in_dim3A_947 : vector<64x1xf32> to vector<64x512xf32>
    %add3A_968 = arith.addf %add3A_966, %add3A_967 : vector<64x512xf32>
    %add3A_969 = arith.addf %add3A_968, %get3A_6 : vector<64x512xf32>
    %max3A_970 = arith.constant 0.000000e+00 : f32
    %max3A_971 = vector.broadcast %max3A_970 : f32 to vector<64x1xf32>
    %max3A_972 = arith.maximumf %add3A_965, %max3A_971 : vector<64x1xf32>
    %max3A_973 = arith.constant 0.000000e+00 : f32
    %max3A_974 = vector.broadcast %max3A_973 : f32 to vector<64x512xf32>
    %max3A_975 = arith.maximumf %add3A_969, %max3A_974 : vector<64x512xf32>
    %broadcast_in_dim3A_976 = vector.shape_cast %eq3A_939 : vector<1x512xi1> to vector<1x512xi1>
    %broadcast_in_dim3A_977 = vector.broadcast %broadcast_in_dim3A_976 : vector<1x512xi1> to vector<64x512xi1>
    %broadcast_in_dim3A_978 = vector.shape_cast %max3A_972 : vector<64x1xf32> to vector<64x1xf32>
    %broadcast_in_dim3A_979 = vector.broadcast %broadcast_in_dim3A_978 : vector<64x1xf32> to vector<64x512xf32>
    %select_n3A_980 = arith.select %broadcast_in_dim3A_977, %broadcast_in_dim3A_979, %max3A_975 : vector<64x512xi1>, vector<64x512xf32>
    %swap3A_981 = arith.constant 12 : index
    %swap3A_982 = arith.constant 0 : index
    %swap3A_983 = arith.constant 0 : index
    %swap3A_984 = vector.load %arg15[%swap3A_981, %swap3A_982, %swap3A_983] : memref<16x64x512xf32, #tpu.memory_space<vmem>>, vector<1x64x512xf32>
    %swap3A_985 = vector.shape_cast %swap3A_984 : vector<1x64x512xf32> to vector<64x512xf32>
    %swap3A_986 = vector.shape_cast %select_n3A_980 : vector<64x512xf32> to vector<1x64x512xf32>
    tpu.vector_store %arg15[%swap3A_981, %swap3A_982, %swap3A_983], %swap3A_986 {strides = array<i32>} : memref<16x64x512xf32, #tpu.memory_space<vmem>>, vector<1x64x512xf32>,
    %mul3A_987 = arith.constant 16 : i32
    %mul3A_988 = arith.muli %arg0, %mul3A_987 : i32
    %add3A_989 = arith.constant 13 : i32
    %add3A_990 = arith.addi %mul3A_988, %add3A_989 : i32
    %get3A_991 = arith.constant 13 : index
    %get3A_992 = arith.constant 0 : index
    %get3A_993 = arith.constant 0 : index
    %get3A_994 = vector.load %arg1[%get3A_991, %get3A_992, %get3A_993] : memref<16x64x512xf32, #tpu.memory_space<vmem>>, vector<1x64x512xf32>
    %get3A_995 = vector.shape_cast %get3A_994 : vector<1x64x512xf32> to vector<64x512xf32>
    %convert_element_type3A_996 = arith.truncf %get3A_995 : vector<64x512xf32> to vector<64x512xbf16>
    %dot_general3A_997 = arith.constant dense<0.000000e+00> : vector<128x512xf32>
    %dot_general3A_998 = tpu.matmul %get3A_15, %convert_element_type3A_996, %dot_general3A_997 {dimension_numbers = #tpu.dot_dimension_numbers<[1], [0], [0], [1], [0, 0, 1, 1], [], []>, transpose_lhs_hint = false} : vector<128x64xbf16>, vector<64x512xbf16>, vector<128x512xf32> -> vector<128x512xf32>
    %slice3A_999 = vector.extract_strided_slice %dot_general3A_998 {offsets = [0, 0], sizes = [64, 512], strides = [1, 1]} : vector<128x512xf32> to vector<64x512xf32>
    %add3A_1000 = vector.broadcast %get3A_21 : vector<64x1xf32> to vector<64x512xf32>
    %add3A_1001 = arith.addf %slice3A_999, %add3A_1000 : vector<64x512xf32>
    %max3A_1002 = arith.constant 0.000000e+00 : f32
    %max3A_1003 = vector.broadcast %max3A_1002 : f32 to vector<64x512xf32>
    %max3A_1004 = arith.maximumf %add3A_1001, %max3A_1003 : vector<64x512xf32>
    %slice3A_1005 = vector.extract_strided_slice %dot_general3A_998 {offsets = [64, 0], sizes = [64, 512], strides = [1, 1]} : vector<128x512xf32> to vector<64x512xf32>
    %convert_element_type3A_1006 = arith.truncf %max3A_1004 : vector<64x512xf32> to vector<64x512xbf16>
    %dot_general3A_1007 = arith.constant dense<0.000000e+00> : vector<128x512xf32>
    %dot_general3A_1008 = tpu.matmul %get3A_18, %convert_element_type3A_1006, %dot_general3A_1007 {dimension_numbers = #tpu.dot_dimension_numbers<[1], [0], [0], [1], [0, 0, 1, 1], [], []>, transpose_lhs_hint = false} : vector<128x64xbf16>, vector<64x512xbf16>, vector<128x512xf32> -> vector<128x512xf32>
    %convert_element_type3A_1009 = arith.truncf %dot_general3A_1008 : vector<128x512xf32> to vector<128x512xbf16>
    %dot_general3A_1010 = arith.constant dense<0.000000e+00> : vector<128x512xf32>
    %dot_general3A_1011 = tpu.matmul %convert_element_type3A_1009, %get3A_3, %dot_general3A_1010 {dimension_numbers = #tpu.dot_dimension_numbers<[1], [0], [0], [1], [0, 0, 1, 1], [], []>, transpose_lhs_hint = false} : vector<128x512xbf16>, vector<512x512xbf16>, vector<128x512xf32> -> vector<128x512xf32>
    %slice3A_1012 = vector.extract_strided_slice %dot_general3A_1011 {offsets = [0, 0], sizes = [64, 512], strides = [1, 1]} : vector<128x512xf32> to vector<64x512xf32>
    %eq3A_1013 = vector.broadcast %add3A_990 : i32 to vector<1x512xi32>
    %eq3A_1014 = arith.cmpi eq, %iota3A, %eq3A_1013 : vector<1x512xi32>
    %jit3A_1015 = arith.constant 0.000000e+00 : f32
    %broadcast_in_dim3A_1016 = vector.shape_cast %eq3A_1014 : vector<1x512xi1> to vector<1x512xi1>
    %broadcast_in_dim3A_1017 = vector.broadcast %broadcast_in_dim3A_1016 : vector<1x512xi1> to vector<64x512xi1>
    %broadcast_in_dim3A_1018 = vector.broadcast %jit3A_1015 : f32 to vector<64x512xf32>
    %select_n3A_1019 = arith.select %broadcast_in_dim3A_1017, %get3A_9, %broadcast_in_dim3A_1018 : vector<64x512xi1>, vector<64x512xf32>
    %reduce_sum3A_1020 = arith.constant dense<0.000000e+00> : vector<64xf32>
    %reduce_sum3A_1021 = vector.multi_reduction <add>, %select_n3A_1019, %reduce_sum3A_1020 [1] : vector<64x512xf32> to vector<64xf32>
    %broadcast_in_dim3A_1022 = vector.shape_cast %reduce_sum3A_1021 : vector<64xf32> to vector<64x1xf32>
    %jit3A_1023 = arith.constant 0.000000e+00 : f32
    %broadcast_in_dim3A_1024 = vector.shape_cast %eq3A_1014 : vector<1x512xi1> to vector<1x512xi1>
    %broadcast_in_dim3A_1025 = vector.broadcast %broadcast_in_dim3A_1024 : vector<1x512xi1> to vector<64x512xi1>
    %broadcast_in_dim3A_1026 = vector.broadcast %jit3A_1023 : f32 to vector<64x512xf32>
    %select_n3A_1027 = arith.select %broadcast_in_dim3A_1025, %get3A_12, %broadcast_in_dim3A_1026 : vector<64x512xi1>, vector<64x512xf32>
    %reduce_sum3A_1028 = arith.constant dense<0.000000e+00> : vector<64xf32>
    %reduce_sum3A_1029 = vector.multi_reduction <add>, %select_n3A_1027, %reduce_sum3A_1028 [1] : vector<64x512xf32> to vector<64xf32>
    %broadcast_in_dim3A_1030 = vector.shape_cast %reduce_sum3A_1029 : vector<64xf32> to vector<64x1xf32>
    %slice3A_1031 = vector.extract_strided_slice %dot_general3A_1011 {offsets = [64, 0], sizes = [64, 512], strides = [1, 1]} : vector<128x512xf32> to vector<64x512xf32>
    %jit3A_1032 = arith.constant 0.000000e+00 : f32
    %broadcast_in_dim3A_1033 = vector.shape_cast %eq3A_1014 : vector<1x512xi1> to vector<1x512xi1>
    %broadcast_in_dim3A_1034 = vector.broadcast %broadcast_in_dim3A_1033 : vector<1x512xi1> to vector<64x512xi1>
    %broadcast_in_dim3A_1035 = vector.broadcast %jit3A_1032 : f32 to vector<64x512xf32>
    %select_n3A_1036 = arith.select %broadcast_in_dim3A_1034, %slice3A_1031, %broadcast_in_dim3A_1035 : vector<64x512xi1>, vector<64x512xf32>
    %reduce_sum3A_1037 = arith.constant dense<0.000000e+00> : vector<64xf32>
    %reduce_sum3A_1038 = vector.multi_reduction <add>, %select_n3A_1036, %reduce_sum3A_1037 [1] : vector<64x512xf32> to vector<64xf32>
    %broadcast_in_dim3A_1039 = vector.shape_cast %reduce_sum3A_1038 : vector<64xf32> to vector<64x1xf32>
    %add3A_1040 = arith.addf %broadcast_in_dim3A_1030, %broadcast_in_dim3A_1039 : vector<64x1xf32>
    %add3A_1041 = arith.addf %slice3A_1005, %slice3A_1012 : vector<64x512xf32>
    %add3A_1042 = vector.broadcast %broadcast_in_dim3A_1022 : vector<64x1xf32> to vector<64x512xf32>
    %add3A_1043 = arith.addf %add3A_1041, %add3A_1042 : vector<64x512xf32>
    %add3A_1044 = arith.addf %add3A_1043, %get3A_6 : vector<64x512xf32>
    %max3A_1045 = arith.constant 0.000000e+00 : f32
    %max3A_1046 = vector.broadcast %max3A_1045 : f32 to vector<64x1xf32>
    %max3A_1047 = arith.maximumf %add3A_1040, %max3A_1046 : vector<64x1xf32>
    %max3A_1048 = arith.constant 0.000000e+00 : f32
    %max3A_1049 = vector.broadcast %max3A_1048 : f32 to vector<64x512xf32>
    %max3A_1050 = arith.maximumf %add3A_1044, %max3A_1049 : vector<64x512xf32>
    %broadcast_in_dim3A_1051 = vector.shape_cast %eq3A_1014 : vector<1x512xi1> to vector<1x512xi1>
    %broadcast_in_dim3A_1052 = vector.broadcast %broadcast_in_dim3A_1051 : vector<1x512xi1> to vector<64x512xi1>
    %broadcast_in_dim3A_1053 = vector.shape_cast %max3A_1047 : vector<64x1xf32> to vector<64x1xf32>
    %broadcast_in_dim3A_1054 = vector.broadcast %broadcast_in_dim3A_1053 : vector<64x1xf32> to vector<64x512xf32>
    %select_n3A_1055 = arith.select %broadcast_in_dim3A_1052, %broadcast_in_dim3A_1054, %max3A_1050 : vector<64x512xi1>, vector<64x512xf32>
    %swap3A_1056 = arith.constant 13 : index
    %swap3A_1057 = arith.constant 0 : index
    %swap3A_1058 = arith.constant 0 : index
    %swap3A_1059 = vector.load %arg15[%swap3A_1056, %swap3A_1057, %swap3A_1058] : memref<16x64x512xf32, #tpu.memory_space<vmem>>, vector<1x64x512xf32>
    %swap3A_1060 = vector.shape_cast %swap3A_1059 : vector<1x64x512xf32> to vector<64x512xf32>
    %swap3A_1061 = vector.shape_cast %select_n3A_1055 : vector<64x512xf32> to vector<1x64x512xf32>
    tpu.vector_store %arg15[%swap3A_1056, %swap3A_1057, %swap3A_1058], %swap3A_1061 {strides = array<i32>} : memref<16x64x512xf32, #tpu.memory_space<vmem>>, vector<1x64x512xf32>,
    %mul3A_1062 = arith.constant 16 : i32
    %mul3A_1063 = arith.muli %arg0, %mul3A_1062 : i32
    %add3A_1064 = arith.constant 14 : i32
    %add3A_1065 = arith.addi %mul3A_1063, %add3A_1064 : i32
    %get3A_1066 = arith.constant 14 : index
    %get3A_1067 = arith.constant 0 : index
    %get3A_1068 = arith.constant 0 : index
    %get3A_1069 = vector.load %arg1[%get3A_1066, %get3A_1067, %get3A_1068] : memref<16x64x512xf32, #tpu.memory_space<vmem>>, vector<1x64x512xf32>
    %get3A_1070 = vector.shape_cast %get3A_1069 : vector<1x64x512xf32> to vector<64x512xf32>
    %convert_element_type3A_1071 = arith.truncf %get3A_1070 : vector<64x512xf32> to vector<64x512xbf16>
    %dot_general3A_1072 = arith.constant dense<0.000000e+00> : vector<128x512xf32>
    %dot_general3A_1073 = tpu.matmul %get3A_15, %convert_element_type3A_1071, %dot_general3A_1072 {dimension_numbers = #tpu.dot_dimension_numbers<[1], [0], [0], [1], [0, 0, 1, 1], [], []>, transpose_lhs_hint = false} : vector<128x64xbf16>, vector<64x512xbf16>, vector<128x512xf32> -> vector<128x512xf32>
    %slice3A_1074 = vector.extract_strided_slice %dot_general3A_1073 {offsets = [0, 0], sizes = [64, 512], strides = [1, 1]} : vector<128x512xf32> to vector<64x512xf32>
    %add3A_1075 = vector.broadcast %get3A_21 : vector<64x1xf32> to vector<64x512xf32>
    %add3A_1076 = arith.addf %slice3A_1074, %add3A_1075 : vector<64x512xf32>
    %max3A_1077 = arith.constant 0.000000e+00 : f32
    %max3A_1078 = vector.broadcast %max3A_1077 : f32 to vector<64x512xf32>
    %max3A_1079 = arith.maximumf %add3A_1076, %max3A_1078 : vector<64x512xf32>
    %slice3A_1080 = vector.extract_strided_slice %dot_general3A_1073 {offsets = [64, 0], sizes = [64, 512], strides = [1, 1]} : vector<128x512xf32> to vector<64x512xf32>
    %convert_element_type3A_1081 = arith.truncf %max3A_1079 : vector<64x512xf32> to vector<64x512xbf16>
    %dot_general3A_1082 = arith.constant dense<0.000000e+00> : vector<128x512xf32>
    %dot_general3A_1083 = tpu.matmul %get3A_18, %convert_element_type3A_1081, %dot_general3A_1082 {dimension_numbers = #tpu.dot_dimension_numbers<[1], [0], [0], [1], [0, 0, 1, 1], [], []>, transpose_lhs_hint = false} : vector<128x64xbf16>, vector<64x512xbf16>, vector<128x512xf32> -> vector<128x512xf32>
    %convert_element_type3A_1084 = arith.truncf %dot_general3A_1083 : vector<128x512xf32> to vector<128x512xbf16>
    %dot_general3A_1085 = arith.constant dense<0.000000e+00> : vector<128x512xf32>
    %dot_general3A_1086 = tpu.matmul %convert_element_type3A_1084, %get3A_3, %dot_general3A_1085 {dimension_numbers = #tpu.dot_dimension_numbers<[1], [0], [0], [1], [0, 0, 1, 1], [], []>, transpose_lhs_hint = false} : vector<128x512xbf16>, vector<512x512xbf16>, vector<128x512xf32> -> vector<128x512xf32>
    %slice3A_1087 = vector.extract_strided_slice %dot_general3A_1086 {offsets = [0, 0], sizes = [64, 512], strides = [1, 1]} : vector<128x512xf32> to vector<64x512xf32>
    %eq3A_1088 = vector.broadcast %add3A_1065 : i32 to vector<1x512xi32>
    %eq3A_1089 = arith.cmpi eq, %iota3A, %eq3A_1088 : vector<1x512xi32>
    %jit3A_1090 = arith.constant 0.000000e+00 : f32
    %broadcast_in_dim3A_1091 = vector.shape_cast %eq3A_1089 : vector<1x512xi1> to vector<1x512xi1>
    %broadcast_in_dim3A_1092 = vector.broadcast %broadcast_in_dim3A_1091 : vector<1x512xi1> to vector<64x512xi1>
    %broadcast_in_dim3A_1093 = vector.broadcast %jit3A_1090 : f32 to vector<64x512xf32>
    %select_n3A_1094 = arith.select %broadcast_in_dim3A_1092, %get3A_9, %broadcast_in_dim3A_1093 : vector<64x512xi1>, vector<64x512xf32>
    %reduce_sum3A_1095 = arith.constant dense<0.000000e+00> : vector<64xf32>
    %reduce_sum3A_1096 = vector.multi_reduction <add>, %select_n3A_1094, %reduce_sum3A_1095 [1] : vector<64x512xf32> to vector<64xf32>
    %broadcast_in_dim3A_1097 = vector.shape_cast %reduce_sum3A_1096 : vector<64xf32> to vector<64x1xf32>
    %jit3A_1098 = arith.constant 0.000000e+00 : f32
    %broadcast_in_dim3A_1099 = vector.shape_cast %eq3A_1089 : vector<1x512xi1> to vector<1x512xi1>
    %broadcast_in_dim3A_1100 = vector.broadcast %broadcast_in_dim3A_1099 : vector<1x512xi1> to vector<64x512xi1>
    %broadcast_in_dim3A_1101 = vector.broadcast %jit3A_1098 : f32 to vector<64x512xf32>
    %select_n3A_1102 = arith.select %broadcast_in_dim3A_1100, %get3A_12, %broadcast_in_dim3A_1101 : vector<64x512xi1>, vector<64x512xf32>
    %reduce_sum3A_1103 = arith.constant dense<0.000000e+00> : vector<64xf32>
    %reduce_sum3A_1104 = vector.multi_reduction <add>, %select_n3A_1102, %reduce_sum3A_1103 [1] : vector<64x512xf32> to vector<64xf32>
    %broadcast_in_dim3A_1105 = vector.shape_cast %reduce_sum3A_1104 : vector<64xf32> to vector<64x1xf32>
    %slice3A_1106 = vector.extract_strided_slice %dot_general3A_1086 {offsets = [64, 0], sizes = [64, 512], strides = [1, 1]} : vector<128x512xf32> to vector<64x512xf32>
    %jit3A_1107 = arith.constant 0.000000e+00 : f32
    %broadcast_in_dim3A_1108 = vector.shape_cast %eq3A_1089 : vector<1x512xi1> to vector<1x512xi1>
    %broadcast_in_dim3A_1109 = vector.broadcast %broadcast_in_dim3A_1108 : vector<1x512xi1> to vector<64x512xi1>
    %broadcast_in_dim3A_1110 = vector.broadcast %jit3A_1107 : f32 to vector<64x512xf32>
    %select_n3A_1111 = arith.select %broadcast_in_dim3A_1109, %slice3A_1106, %broadcast_in_dim3A_1110 : vector<64x512xi1>, vector<64x512xf32>
    %reduce_sum3A_1112 = arith.constant dense<0.000000e+00> : vector<64xf32>
    %reduce_sum3A_1113 = vector.multi_reduction <add>, %select_n3A_1111, %reduce_sum3A_1112 [1] : vector<64x512xf32> to vector<64xf32>
    %broadcast_in_dim3A_1114 = vector.shape_cast %reduce_sum3A_1113 : vector<64xf32> to vector<64x1xf32>
    %add3A_1115 = arith.addf %broadcast_in_dim3A_1105, %broadcast_in_dim3A_1114 : vector<64x1xf32>
    %add3A_1116 = arith.addf %slice3A_1080, %slice3A_1087 : vector<64x512xf32>
    %add3A_1117 = vector.broadcast %broadcast_in_dim3A_1097 : vector<64x1xf32> to vector<64x512xf32>
    %add3A_1118 = arith.addf %add3A_1116, %add3A_1117 : vector<64x512xf32>
    %add3A_1119 = arith.addf %add3A_1118, %get3A_6 : vector<64x512xf32>
    %max3A_1120 = arith.constant 0.000000e+00 : f32
    %max3A_1121 = vector.broadcast %max3A_1120 : f32 to vector<64x1xf32>
    %max3A_1122 = arith.maximumf %add3A_1115, %max3A_1121 : vector<64x1xf32>
    %max3A_1123 = arith.constant 0.000000e+00 : f32
    %max3A_1124 = vector.broadcast %max3A_1123 : f32 to vector<64x512xf32>
    %max3A_1125 = arith.maximumf %add3A_1119, %max3A_1124 : vector<64x512xf32>
    %broadcast_in_dim3A_1126 = vector.shape_cast %eq3A_1089 : vector<1x512xi1> to vector<1x512xi1>
    %broadcast_in_dim3A_1127 = vector.broadcast %broadcast_in_dim3A_1126 : vector<1x512xi1> to vector<64x512xi1>
    %broadcast_in_dim3A_1128 = vector.shape_cast %max3A_1122 : vector<64x1xf32> to vector<64x1xf32>
    %broadcast_in_dim3A_1129 = vector.broadcast %broadcast_in_dim3A_1128 : vector<64x1xf32> to vector<64x512xf32>
    %select_n3A_1130 = arith.select %broadcast_in_dim3A_1127, %broadcast_in_dim3A_1129, %max3A_1125 : vector<64x512xi1>, vector<64x512xf32>
    %swap3A_1131 = arith.constant 14 : index
    %swap3A_1132 = arith.constant 0 : index
    %swap3A_1133 = arith.constant 0 : index
    %swap3A_1134 = vector.load %arg15[%swap3A_1131, %swap3A_1132, %swap3A_1133] : memref<16x64x512xf32, #tpu.memory_space<vmem>>, vector<1x64x512xf32>
    %swap3A_1135 = vector.shape_cast %swap3A_1134 : vector<1x64x512xf32> to vector<64x512xf32>
    %swap3A_1136 = vector.shape_cast %select_n3A_1130 : vector<64x512xf32> to vector<1x64x512xf32>
    tpu.vector_store %arg15[%swap3A_1131, %swap3A_1132, %swap3A_1133], %swap3A_1136 {strides = array<i32>} : memref<16x64x512xf32, #tpu.memory_space<vmem>>, vector<1x64x512xf32>,
    %mul3A_1137 = arith.constant 16 : i32
    %mul3A_1138 = arith.muli %arg0, %mul3A_1137 : i32
    %add3A_1139 = arith.constant 15 : i32
    %add3A_1140 = arith.addi %mul3A_1138, %add3A_1139 : i32
    %get3A_1141 = arith.constant 15 : index
    %get3A_1142 = arith.constant 0 : index
    %get3A_1143 = arith.constant 0 : index
    %get3A_1144 = vector.load %arg1[%get3A_1141, %get3A_1142, %get3A_1143] : memref<16x64x512xf32, #tpu.memory_space<vmem>>, vector<1x64x512xf32>
    %get3A_1145 = vector.shape_cast %get3A_1144 : vector<1x64x512xf32> to vector<64x512xf32>
    %convert_element_type3A_1146 = arith.truncf %get3A_1145 : vector<64x512xf32> to vector<64x512xbf16>
    %dot_general3A_1147 = arith.constant dense<0.000000e+00> : vector<128x512xf32>
    %dot_general3A_1148 = tpu.matmul %get3A_15, %convert_element_type3A_1146, %dot_general3A_1147 {dimension_numbers = #tpu.dot_dimension_numbers<[1], [0], [0], [1], [0, 0, 1, 1], [], []>, transpose_lhs_hint = false} : vector<128x64xbf16>, vector<64x512xbf16>, vector<128x512xf32> -> vector<128x512xf32>
    %slice3A_1149 = vector.extract_strided_slice %dot_general3A_1148 {offsets = [0, 0], sizes = [64, 512], strides = [1, 1]} : vector<128x512xf32> to vector<64x512xf32>
    %add3A_1150 = vector.broadcast %get3A_21 : vector<64x1xf32> to vector<64x512xf32>
    %add3A_1151 = arith.addf %slice3A_1149, %add3A_1150 : vector<64x512xf32>
    %max3A_1152 = arith.constant 0.000000e+00 : f32
    %max3A_1153 = vector.broadcast %max3A_1152 : f32 to vector<64x512xf32>
    %max3A_1154 = arith.maximumf %add3A_1151, %max3A_1153 : vector<64x512xf32>
    %slice3A_1155 = vector.extract_strided_slice %dot_general3A_1148 {offsets = [64, 0], sizes = [64, 512], strides = [1, 1]} : vector<128x512xf32> to vector<64x512xf32>
    %convert_element_type3A_1156 = arith.truncf %max3A_1154 : vector<64x512xf32> to vector<64x512xbf16>
    %dot_general3A_1157 = arith.constant dense<0.000000e+00> : vector<128x512xf32>
    %dot_general3A_1158 = tpu.matmul %get3A_18, %convert_element_type3A_1156, %dot_general3A_1157 {dimension_numbers = #tpu.dot_dimension_numbers<[1], [0], [0], [1], [0, 0, 1, 1], [], []>, transpose_lhs_hint = false} : vector<128x64xbf16>, vector<64x512xbf16>, vector<128x512xf32> -> vector<128x512xf32>
    %convert_element_type3A_1159 = arith.truncf %dot_general3A_1158 : vector<128x512xf32> to vector<128x512xbf16>
    %dot_general3A_1160 = arith.constant dense<0.000000e+00> : vector<128x512xf32>
    %dot_general3A_1161 = tpu.matmul %convert_element_type3A_1159, %get3A_3, %dot_general3A_1160 {dimension_numbers = #tpu.dot_dimension_numbers<[1], [0], [0], [1], [0, 0, 1, 1], [], []>, transpose_lhs_hint = false} : vector<128x512xbf16>, vector<512x512xbf16>, vector<128x512xf32> -> vector<128x512xf32>
    %slice3A_1162 = vector.extract_strided_slice %dot_general3A_1161 {offsets = [0, 0], sizes = [64, 512], strides = [1, 1]} : vector<128x512xf32> to vector<64x512xf32>
    %eq3A_1163 = vector.broadcast %add3A_1140 : i32 to vector<1x512xi32>
    %eq3A_1164 = arith.cmpi eq, %iota3A, %eq3A_1163 : vector<1x512xi32>
    %jit3A_1165 = arith.constant 0.000000e+00 : f32
    %broadcast_in_dim3A_1166 = vector.shape_cast %eq3A_1164 : vector<1x512xi1> to vector<1x512xi1>
    %broadcast_in_dim3A_1167 = vector.broadcast %broadcast_in_dim3A_1166 : vector<1x512xi1> to vector<64x512xi1>
    %broadcast_in_dim3A_1168 = vector.broadcast %jit3A_1165 : f32 to vector<64x512xf32>
    %select_n3A_1169 = arith.select %broadcast_in_dim3A_1167, %get3A_9, %broadcast_in_dim3A_1168 : vector<64x512xi1>, vector<64x512xf32>
    %reduce_sum3A_1170 = arith.constant dense<0.000000e+00> : vector<64xf32>
    %reduce_sum3A_1171 = vector.multi_reduction <add>, %select_n3A_1169, %reduce_sum3A_1170 [1] : vector<64x512xf32> to vector<64xf32>
    %broadcast_in_dim3A_1172 = vector.shape_cast %reduce_sum3A_1171 : vector<64xf32> to vector<64x1xf32>
    %jit3A_1173 = arith.constant 0.000000e+00 : f32
    %broadcast_in_dim3A_1174 = vector.shape_cast %eq3A_1164 : vector<1x512xi1> to vector<1x512xi1>
    %broadcast_in_dim3A_1175 = vector.broadcast %broadcast_in_dim3A_1174 : vector<1x512xi1> to vector<64x512xi1>
    %broadcast_in_dim3A_1176 = vector.broadcast %jit3A_1173 : f32 to vector<64x512xf32>
    %select_n3A_1177 = arith.select %broadcast_in_dim3A_1175, %get3A_12, %broadcast_in_dim3A_1176 : vector<64x512xi1>, vector<64x512xf32>
    %reduce_sum3A_1178 = arith.constant dense<0.000000e+00> : vector<64xf32>
    %reduce_sum3A_1179 = vector.multi_reduction <add>, %select_n3A_1177, %reduce_sum3A_1178 [1] : vector<64x512xf32> to vector<64xf32>
    %broadcast_in_dim3A_1180 = vector.shape_cast %reduce_sum3A_1179 : vector<64xf32> to vector<64x1xf32>
    %slice3A_1181 = vector.extract_strided_slice %dot_general3A_1161 {offsets = [64, 0], sizes = [64, 512], strides = [1, 1]} : vector<128x512xf32> to vector<64x512xf32>
    %jit3A_1182 = arith.constant 0.000000e+00 : f32
    %broadcast_in_dim3A_1183 = vector.shape_cast %eq3A_1164 : vector<1x512xi1> to vector<1x512xi1>
    %broadcast_in_dim3A_1184 = vector.broadcast %broadcast_in_dim3A_1183 : vector<1x512xi1> to vector<64x512xi1>
    %broadcast_in_dim3A_1185 = vector.broadcast %jit3A_1182 : f32 to vector<64x512xf32>
    %select_n3A_1186 = arith.select %broadcast_in_dim3A_1184, %slice3A_1181, %broadcast_in_dim3A_1185 : vector<64x512xi1>, vector<64x512xf32>
    %reduce_sum3A_1187 = arith.constant dense<0.000000e+00> : vector<64xf32>
    %reduce_sum3A_1188 = vector.multi_reduction <add>, %select_n3A_1186, %reduce_sum3A_1187 [1] : vector<64x512xf32> to vector<64xf32>
    %broadcast_in_dim3A_1189 = vector.shape_cast %reduce_sum3A_1188 : vector<64xf32> to vector<64x1xf32>
    %add3A_1190 = arith.addf %broadcast_in_dim3A_1180, %broadcast_in_dim3A_1189 : vector<64x1xf32>
    %add3A_1191 = arith.addf %slice3A_1155, %slice3A_1162 : vector<64x512xf32>
    %add3A_1192 = vector.broadcast %broadcast_in_dim3A_1172 : vector<64x1xf32> to vector<64x512xf32>
    %add3A_1193 = arith.addf %add3A_1191, %add3A_1192 : vector<64x512xf32>
    %add3A_1194 = arith.addf %add3A_1193, %get3A_6 : vector<64x512xf32>
    %max3A_1195 = arith.constant 0.000000e+00 : f32
    %max3A_1196 = vector.broadcast %max3A_1195 : f32 to vector<64x1xf32>
    %max3A_1197 = arith.maximumf %add3A_1190, %max3A_1196 : vector<64x1xf32>
    %max3A_1198 = arith.constant 0.000000e+00 : f32
    %max3A_1199 = vector.broadcast %max3A_1198 : f32 to vector<64x512xf32>
    %max3A_1200 = arith.maximumf %add3A_1194, %max3A_1199 : vector<64x512xf32>
    %broadcast_in_dim3A_1201 = vector.shape_cast %eq3A_1164 : vector<1x512xi1> to vector<1x512xi1>
    %broadcast_in_dim3A_1202 = vector.broadcast %broadcast_in_dim3A_1201 : vector<1x512xi1> to vector<64x512xi1>
    %broadcast_in_dim3A_1203 = vector.shape_cast %max3A_1197 : vector<64x1xf32> to vector<64x1xf32>
    %broadcast_in_dim3A_1204 = vector.broadcast %broadcast_in_dim3A_1203 : vector<64x1xf32> to vector<64x512xf32>
    %select_n3A_1205 = arith.select %broadcast_in_dim3A_1202, %broadcast_in_dim3A_1204, %max3A_1200 : vector<64x512xi1>, vector<64x512xf32>
    %swap3A_1206 = arith.constant 15 : index
    %swap3A_1207 = arith.constant 0 : index
    %swap3A_1208 = arith.constant 0 : index
    %swap3A_1209 = vector.load %arg15[%swap3A_1206, %swap3A_1207, %swap3A_1208] : memref<16x64x512xf32, #tpu.memory_space<vmem>>, vector<1x64x512xf32>
    %swap3A_1210 = vector.shape_cast %swap3A_1209 : vector<1x64x512xf32> to vector<64x512xf32>
    %swap3A_1211 = vector.shape_cast %select_n3A_1205 : vector<64x512xf32> to vector<1x64x512xf32>
    tpu.vector_store %arg15[%swap3A_1206, %swap3A_1207, %swap3A_1208], %swap3A_1211 {strides = array<i32>} : memref<16x64x512xf32, #tpu.memory_space<vmem>>, vector<1x64x512xf32>,
    return
  }
  func.func @transform_0(%arg0: i32) -> (i32, i32, i32) {
    %c0_i32 = arith.constant 0 : i32
    %c0_i32_0 = arith.constant 0 : i32
    %c0_i32_1 = arith.constant 0 : i32
    return %arg0, %c0_i32, %c0_i32_0 : i32, i32, i32
  }
  func.func @transform_1(%arg0: i32) -> (i32, i32) {
    %c0_i32 = arith.constant 0 : i32
    %c0_i32_0 = arith.constant 0 : i32
    %c0_i32_1 = arith.constant 0 : i32
    return %c0_i32, %c0_i32_0 : i32, i32
  }
  func.func @transform_2(%arg0: i32) -> (i32, i32) {
    %c0_i32 = arith.constant 0 : i32
    %c0_i32_0 = arith.constant 0 : i32
    %c0_i32_1 = arith.constant 0 : i32
    return %c0_i32, %c0_i32_0 : i32, i32
  }
  func.func @transform_3(%arg0: i32) -> (i32, i32) {
    %c0_i32 = arith.constant 0 : i32
    %c0_i32_0 = arith.constant 0 : i32
    %c0_i32_1 = arith.constant 0 : i32
    return %c0_i32, %c0_i32_0 : i32, i32
  }
  func.func @transform_4(%arg0: i32) -> (i32, i32) {
    %c0_i32 = arith.constant 0 : i32
    %c0_i32_0 = arith.constant 0 : i32
    %c0_i32_1 = arith.constant 0 : i32
    return %c0_i32, %c0_i32_0 : i32, i32
  }
  func.func @transform_5(%arg0: i32) -> (i32, i32) {
    %c0_i32 = arith.constant 0 : i32
    %c0_i32_0 = arith.constant 0 : i32
    %c0_i32_1 = arith.constant 0 : i32
    return %c0_i32, %c0_i32_0 : i32, i32
  }
  func.func @transform_6(%arg0: i32) -> (i32, i32) {
    %c0_i32 = arith.constant 0 : i32
    %c0_i32_0 = arith.constant 0 : i32
    %c0_i32_1 = arith.constant 0 : i32
    return %c0_i32, %c0_i32_0 : i32, i32
  }
  func.func @transform_7(%arg0: i32) -> (i32, i32) {
    %c0_i32 = arith.constant 0 : i32
    %c0_i32_0 = arith.constant 0 : i32
    %c0_i32_1 = arith.constant 0 : i32
    return %c0_i32, %c0_i32_0 : i32, i32
  }
  func.func @transform_8(%arg0: i32) -> (i32, i32) {
    %c0_i32 = arith.constant 0 : i32
    %c0_i32_0 = arith.constant 0 : i32
    %c0_i32_1 = arith.constant 0 : i32
    return %c0_i32, %c0_i32_0 : i32, i32
  }
  func.func @transform_9(%arg0: i32) -> (i32, i32) {
    %c0_i32 = arith.constant 0 : i32
    %c0_i32_0 = arith.constant 0 : i32
    %c0_i32_1 = arith.constant 0 : i32
    return %c0_i32, %c0_i32_0 : i32, i32
  }
  func.func @transform_10(%arg0: i32) -> (i32, i32) {
    %c0_i32 = arith.constant 0 : i32
    %c0_i32_0 = arith.constant 0 : i32
    %c0_i32_1 = arith.constant 0 : i32
    return %c0_i32, %c0_i32_0 : i32, i32
  }
  func.func @transform_11(%arg0: i32) -> (i32, i32) {
    %c0_i32 = arith.constant 0 : i32
    %c0_i32_0 = arith.constant 0 : i32
    %c0_i32_1 = arith.constant 0 : i32
    return %c0_i32, %c0_i32_0 : i32, i32
  }
  func.func @transform_12(%arg0: i32) -> (i32, i32) {
    %c0_i32 = arith.constant 0 : i32
    %c0_i32_0 = arith.constant 0 : i32
    %c0_i32_1 = arith.constant 0 : i32
    return %c0_i32, %c0_i32_0 : i32, i32
  }
  func.func @transform_13(%arg0: i32) -> (i32, i32) {
    %c0_i32 = arith.constant 0 : i32
    %c0_i32_0 = arith.constant 0 : i32
    %c0_i32_1 = arith.constant 0 : i32
    return %c0_i32, %c0_i32_0 : i32, i32
  }
  func.func @transform_14(%arg0: i32) -> (i32, i32, i32) {
    %c0_i32 = arith.constant 0 : i32
    %c0_i32_0 = arith.constant 0 : i32
    %c0_i32_1 = arith.constant 0 : i32
    return %arg0, %c0_i32, %c0_i32_0 : i32, i32, i32
  }
}

</mosaic_0001>

<sc_bundles>
// kernel: kernel.5.cloned.1.call-start
scs
__scs_entry_jumppad:
0x0: {  	(pc) =	sbr.rel $0x88, $3  }
0x1: {  	(tag) =	ssettag $0x0;
	lr =	simm.s32 $0x1  }
0x2: {  	[smem:$0x3F97] =	sst lr;
	_ =	strace $0xD0000000  }
0x3: {  	_ = 	snop  }
0x4: {  	_ = 	snop  }
0x5: {  	_ = 	snop  }
0x6: {  	_ = 	snop  }
0x7: {  	_ = 	snop  }
__scs_overlays_trampoline_lowered:
0x8: {  	[smem:$0x3FA6] =	sst s0  }
0x9: {  	[smem:$0x3FA7] =	sst s1  }
0xa: {  	[smem:$0x3FA8] =	sst s2  }
0xb: {  	[smem:$0x3FA9] =	sst s3  }
0xc: {  	[smem:$0x3FAA] =	sst s4  }
0xd: {  	[smem:$0x3FAB] =	sst s5  }
0xe: {  	[smem:$0x3FAC] =	sst s6  }
0xf: {  	[smem:$0x3FAD] =	sst s7  }
0x10: {  	[smem:$0x3FAE] =	sst s8  }
0x11: {  	[smem:$0x3FAF] =	sst s9;
	s0 =	simm.s32 @!p0 $0x0  }
0x12: {  	s1 =	sld [smem:$0x3F95];
	s0 =	simm.s32 @p0 $0x1  }
0x13: {  	[smem:$0x3FB0] =	sst s0;
	s0 =	simm.s32 @!p1 $0x0  }
0x14: {  	s2 =	sld [smem:$0x3F94];
	s0 =	simm.s32 @p1 $0x1  }
0x15: {  	[smem:$0x3FB1] =	sst s0;
	s0 =	simm.s32 @!p2 $0x0  }
0x16: {  	s3 =	sld [smem:$0x3FDB];
	s0 =	simm.s32 @p2 $0x1  }
0x17: {  	s4 =	simm.s32 $0x1BF5;
	[smem:$0x3FB3] =	sst s0  }
0x18: {  	s0 =	sld [smem:$0x3F96];
	_ =	swait.ge [sflag:s4], $0x0  }
0x19: {  	s7 =	sld [smem:$0x3F97]  }
0x1a: {  	s8 =	sadd.s32 $0xFFFFE003, lr  }
0x1b: {  	s9 =	sadd.s32 $0xFFFFFEF7, lr;
	s5 =	simm.s32 $0xFFFFFFFF;
	p2 =	slt.u32 s8, $0xFFFFF086  }
0x1c: {  	p1 =	slt.u32 s9, $0xF7A;
	s5 =	simm.s32 @!p2 $0x0  }
0x1d: {  	s5 =	simm.s32 @p1 $0x1;
	p0 =	seq.s32 s7, s2  }
0x1e: {  	s7 =	smul.u32 @!p0 $0xF7A, s2;
	p2 =	seq.s32 @!p0 s5, $0x0  }
0x1f: {  	s9 =	smul.u32 $0xF7A, s1;
	s8 =	simm.s32 @!p0 $0x1BF5;
	p2 =	por !p2, p0  }
0x20: {  	[sflag:s8] =	ssyncset.s32 @!p0 $0xFFFFF086;
	s6 =	sadd.s32 @!p0 s3, s7;
	s7 =	simm.s32 @!p0 $0x108  }
0x21: {  	s3 =	sadd.s32 s3, s9;
	s6 =	sadd.s32 @!p0 $0x88, s6;
	s7 =	simm.s32 @p2 $0x1082  }
0x22: {  	[simem:s7], [sflag:s8] =	dma.local @!p0 [hbm:s6], $0xF7A  }
0x23: {  	s9 =	sor.u32 $0xD0000000, s2;
	s6 =	simm.s32 $0x108;
	_ =	swait.ge @!p0 [sflag:s8], $0x0  }
0x24: {  	s3 =	sadd.s32 $0x88, s3;
	s6 =	simm.s32 @!p1 $0x1082;
	[sflag:s4] =	ssyncset.s32 $0xFFFFF086  }
0x25: {  	[simem:s6], [sflag:s4] =	dma.local [hbm:s3], $0xF7A  }
0x26: {  	[smem:$0x3F97] =	sst s1;
	(tag) =	ssettag s2;
	_ =	strace s9  }
0x27: {  	s1 =	sld [smem:$0x3FA7]  }
0x28: {  	s2 =	sld [smem:$0x3FA8]  }
0x29: {  	s4 =	sld [smem:$0x3FAA]  }
0x2a: {  	p0 =	seq.s32 s5, $0x0;
	s5 =	sld [smem:$0x3FAB]  }
0x2b: {  	s6 =	sld [smem:$0x3FAC]  }
0x2c: {  	s7 =	sld [smem:$0x3FAD]  }
0x2d: {  	s3 =	simm.s32 $0x108;
	s8 =	sld [smem:$0x3FAE]  }
0x2e: {  	s3 =	simm.s32 @!p0 $0x1082;
	s9 =	sld [smem:$0x3FAF]  }
0x2f: {  	lr =	sadd.s32 s0, s3;
	s0 =	sld [smem:$0x3FA6]  }
0x30: {  	s3 =	sld [smem:$0x3FA9]  }
0x31: {  	[smem:$0x3FB2] =	sst s10  }
0x32: {  	s10 =	sld [smem:$0x3FB0];
	_ =	sdelay $0x3  }
0x33: {  	p0 =	seq.s32 s10, $0x1;
	s10 =	sld [smem:$0x3FB2];
	_ =	sdelay $0x3  }
0x34: {  	[smem:$0x3FB2] =	sst s10  }
0x35: {  	s10 =	sld [smem:$0x3FB1];
	_ =	sdelay $0x3  }
0x36: {  	p1 =	seq.s32 s10, $0x1;
	s10 =	sld [smem:$0x3FB2];
	_ =	sdelay $0x3  }
0x37: {  	[smem:$0x3FB2] =	sst s10  }
0x38: {  	s10 =	sld [smem:$0x3FB3]  }
0x39: {  	_ = 	snop;
	(pc) =	sbr.ind lr, $3  }
0x3a: {  	_ = 	snop  }
0x3b: {  	_ = 	snop  }
0x3c: {  	p2 =	seq.s32 s10, $0x1;
	s10 =	sld [smem:$0x3FB2]  }
0x3d: {  	_ =	shalt  }
0x3e: {  	_ =	shalt  }
0x3f: {  	_ =	shalt  }
0x40: {  	_ =	shalt  }
0x41: {  	_ =	shalt  }
0x42: {  	_ =	shalt  }
0x43: {  	_ =	shalt  }
0x44: {  	_ =	shalt  }
0x45: {  	_ =	shalt  }
0x46: {  	_ =	shalt  }
0x47: {  	_ =	shalt  }
0x48: {  	_ =	shalt  }
0x49: {  	_ =	shalt  }
0x4a: {  	_ =	shalt  }
0x4b: {  	_ =	shalt  }
0x4c: {  	_ =	shalt  }
0x4d: {  	_ =	shalt  }
0x4e: {  	_ =	shalt  }
0x4f: {  	_ =	shalt  }
0x50: {  	_ =	shalt  }
0x51: {  	_ =	shalt  }
0x52: {  	_ =	shalt  }
0x53: {  	_ =	shalt  }
0x54: {  	_ =	shalt  }
0x55: {  	_ =	shalt  }
0x56: {  	_ =	shalt  }
0x57: {  	_ =	shalt  }
0x58: {  	_ =	shalt  }
0x59: {  	_ =	shalt  }
0x5a: {  	_ =	shalt  }
0x5b: {  	_ =	shalt  }
0x5c: {  	_ =	shalt  }
0x5d: {  	_ =	shalt  }
0x5e: {  	_ =	shalt  }
0x5f: {  	_ =	shalt  }
0x60: {  	_ =	shalt  }
0x61: {  	_ =	shalt  }
0x62: {  	_ =	shalt  }
0x63: {  	_ =	shalt  }
0x64: {  	_ =	shalt  }
0x65: {  	_ =	shalt  }
0x66: {  	_ =	shalt  }
0x67: {  	_ =	shalt  }
0x68: {  	_ =	shalt  }
0x69: {  	_ =	shalt  }
0x6a: {  	_ =	shalt  }
0x6b: {  	_ =	shalt  }
0x6c: {  	_ =	shalt  }
0x6d: {  	_ =	shalt  }
0x6e: {  	_ =	shalt  }
0x6f: {  	_ =	shalt  }
0x70: {  	_ =	shalt  }
0x71: {  	_ =	shalt  }
0x72: {  	_ =	shalt  }
0x73: {  	_ =	shalt  }
0x74: {  	_ =	shalt  }
0x75: {  	_ =	shalt  }
0x76: {  	_ =	shalt  }
0x77: {  	_ =	shalt  }
0x78: {  	_ =	shalt  }
0x79: {  	_ =	shalt  }
0x7a: {  	_ =	shalt  }
0x7b: {  	_ =	shalt  }
0x7c: {  	_ =	shalt  }
0x7d: {  	_ =	shalt  }
0x7e: {  	_ =	shalt  }
0x7f: {  	_ =	shalt  }
0x80: {  	_ =	shalt  }
0x81: {  	_ =	shalt  }
0x82: {  	_ =	shalt  }
0x83: {  	_ =	shalt  }
0x84: {  	_ =	shalt  }
0x85: {  	_ =	shalt  }
0x86: {  	_ =	shalt  }
0x87: {  	_ =	shalt  }
.Lfunc_end0:
.L_simem_size_0:
called_computation_lowered:
.L_overlay_start_0:
0x88: {  	s2 =	sld [smem:$0x3FD9]  }
0x89: {  	s3 =	sld [smem:$0x3FFE];
	_ =	sdelay $0x1  }
0x8a: {  	s1 =	srdreg.scid  }
0x8b: {  	s0 =	sand.u32 $0x1, s1  }
0x8c: {  	s17 =	sshll.u32 s0, $0xA;
	s2 =	sadd.s32 s3, s2  }
0x8d: {  	s2 =	sadd.s32 s2, s17  }
0x8e: {  	[smem:$0x3FBE] =	sst s2  }
0x8f: {  	_ = 	snop  }
0x90: {  	s2 =	sld [smem:$0x3FD0];
	(tm) =	ssettm $0x1  }
0x91: {  	s18 =	sld [smem:$0x3FFB];
	_ =	sdelay $0x3  }
0x92: {  	_ =	strace s18  }
0x93: {  	s3 =	sld [smem:$0x3FFC];
	_ =	sdelay $0x3  }
0x94: {  	_ =	strace s3  }
0x95: {  	s3 =	sld [smem:$0x3FFD];
	_ =	sdelay $0x3  }
0x96: {  	_ =	strace s3  }
0x97: {  	_ =	strace $0x8FFFFFFF  }
0x98: {  	s19 =	sld [smem:$0x3FDB];
	_ =	sdelay $0x1  }
0x99: {  	s4 =	simm.s32 $_scs_section_size  }
0x9a: {  	s5 =	simm.s32 $_size__tile_overlayer_lowered;
	s6 =	simm.s32 $_tile_overlayer_lowered  }
0x9b: {  	s22 =	simm.s32 $0x1BFF;
	s21 =	sshll.u32 s6, $0x1;
	s3 =	sadd.s32 s4, s19  }
0x9c: {  	s7 =	simm.s32 $0x0;
	s20 =	sshll.u32 s5, $0x1;
	s5 =	sadd.s32 s21, s3  }
0x9d: {  	[timem:s7], [sflag:s22] =	dma.local [hbm:s5], s20  }
0x9e: {  	_ =	swait.ge [sflag:s22], s20  }
0x9f: {  	s4 =	ssub.s32 $0x0, s20;
	[sflag:s22] =	ssyncset.done $0x0  }
0xa0: {  	[sflag:s22] =	ssyncadd.s32 s4;
	_ =	sdelay $0x1  }
0xa1: {  	s23 =	simm.s32 $0x1B8B  }
0xa2: {  	_ =	swait.ge [sflag:s23], $0x1  }
0xa3: {  	[sflag:s23] =	ssyncset.done $0x0  }
0xa4: {  	s25 =	simm.s32 $0x1B8E;
	s24 =	sld [smem:$0x3FFE];
	[sflag:s23] =	ssyncadd.s32 $0xFFFFFFFF  }
0xa5: {  	s26 =	simm.s32 $execute0_lowered;
	[smem:$0x3FD2] =	sst s25  }
0xa6: {  	s5 =	sshll.u32 s26, $0x1;
	_ =	strace $0x80000046;
	[dreg:$0x1] =	wrdreg $0xFFFFFFFF  }
0xa7: {  	s28 =	simm.s32 $_size_execute0_lowered;
	s3 =	sadd.s32 s3, s5;
	[dreg:$0x0] =	wrdreg $0x0  }
0xa8: {  	s5 =	sshll.u32 s28, $0x1;
	[dreg:$0x2] =	wrdreg s3  }
0xa9: {  	[dreg:$0x3] =	wrdreg s5  }
0xaa: {  	[dreg:$0x4] =	wrdreg $0xC0  }
0xab: {  	_ =	task [dreg:s7], $0x5FFFF  }
0xac: {  	[dreg:$0x1] =	wrdreg $0xFFFFFFFF  }
0xad: {  	[dreg:$0x0] =	wrdreg $0x60  }
0xae: {  	[dreg:$0x2] =	wrdreg s24  }
0xaf: {  	[dreg:$0x3] =	wrdreg s2  }
0xb0: {  	[dreg:$0x4] =	wrdreg $0x9  }
0xb1: {  	_ =	task.clear_ibuf [dreg:s7], $0x5FFFF;
	_ =	strace $0x90000046  }
0xb2: {  	s29 =	simm.s32 $0x9;
	_ =	strace $0x80000048  }
0xb3: {  	_ =	swait.ge [sflag:s29], $0x1  }
0xb4: {  	[sflag:s29] =	ssyncadd.s32 $0xFFFFFFFF  }
0xb5: {  	_ =	strace $0x90000048  }
0xb6: {  	_ =	sfence  }
0xb7: {  	s30 =	sld [smem:$0x0];
	_ =	sdelay $0x2  }
0xb8: {  	s31 =	sshll.u32 s1, $0xD;
	s1 =	sshrl.u32 s1, $0x2  }
0xb9: {  	s3 =	sand.u32 $0x4000, s31;
	s1 =	sadd.s32 s1, s30  }
0xba: {  	s0 =	sor.u32 s3, s0;
	s1 =	sshll.u32 s1, $0x11  }
0xbb: {  	s0 =	sor.u32 s1, s0  }
0xbc: {  	s0 =	sadd.s32 $0x8F2B, s0  }
0xbd: {  	[sflag:s0] =	ssyncadd.remote.s32 $0x1  }
0xbe: {  	_ =	sfence.sel $0xFFFF  }
0xbf: {  	[dreg:$0x0] =	wrdreg $0xFFFFFFFF;
	(pc) =	sbr.abs _section_cstart, $3  }
0xc0: {  	[dreg:$0x1] =	wrdreg $0xFFFFFFFF  }
0xc1: {  	_ =	task.clear_ibuf [dreg:s7], $0x2FFFF;
	_ =	strace $0x9FFFFFFF  }
0xc2: {  	(tm) =	ssettm $0x7FFFFFFF  }
0xc3: {  	_ =	shalt  }
tec
execute0_lowered:
.L_overlay_start_1:
0x0: {  	(tag) =	ssettag $0x1  }
0x1: {  	s4 =	rddreg [dreg:$0x0]  }
0x2: {  	s5 =	rddreg [dreg:$0x1]  }
0x3: {  	s0 =	rddreg [dreg:$0x2];
	s1 =	simm.s32 $0x0  }
0x4: {  	s6 =	srdreg.scid;
	s2 =	stileid.u32;
	s10 =	simm.s32 $0x0  }
0x5: {  	[smem:$0x7FF] =	sst s1;
	s3 =	sadd.s32 $0x1600, s4;
	s6 =	sand.u32 $0x1, s6  }
0x6: {  	s8 =	sshll.u32 s2, $0x5;
	s7 =	ssub.s32 $0x2, s6;
	s6 =	sshll.u32 s6, $0x4  }
0x7: {  	s4 =	sadd.s32 $0xE00, s4;
	s9 =	sshrl.u32 s7, $0x1;
	s8 =	sor.u32 s6, s8  }
0x8: {  	_ =	strace $0x80000047;
	s29 =	ssub.s32 s7, s9;
	s30 =	sadd.s32 $0x10, s8  }
0x9: {  	s31 =	sshll.u32 s8, $0x6;
	s7 =	simm.s32 $0x1;
	v0 =	vmov s8;
	s8 =	simm.s32 $0x4000  }
0xa: {  	v2 =	vimm.f32 $0.0e+00;
	s9 =	simm.s32 $0x8000;
	s5 =	sadd.s32 s5, s31;
	s6 =	smax.u32 s29, $0x1;
	v1 =	vmov s30  }
.LBB2_1:
0xb: {  	[tilespmem:s1], [sflag:$0x1] =	stream.linear.gather [hbm4b:s3+s1], $0x4000, $0x38;
	[tilespmem:$0xA000] =	vst v63  }
0xc: {  	_ =	swait.ge [sflag:s7], $0x4000  }
0xd: {  	s11 =	simm.s32 $0x0;
	s12 =	sand.u32 $0xC00, s1;
	[sflag:s7] =	ssyncset.done $0x0  }
0xe: {  	s13 =	simm.s32 $0x0;
	s11 =	sand.u32 $0x1000, s11;
	[sflag:s7] =	ssyncadd.s32 $0xFFFFC000  }
0xf: {  	[tilespmem:s8], [sflag:$0x1] =	stream.linear.gather [hbm4b:s4+s1], $0x4000, $0x38;
	[tilespmem:$0xA000] =	vst v63  }
0x10: {  	s13 =	sand.u32 $0x380, s13;
	s11 =	sor.u32 s12, s11;
	_ =	swait.ge [sflag:s7], $0x4000  }
0x11: {  	s31 =	sand.u32 $0x70, s1;
	s11 =	sor.u32 s13, s11;
	[sflag:s7] =	ssyncset.done $0x0  }
0x12: {  	s12 =	sor.u32 s31, s11;
	[sflag:s7] =	ssyncadd.s32 $0xFFFFC000  }
0x13: {  	s13 =	simm.s32 $0x0;
	s11 =	simm.s32 $0x1;
	[tilespmem:s12+$0x8000] =	vst v2;
	s12 =	simm.s32 $0x80  }
.LBB2_2:
0x14: {  	s14 =	sshll.u32 s11, $0x4;
	p0 =	sne.s32 s11, $0x1FF  }
0x15: {  	s15 =	smov.u32 s11;
	s11 =	sadd.s32 $0x1, s11;
	s16 =	sand.u32 $0xC00, s12  }
.Ltmp0:
0x16: {  	s14 =	sand.u32 $0x1000, s14;
	s15 =	sshll.u32 s15, $0x2;
	(pc) =	sbr.rel @p0 .LBB2_2-.Ltmp0, $4  }
0x17: {  	s13 =	sadd.s32 $0x10, s13;
	s15 =	sand.u32 $0x380, s15;
	s14 =	sor.u32 s16, s14  }
0x18: {  	s16 =	sand.u32 $0x70, s13;
	s14 =	sor.u32 s15, s14  }
0x19: {  	s14 =	sor.u32 s16, s14  }
0x1a: {  	s12 =	sadd.s32 $0x80, s12;
	[tilespmem:s14+$0x8000] =	vst v2  }
0x1b: {  	s12 =	simm.s32 $0x0;
	s11 =	simm.s32 $0x40  }
.LBB2_4:
0x1c: {  	p0 =	sne.s32 s11, $0xFFC0;
	v3 =	vld [tilespmem:s12+$0x0];
	_ =	sdelay $0x2  }
0x1d: {  	v4 =	vld [tilespmem:s12+$0x4000];
	_ =	sdelay $0x1  }
0x1e: {  	vm0 =	vge.s32 v3, v0;
	vm1 =	vlt.s32 v3, v1  }
0x1f: {  	v3 =	vsub.s32 v3, v0;
	vm0 =	vmand vm0, vm1  }
0x20: {  	v3 =	vnsel vm0, $0x0, v3  }
0x21: {  	v4 =	vnsel vm0, $0x0, v4;
	v5 =	vshll.u32 v3, $0x9  }
0x22: {  	v6 =	vadd.s32 v4, v5  }
0x23: {  	(xrf1) =	vunique.msk.u32 vm0, v6;
	_ =	sdelay $0xb  }
0x24: {  	v8 =	vshll.u32 v4, $0x3  }
0x25: {  	v3 =	vshll.u32 v3, $0x7;
	v5 =	vand.u32 $0xFFFFF000, v5;
	v7 =	vand.u32 $0xFFFFFC00, v8  }
0x26: {  	v3 =	vand.u32 $0x380, v3;
	v5 =	vadd.s32 v7, v5;
	_, v6, vm1 =	vpop (xrf1)  }
0x27: {  	v4 =	vand.u32 $0x7F, v4;
	v3 =	vor.u32 v3, v5;
	vm0 =	vmand vm0, vm1  }
0x28: {  	v3 =	vor.u32 v4, v3  }
.Ltmp1:
0x29: {  	(pc) =	sbr.rel @p0 .LBB2_4-.Ltmp1, $3  }
0x2a: {  	_ = 	snop  }
0x2b: {  	v4 =	vcvt.s32.f32 v6;
	_ =	sdelay $0x1  }
0x2c: {  	s12 =	sshra.s32 s11, $0x2;
	s11 =	sadd.s32 $0x40, s11;
	[tilespmem:v3+s9+$0x0] =	vst.idx.add.f32.msk vm0, v4  }
0x2d: {  	v3 =	vld [tilespmem:s12+$0x0];
	_ =	sdelay $0x2  }
0x2e: {  	v4 =	vld [tilespmem:s12+$0x4000];
	_ =	sdelay $0x1  }
0x2f: {  	vm0 =	vge.s32 v3, v0;
	vm1 =	vlt.s32 v3, v1  }
0x30: {  	v3 =	vsub.s32 v3, v0;
	vm0 =	vmand vm0, vm1  }
0x31: {  	v3 =	vnsel vm0, $0x0, v3  }
0x32: {  	v4 =	vnsel vm0, $0x0, v4;
	v5 =	vshll.u32 v3, $0x9  }
0x33: {  	v6 =	vadd.s32 v4, v5  }
0x34: {  	(xrf1) =	vunique.msk.u32 vm0, v6;
	_ =	sdelay $0xb  }
0x35: {  	v61 =	vshll.u32 v4, $0x3  }
0x36: {  	v3 =	vshll.u32 v3, $0x7;
	v5 =	vand.u32 $0xFFFFF000, v5;
	v6 =	vand.u32 $0xFFFFFC00, v61  }
0x37: {  	v3 =	vand.u32 $0x380, v3;
	v5 =	vadd.s32 v6, v5;
	_, v62, vm15 =	vpop (xrf1)  }
0x38: {  	v4 =	vand.u32 $0x7F, v4;
	v3 =	vor.u32 v3, v5;
	vm0 =	vmand vm0, vm15  }
0x39: {  	v3 =	vor.u32 v4, v3;
	_ =	sdelay $0x2  }
0x3a: {  	s10 =	sadd.s32 $0x1, s10;
	v63 =	vcvt.s32.f32 v62  }
0x3b: {  	p0 =	sne.s32 s10, s6  }
.Ltmp2:
0x3c: {  	[tilespmem:v3+s9+$0x0] =	vst.idx.add.f32.msk vm0, v63;
	(pc) =	sbr.rel @p0 .LBB2_1-.Ltmp2, $4  }
0x3d: {  	[hbm4b:s5+s1] =	stream.linear.scatter [tilespmem:s9], [sflag:$0x1], $0x2000, $0x38;
	[tilespmem:$0xA000] =	vst v63  }
0x3e: {  	_ =	swait.ge [sflag:s7], $0x2000  }
0x3f: {  	[sflag:s7] =	ssyncset.done $0x0  }
0x40: {  	[sflag:s7] =	ssyncadd.s32 $0xFFFFE000  }
0x41: {  	_ =	sfence.sel $0x180000  }
0x42: {  	[bflag:$0x0] =	sbarrier.arrive $0xFFFF  }
0x43: {  	p0 =	sne.s32 s2, $0x0;
	_ =	strace $0x90000047  }
0x44: {  	s0 =	sadd.s32 @!p0 $0x100000, s0;
	[bflag:$0x2] =	sbarrier.arrive $0xFFFF  }
0x45: {  	[sflag:s0] =	ssyncadd.tile.s32 @!p0 $0x1;
	_ =	shalt  }
.Lfunc_end2:
_tile_overlayer_lowered:
.L_overlay_start_2:
0x46: {  	(tag) =	ssettag $0x2  }
0x47: {  	s0 =	rddreg [dreg:$0x0];
	s2 =	stileid.u32  }
0x48: {  	s1 =	rddreg [dreg:$0x1];
	p0 =	sne.s32 s2, $0x0  }
0x49: {  	s3 =	rddreg [dreg:$0x2];
	[bflag:$0x3] =	sbarrier.arrive $0xFFFF;
	s2 =	simm.s32 @!p0 $0x1C01  }
0x4a: {  	[timem:s3], [sflag:s2] =	dma.local @!p0 [hbm:s0], s1  }
0x4b: {  	s0 =	simm.s32 @!p0 $0x1  }
0x4c: {  	_ =	swait.ge @!p0 [sflag:s0], s1  }
0x4d: {  	s1 =	ssub.s32 @!p0 $0x0, s1;
	[sflag:s0] =	ssyncset.done @!p0 $0x0  }
0x4e: {  	[sflag:s0] =	ssyncadd.s32 @!p0 s1  }
0x4f: {  	[bflag:$0x3] =	sbarrier.arrive $0xFFFF  }
0x50: {  	_ =	shalt  }

</sc_bundles>
